<compile_context>
chip_gen: v7x
topology: tpu7x:2x2x1
jax: 0.10.2.dev20260603
libtpu: 0.0.44.dev20260713+nightly
codegen_flags: <defaults>
</compile_context>

<pallas_src>
import functools

import numpy as np
import jax
import jax.numpy as jnp
from jax import lax
from jax.experimental import pallas as pl
from jax.experimental.pallas import tpu as pltpu
from jax.experimental.pallas import tpu_sc as plsc

B = 4096
L = 200
D = 64
NW = 32
SEQ_PER_W = B // NW
SEQ_PER_CHUNK = 2
CHUNK = SEQ_PER_CHUNK * L
N_CHUNKS = SEQ_PER_W // SEQ_PER_CHUNK
PAIRS = N_CHUNKS // 2
SPLITS = ((0, 104), (104, 96))
LANES = 16


def _positional_encoding():
    pos = np.arange(L, dtype=np.float32)[:, None]
    div = np.exp(np.arange(0, D, 2, dtype=np.float32) * (-np.log(10000.0) / D))
    pe = np.zeros((L, D), dtype=np.float32)
    pe[:, 0::2] = np.sin(pos * div)
    pe[:, 1::2] = np.cos(pos * div)
    return jnp.asarray(pe)


@functools.partial(
    pl.kernel,
    mesh=plsc.VectorSubcoreMesh(core_axis_name="c", subcore_axis_name="s"),
    compiler_params=pltpu.CompilerParams(use_tc_tiling_on_sc=False),
    out_type=jax.ShapeDtypeStruct((B, L, D), jnp.float32),
    scratch_types=[
        pltpu.VMEM((SEQ_PER_W, L), jnp.int32),
        pltpu.VMEM((SEQ_PER_CHUNK, L, D), jnp.float32),
        pltpu.VMEM((SEQ_PER_CHUNK, L, D), jnp.float32),
        pltpu.VMEM((L, D), jnp.float32),
        pltpu.SemaphoreType.DMA,
        pltpu.SemaphoreType.DMA,
    ],
)
def _sc_embed(seq_hbm, pe_hbm, table_hbm, out_hbm,
              idx_v, rows0, rows1, pe_v, sg0, sg1):
    nc = lax.axis_size("c")
    wid = lax.axis_index("s") * nc + lax.axis_index("c")
    seq0 = wid * SEQ_PER_W
    pltpu.sync_copy(pe_hbm, pe_v)
    pltpu.sync_copy(seq_hbm.at[pl.ds(seq0, SEQ_PER_W)], idx_v)

    def issue_gather(c, rows_ref, sem):
        for s in range(SEQ_PER_CHUNK):
            for off, n in SPLITS:
                pltpu.async_copy(
                    table_hbm.at[idx_v.at[c * SEQ_PER_CHUNK + s, pl.ds(off, n)]],
                    rows_ref.at[s, pl.ds(off, n)],
                    sem,
                )

    def wait_gather(rows_ref, sem):
        pltpu.make_async_copy(
            out_hbm.at[pl.ds(0, SEQ_PER_CHUNK)], rows_ref, sem
        ).wait()

    def compute(rows_ref):
        def row_body(r, carry):
            for dd in range(D // LANES):
                sl = pl.ds(dd * LANES, LANES)
                pe_vec = pe_v[r, sl]
                for s in range(SEQ_PER_CHUNK):
                    rows_ref[s, r, sl] += pe_vec
            return carry

        lax.fori_loop(0, L, row_body, 0, unroll=8)

    def step(c, buf, nbuf, sem, nsem):
        issue_gather(lax.min(c + 1, N_CHUNKS - 1), nbuf, nsem)
        wait_gather(buf, sem)
        compute(buf)
        pltpu.sync_copy(
            buf, out_hbm.at[pl.ds(seq0 + c * SEQ_PER_CHUNK, SEQ_PER_CHUNK)]
        )

    issue_gather(0, rows0, sg0)

    def pair_body(g, carry):
        step(2 * g, rows0, rows1, sg0, sg1)
        step(2 * g + 1, rows1, rows0, sg1, sg0)
        return carry

    lax.fori_loop(0, PAIRS, pair_body, 0)
    wait_gather(rows0, sg0)


def kernel(sequence, table):
    assert sequence.shape == (B, L), sequence.shape
    assert table.shape[1] == D, table.shape
    pe = _positional_encoding()
    return _sc_embed(sequence.astype(jnp.int32), pe, table)

# --- scband reference (transcript-rebuilt; emitter-appended) ---
"""Pipeline reference for scband-event-embedding-81844896792592 (READ-ONLY COPY).

The authoritative reference and input builder live on the scoring server;
editing this copy changes nothing except your own understanding.
"""

import jax, jax.numpy as jnp
import numpy as np

TYPE_SIZE = 100000
EMBED_SIZE = 64
BATCH = 4096
SEQ_LEN = 200


def positional_encoding(seq_len, d_model):
    pos = jnp.arange(seq_len, dtype=jnp.float32)[:, None]
    div = jnp.exp(jnp.arange(0, d_model, 2, dtype=jnp.float32) * (-np.log(10000.0) / d_model))
    pe = jnp.zeros((seq_len, d_model), dtype=jnp.float32)
    pe = pe.at[:, 0::2].set(jnp.sin(pos * div))
    pe = pe.at[:, 1::2].set(jnp.cos(pos * div))
    return pe


def setup_inputs(seed: int = 0) -> dict:
    key = jax.random.key(seed)
    k1, k2 = jax.random.split(key)
    sequence = jax.random.randint(k1, (BATCH, SEQ_LEN), 0, TYPE_SIZE + 1, dtype=jnp.int64 if jax.config.jax_enable_x64 else jnp.int32)
    table = jax.random.normal(k2, (TYPE_SIZE + 1, EMBED_SIZE), dtype=jnp.float32) * 0.02
    return {"sequence": sequence, "table": table}


def reference(sequence, table):
    # type embedding lookup
    type_emb = jnp.take(table, sequence, axis=0)  # [B, L, D]
    # positional embedding (sin/cos), broadcast over batch
    pe = positional_encoding(sequence.shape[1], table.shape[1])  # [L, D]
    x = type_emb + pe[None, :, :]
    # dropout is identity in eval mode
    return x

if __name__ == "__main__":
    import jax
    _d = setup_inputs()
    print(jax.jit(kernel)(*tuple(_d.values())))

</pallas_src>

<mosaic_0001>
#map = affine_map<(d0, d1) -> (0, 0)>
#map1 = affine_map<(d0, d1) -> (0, 0, 0)>
module attributes {stable_mosaic.version = 14 : i64} {
  func.func @_sc_embed(%arg0: i32, %arg1: i32, %arg2: memref<4096x200xi32, #tpu.memory_space<hbm>>, %arg3: memref<200x64xf32, #tpu.memory_space<hbm>>, %arg4: memref<100001x64xf32, #tpu.memory_space<hbm>>, %arg5: memref<4096x200x64xf32, #tpu.memory_space<hbm>>, %arg6: memref<128x200xi32, #tpu.memory_space<vmem>>, %arg7: memref<2x200x64xf32, #tpu.memory_space<vmem>>, %arg8: memref<2x200x64xf32, #tpu.memory_space<vmem>>, %arg9: memref<200x64xf32, #tpu.memory_space<vmem>>, %arg10: memref<!tpu.dma_semaphore, #tpu.memory_space<semaphore_mem>>, %arg11: memref<!tpu.dma_semaphore, #tpu.memory_space<semaphore_mem>>) attributes {dimension_semantics = [#tpu.dimension_semantics<core_parallel>, #tpu.dimension_semantics<subcore_parallel>], iteration_bounds = array<i64: 2, 16>, scalar_prefetch = 0 : i64, scratch_operands = 6 : i64, tpu.core_type = #tpu.core_type<sc_vector_subcore>, window_params = [{transform_indices = #map}, {transform_indices = #map}, {transform_indices = #map}, {transform_indices = #map1}]} {
    %mul3A = arith.constant 2 : i32
    %mul3A_0 = arith.muli %arg1, %mul3A : i32
    %add3A = arith.addi %mul3A_0, %arg0 : i32
    %mul3A_1 = arith.constant 128 : i32
    %mul3A_2 = arith.muli %add3A, %mul3A_1 : i32
    "tpu.region"() ({
      %run_scoped3A = tpu.sem_alloc : memref<!tpu.dma_semaphore, #tpu.memory_space<semaphore_mem>>
      tpu.enqueue_dma source(%arg3 : memref<200x64xf32, #tpu.memory_space<hbm>>) target(%arg9 : memref<200x64xf32, #tpu.memory_space<vmem>>) target_semaphore(%run_scoped3A : memref<!tpu.dma_semaphore, #tpu.memory_space<semaphore_mem>>)
      tpu.wait_dma2 semaphore(%run_scoped3A : memref<!tpu.dma_semaphore, #tpu.memory_space<semaphore_mem>>) src(%arg3 : memref<200x64xf32, #tpu.memory_space<hbm>>) dst(%arg9 : memref<200x64xf32, #tpu.memory_space<vmem>>)
      tpu.yield
    }) : () -> ()
    "tpu.region"() ({
      %run_scoped3A = tpu.sem_alloc : memref<!tpu.dma_semaphore, #tpu.memory_space<semaphore_mem>>
      %dma_start3A_62 = arith.constant 0 : i32
      %dma_start3A_63 = tpu.memref_slice %arg2[%mul3A_2, %dma_start3A_62] : memref<4096x200xi32, #tpu.memory_space<hbm>> -> memref<128x200xi32, #tpu.memory_space<hbm>>
      %dma_start3A_64 = arith.constant 0 : i32
      %dma_start3A_65 = tpu.memref_slice %arg2[%mul3A_2, %dma_start3A_64] : memref<4096x200xi32, #tpu.memory_space<hbm>> -> memref<128x200xi32, #tpu.memory_space<hbm>>
      tpu.enqueue_dma source(%dma_start3A_65 : memref<128x200xi32, #tpu.memory_space<hbm>>) target(%arg6 : memref<128x200xi32, #tpu.memory_space<vmem>>) target_semaphore(%run_scoped3A : memref<!tpu.dma_semaphore, #tpu.memory_space<semaphore_mem>>)
      %dma_wait3A_66 = arith.constant 0 : i32
      %dma_wait3A_67 = tpu.memref_slice %arg2[%mul3A_2, %dma_wait3A_66] : memref<4096x200xi32, #tpu.memory_space<hbm>> -> memref<128x200xi32, #tpu.memory_space<hbm>>
      %dma_wait3A_68 = arith.constant 0 : i32
      %dma_wait3A_69 = tpu.memref_slice %arg2[%mul3A_2, %dma_wait3A_68] : memref<4096x200xi32, #tpu.memory_space<hbm>> -> memref<128x200xi32, #tpu.memory_space<hbm>>
      tpu.wait_dma2 semaphore(%run_scoped3A : memref<!tpu.dma_semaphore, #tpu.memory_space<semaphore_mem>>) src(%dma_wait3A_69 : memref<128x200xi32, #tpu.memory_space<hbm>>) dst(%arg6 : memref<128x200xi32, #tpu.memory_space<vmem>>)
      tpu.yield
    }) : () -> ()
    %dma_start3A = arith.constant 0 : i32
    %dma_start3A_3 = arith.constant 0 : i32
    %dma_start3A_4 = arith.constant 0 : i32
    %dma_start3A_5 = arith.constant 0 : i32
    %dma_start3A_6 = tpu.memref_slice %arg7[%dma_start3A_3, %dma_start3A_4, %dma_start3A_5] : memref<2x200x64xf32, #tpu.memory_space<vmem>> -> memref<1x104x64xf32, #tpu.memory_space<vmem>>
    %dma_start3A_7 = tpu.memref_squeeze %dma_start3A_6 : memref<1x104x64xf32, #tpu.memory_space<vmem>> -> memref<104x64xf32, #tpu.memory_space<vmem>>
    %dma_start3A_8 = arith.constant 0 : i32
    %dma_start3A_9 = tpu.memref_slice %arg6[%dma_start3A, %dma_start3A_8] : memref<128x200xi32, #tpu.memory_space<vmem>> -> memref<1x104xi32, #tpu.memory_space<vmem>>
    %dma_start3A_10 = tpu.memref_squeeze %dma_start3A_9 : memref<1x104xi32, #tpu.memory_space<vmem>> -> memref<104xi32, #tpu.memory_space<vmem>>
    %dma_start3A_11 = arith.constant 0 : i32
    %dma_start3A_12 = arith.constant 0 : i32
    %dma_start3A_13 = tpu.memref_slice %arg4[%dma_start3A_11, %dma_start3A_12] : memref<100001x64xf32, #tpu.memory_space<hbm>> -> memref<100001x64xf32, #tpu.memory_space<hbm>>
    tpu.enqueue_indirect_dma source(%dma_start3A_13 : memref<100001x64xf32, #tpu.memory_space<hbm>>) target(%dma_start3A_7 : memref<104x64xf32, #tpu.memory_space<vmem>>) offsets(%dma_start3A_10 : memref<104xi32, #tpu.memory_space<vmem>>) semaphore(%arg10 : memref<!tpu.dma_semaphore, #tpu.memory_space<semaphore_mem>>)
    %dma_start3A_14 = arith.constant 0 : i32
    %dma_start3A_15 = arith.constant 0 : i32
    %dma_start3A_16 = arith.constant 104 : i32
    %dma_start3A_17 = arith.constant 0 : i32
    %dma_start3A_18 = tpu.memref_slice %arg7[%dma_start3A_15, %dma_start3A_16, %dma_start3A_17] : memref<2x200x64xf32, #tpu.memory_space<vmem>> -> memref<1x96x64xf32, #tpu.memory_space<vmem>>
    %dma_start3A_19 = tpu.memref_squeeze %dma_start3A_18 : memref<1x96x64xf32, #tpu.memory_space<vmem>> -> memref<96x64xf32, #tpu.memory_space<vmem>>
    %dma_start3A_20 = arith.constant 104 : i32
    %dma_start3A_21 = tpu.memref_slice %arg6[%dma_start3A_14, %dma_start3A_20] : memref<128x200xi32, #tpu.memory_space<vmem>> -> memref<1x96xi32, #tpu.memory_space<vmem>>
    %dma_start3A_22 = tpu.memref_squeeze %dma_start3A_21 : memref<1x96xi32, #tpu.memory_space<vmem>> -> memref<96xi32, #tpu.memory_space<vmem>>
    %dma_start3A_23 = arith.constant 0 : i32
    %dma_start3A_24 = arith.constant 0 : i32
    %dma_start3A_25 = tpu.memref_slice %arg4[%dma_start3A_23, %dma_start3A_24] : memref<100001x64xf32, #tpu.memory_space<hbm>> -> memref<100001x64xf32, #tpu.memory_space<hbm>>
    tpu.enqueue_indirect_dma source(%dma_start3A_25 : memref<100001x64xf32, #tpu.memory_space<hbm>>) target(%dma_start3A_19 : memref<96x64xf32, #tpu.memory_space<vmem>>) offsets(%dma_start3A_22 : memref<96xi32, #tpu.memory_space<vmem>>) semaphore(%arg10 : memref<!tpu.dma_semaphore, #tpu.memory_space<semaphore_mem>>)
    %dma_start3A_26 = arith.constant 1 : i32
    %dma_start3A_27 = arith.constant 1 : i32
    %dma_start3A_28 = arith.constant 0 : i32
    %dma_start3A_29 = arith.constant 0 : i32
    %dma_start3A_30 = tpu.memref_slice %arg7[%dma_start3A_27, %dma_start3A_28, %dma_start3A_29] : memref<2x200x64xf32, #tpu.memory_space<vmem>> -> memref<1x104x64xf32, #tpu.memory_space<vmem>>
    %dma_start3A_31 = tpu.memref_squeeze %dma_start3A_30 : memref<1x104x64xf32, #tpu.memory_space<vmem>> -> memref<104x64xf32, #tpu.memory_space<vmem>>
    %dma_start3A_32 = arith.constant 0 : i32
    %dma_start3A_33 = tpu.memref_slice %arg6[%dma_start3A_26, %dma_start3A_32] : memref<128x200xi32, #tpu.memory_space<vmem>> -> memref<1x104xi32, #tpu.memory_space<vmem>>
    %dma_start3A_34 = tpu.memref_squeeze %dma_start3A_33 : memref<1x104xi32, #tpu.memory_space<vmem>> -> memref<104xi32, #tpu.memory_space<vmem>>
    %dma_start3A_35 = arith.constant 0 : i32
    %dma_start3A_36 = arith.constant 0 : i32
    %dma_start3A_37 = tpu.memref_slice %arg4[%dma_start3A_35, %dma_start3A_36] : memref<100001x64xf32, #tpu.memory_space<hbm>> -> memref<100001x64xf32, #tpu.memory_space<hbm>>
    tpu.enqueue_indirect_dma source(%dma_start3A_37 : memref<100001x64xf32, #tpu.memory_space<hbm>>) target(%dma_start3A_31 : memref<104x64xf32, #tpu.memory_space<vmem>>) offsets(%dma_start3A_34 : memref<104xi32, #tpu.memory_space<vmem>>) semaphore(%arg10 : memref<!tpu.dma_semaphore, #tpu.memory_space<semaphore_mem>>)
    %dma_start3A_38 = arith.constant 1 : i32
    %dma_start3A_39 = arith.constant 1 : i32
    %dma_start3A_40 = arith.constant 104 : i32
    %dma_start3A_41 = arith.constant 0 : i32
    %dma_start3A_42 = tpu.memref_slice %arg7[%dma_start3A_39, %dma_start3A_40, %dma_start3A_41] : memref<2x200x64xf32, #tpu.memory_space<vmem>> -> memref<1x96x64xf32, #tpu.memory_space<vmem>>
    %dma_start3A_43 = tpu.memref_squeeze %dma_start3A_42 : memref<1x96x64xf32, #tpu.memory_space<vmem>> -> memref<96x64xf32, #tpu.memory_space<vmem>>
    %dma_start3A_44 = arith.constant 104 : i32
    %dma_start3A_45 = tpu.memref_slice %arg6[%dma_start3A_38, %dma_start3A_44] : memref<128x200xi32, #tpu.memory_space<vmem>> -> memref<1x96xi32, #tpu.memory_space<vmem>>
    %dma_start3A_46 = tpu.memref_squeeze %dma_start3A_45 : memref<1x96xi32, #tpu.memory_space<vmem>> -> memref<96xi32, #tpu.memory_space<vmem>>
    %dma_start3A_47 = arith.constant 0 : i32
    %dma_start3A_48 = arith.constant 0 : i32
    %dma_start3A_49 = tpu.memref_slice %arg4[%dma_start3A_47, %dma_start3A_48] : memref<100001x64xf32, #tpu.memory_space<hbm>> -> memref<100001x64xf32, #tpu.memory_space<hbm>>
    tpu.enqueue_indirect_dma source(%dma_start3A_49 : memref<100001x64xf32, #tpu.memory_space<hbm>>) target(%dma_start3A_43 : memref<96x64xf32, #tpu.memory_space<vmem>>) offsets(%dma_start3A_46 : memref<96xi32, #tpu.memory_space<vmem>>) semaphore(%arg10 : memref<!tpu.dma_semaphore, #tpu.memory_space<semaphore_mem>>)
    %scan3A = arith.constant 0 : i32
    %scan3A_50 = arith.constant 0 : i32
    %scan3A_51 = arith.constant 32 : i32
    %scan3A_52 = arith.addi %scan3A_50, %scan3A_51 : i32
    %scan3A_53 = arith.constant 1 : i32
    scf.for %scan3A_62 = %scan3A_50 to %scan3A_52 step %scan3A_53  : i32 {
      %mul3A_63 = arith.constant 2 : i32
      %mul3A_64 = arith.muli %mul3A_63, %scan3A_62 : i32
      %add3A_65 = arith.constant 1 : i32
      %add3A_66 = arith.addi %mul3A_64, %add3A_65 : i32
      %min3A = arith.constant 63 : i32
      %min3A_67 = arith.minsi %add3A_66, %min3A : i32
      %mul3A_68 = arith.constant 2 : i32
      %mul3A_69 = arith.muli %min3A_67, %mul3A_68 : i32
      %add3A_70 = arith.constant 0 : i32
      %add3A_71 = arith.addi %mul3A_69, %add3A_70 : i32
      %dma_start3A_72 = arith.constant 0 : i32
      %dma_start3A_73 = arith.constant 0 : i32
      %dma_start3A_74 = arith.constant 0 : i32
      %dma_start3A_75 = tpu.memref_slice %arg8[%dma_start3A_72, %dma_start3A_73, %dma_start3A_74] : memref<2x200x64xf32, #tpu.memory_space<vmem>> -> memref<1x104x64xf32, #tpu.memory_space<vmem>>
      %dma_start3A_76 = tpu.memref_squeeze %dma_start3A_75 : memref<1x104x64xf32, #tpu.memory_space<vmem>> -> memref<104x64xf32, #tpu.memory_space<vmem>>
      %dma_start3A_77 = arith.constant 0 : i32
      %dma_start3A_78 = tpu.memref_slice %arg6[%add3A_71, %dma_start3A_77] : memref<128x200xi32, #tpu.memory_space<vmem>> -> memref<1x104xi32, #tpu.memory_space<vmem>>
      %dma_start3A_79 = tpu.memref_squeeze %dma_start3A_78 : memref<1x104xi32, #tpu.memory_space<vmem>> -> memref<104xi32, #tpu.memory_space<vmem>>
      %dma_start3A_80 = arith.constant 0 : i32
      %dma_start3A_81 = arith.constant 0 : i32
      %dma_start3A_82 = tpu.memref_slice %arg4[%dma_start3A_80, %dma_start3A_81] : memref<100001x64xf32, #tpu.memory_space<hbm>> -> memref<100001x64xf32, #tpu.memory_space<hbm>>
      tpu.enqueue_indirect_dma source(%dma_start3A_82 : memref<100001x64xf32, #tpu.memory_space<hbm>>) target(%dma_start3A_76 : memref<104x64xf32, #tpu.memory_space<vmem>>) offsets(%dma_start3A_79 : memref<104xi32, #tpu.memory_space<vmem>>) semaphore(%arg11 : memref<!tpu.dma_semaphore, #tpu.memory_space<semaphore_mem>>)
      %mul3A_83 = arith.constant 2 : i32
      %mul3A_84 = arith.muli %min3A_67, %mul3A_83 : i32
      %add3A_85 = arith.constant 0 : i32
      %add3A_86 = arith.addi %mul3A_84, %add3A_85 : i32
      %dma_start3A_87 = arith.constant 0 : i32
      %dma_start3A_88 = arith.constant 104 : i32
      %dma_start3A_89 = arith.constant 0 : i32
      %dma_start3A_90 = tpu.memref_slice %arg8[%dma_start3A_87, %dma_start3A_88, %dma_start3A_89] : memref<2x200x64xf32, #tpu.memory_space<vmem>> -> memref<1x96x64xf32, #tpu.memory_space<vmem>>
      %dma_start3A_91 = tpu.memref_squeeze %dma_start3A_90 : memref<1x96x64xf32, #tpu.memory_space<vmem>> -> memref<96x64xf32, #tpu.memory_space<vmem>>
      %dma_start3A_92 = arith.constant 104 : i32
      %dma_start3A_93 = tpu.memref_slice %arg6[%add3A_86, %dma_start3A_92] : memref<128x200xi32, #tpu.memory_space<vmem>> -> memref<1x96xi32, #tpu.memory_space<vmem>>
      %dma_start3A_94 = tpu.memref_squeeze %dma_start3A_93 : memref<1x96xi32, #tpu.memory_space<vmem>> -> memref<96xi32, #tpu.memory_space<vmem>>
      %dma_start3A_95 = arith.constant 0 : i32
      %dma_start3A_96 = arith.constant 0 : i32
      %dma_start3A_97 = tpu.memref_slice %arg4[%dma_start3A_95, %dma_start3A_96] : memref<100001x64xf32, #tpu.memory_space<hbm>> -> memref<100001x64xf32, #tpu.memory_space<hbm>>
      tpu.enqueue_indirect_dma source(%dma_start3A_97 : memref<100001x64xf32, #tpu.memory_space<hbm>>) target(%dma_start3A_91 : memref<96x64xf32, #tpu.memory_space<vmem>>) offsets(%dma_start3A_94 : memref<96xi32, #tpu.memory_space<vmem>>) semaphore(%arg11 : memref<!tpu.dma_semaphore, #tpu.memory_space<semaphore_mem>>)
      %mul3A_98 = arith.constant 2 : i32
      %mul3A_99 = arith.muli %min3A_67, %mul3A_98 : i32
      %add3A_100 = arith.constant 1 : i32
      %add3A_101 = arith.addi %mul3A_99, %add3A_100 : i32
      %dma_start3A_102 = arith.constant 1 : i32
      %dma_start3A_103 = arith.constant 0 : i32
      %dma_start3A_104 = arith.constant 0 : i32
      %dma_start3A_105 = tpu.memref_slice %arg8[%dma_start3A_102, %dma_start3A_103, %dma_start3A_104] : memref<2x200x64xf32, #tpu.memory_space<vmem>> -> memref<1x104x64xf32, #tpu.memory_space<vmem>>
      %dma_start3A_106 = tpu.memref_squeeze %dma_start3A_105 : memref<1x104x64xf32, #tpu.memory_space<vmem>> -> memref<104x64xf32, #tpu.memory_space<vmem>>
      %dma_start3A_107 = arith.constant 0 : i32
      %dma_start3A_108 = tpu.memref_slice %arg6[%add3A_101, %dma_start3A_107] : memref<128x200xi32, #tpu.memory_space<vmem>> -> memref<1x104xi32, #tpu.memory_space<vmem>>
      %dma_start3A_109 = tpu.memref_squeeze %dma_start3A_108 : memref<1x104xi32, #tpu.memory_space<vmem>> -> memref<104xi32, #tpu.memory_space<vmem>>
      %dma_start3A_110 = arith.constant 0 : i32
      %dma_start3A_111 = arith.constant 0 : i32
      %dma_start3A_112 = tpu.memref_slice %arg4[%dma_start3A_110, %dma_start3A_111] : memref<100001x64xf32, #tpu.memory_space<hbm>> -> memref<100001x64xf32, #tpu.memory_space<hbm>>
      tpu.enqueue_indirect_dma source(%dma_start3A_112 : memref<100001x64xf32, #tpu.memory_space<hbm>>) target(%dma_start3A_106 : memref<104x64xf32, #tpu.memory_space<vmem>>) offsets(%dma_start3A_109 : memref<104xi32, #tpu.memory_space<vmem>>) semaphore(%arg11 : memref<!tpu.dma_semaphore, #tpu.memory_space<semaphore_mem>>)
      %mul3A_113 = arith.constant 2 : i32
      %mul3A_114 = arith.muli %min3A_67, %mul3A_113 : i32
      %add3A_115 = arith.constant 1 : i32
      %add3A_116 = arith.addi %mul3A_114, %add3A_115 : i32
      %dma_start3A_117 = arith.constant 1 : i32
      %dma_start3A_118 = arith.constant 104 : i32
      %dma_start3A_119 = arith.constant 0 : i32
      %dma_start3A_120 = tpu.memref_slice %arg8[%dma_start3A_117, %dma_start3A_118, %dma_start3A_119] : memref<2x200x64xf32, #tpu.memory_space<vmem>> -> memref<1x96x64xf32, #tpu.memory_space<vmem>>
      %dma_start3A_121 = tpu.memref_squeeze %dma_start3A_120 : memref<1x96x64xf32, #tpu.memory_space<vmem>> -> memref<96x64xf32, #tpu.memory_space<vmem>>
      %dma_start3A_122 = arith.constant 104 : i32
      %dma_start3A_123 = tpu.memref_slice %arg6[%add3A_116, %dma_start3A_122] : memref<128x200xi32, #tpu.memory_space<vmem>> -> memref<1x96xi32, #tpu.memory_space<vmem>>
      %dma_start3A_124 = tpu.memref_squeeze %dma_start3A_123 : memref<1x96xi32, #tpu.memory_space<vmem>> -> memref<96xi32, #tpu.memory_space<vmem>>
      %dma_start3A_125 = arith.constant 0 : i32
      %dma_start3A_126 = arith.constant 0 : i32
      %dma_start3A_127 = tpu.memref_slice %arg4[%dma_start3A_125, %dma_start3A_126] : memref<100001x64xf32, #tpu.memory_space<hbm>> -> memref<100001x64xf32, #tpu.memory_space<hbm>>
      tpu.enqueue_indirect_dma source(%dma_start3A_127 : memref<100001x64xf32, #tpu.memory_space<hbm>>) target(%dma_start3A_121 : memref<96x64xf32, #tpu.memory_space<vmem>>) offsets(%dma_start3A_124 : memref<96xi32, #tpu.memory_space<vmem>>) semaphore(%arg11 : memref<!tpu.dma_semaphore, #tpu.memory_space<semaphore_mem>>)
      %dma_wait3A_128 = arith.constant 0 : i32
      %dma_wait3A_129 = arith.constant 0 : i32
      %dma_wait3A_130 = arith.constant 0 : i32
      %dma_wait3A_131 = tpu.memref_slice %arg5[%dma_wait3A_128, %dma_wait3A_129, %dma_wait3A_130] : memref<4096x200x64xf32, #tpu.memory_space<hbm>> -> memref<2x200x64xf32, #tpu.memory_space<hbm>>
      %dma_wait3A_132 = arith.constant 0 : i32
      %dma_wait3A_133 = arith.constant 0 : i32
      %dma_wait3A_134 = arith.constant 0 : i32
      %dma_wait3A_135 = tpu.memref_slice %arg5[%dma_wait3A_132, %dma_wait3A_133, %dma_wait3A_134] : memref<4096x200x64xf32, #tpu.memory_space<hbm>> -> memref<2x200x64xf32, #tpu.memory_space<hbm>>
      tpu.wait_dma2 semaphore(%arg10 : memref<!tpu.dma_semaphore, #tpu.memory_space<semaphore_mem>>) src(%dma_wait3A_135 : memref<2x200x64xf32, #tpu.memory_space<hbm>>) dst(%arg7 : memref<2x200x64xf32, #tpu.memory_space<vmem>>)
      %scan3A_136 = arith.constant 0 : i32
      %scan3A_137 = arith.constant 0 : i32
      %scan3A_138 = arith.constant 200 : i32
      %scan3A_139 = arith.addi %scan3A_137, %scan3A_138 : i32
      %scan3A_140 = arith.constant 8 : i32
      scf.for %scan3A_230 = %scan3A_137 to %scan3A_139 step %scan3A_140  : i32 {
        %get3A = arith.index_cast %scan3A_230 : i32 to index
        %get3A_231 = arith.constant 0 : index
        %get3A_232 = tpu.vector_load %arg9[%get3A, %get3A_231] {strides = array<i32>} : memref<200x64xf32, #tpu.memory_space<vmem>>, vector<1x16xf32>,
        %get3A_233 = vector.shape_cast %get3A_232 : vector<1x16xf32> to vector<16xf32>
        %get3A_234 = arith.constant 0 : i32
        %get3A_235 = arith.index_cast %get3A_234 : i32 to index
        %get3A_236 = arith.index_cast %scan3A_230 : i32 to index
        %get3A_237 = arith.constant 0 : index
        %get3A_238 = tpu.vector_load %arg7[%get3A_235, %get3A_236, %get3A_237] {strides = array<i32>} : memref<2x200x64xf32, #tpu.memory_space<vmem>>, vector<1x1x16xf32>,
        %get3A_239 = vector.shape_cast %get3A_238 : vector<1x1x16xf32> to vector<16xf32>
        %add3A_240 = arith.addf %get3A_239, %get3A_233 : vector<16xf32>
        %swap3A = arith.constant 0 : i32
        %swap3A_241 = arith.index_cast %swap3A : i32 to index
        %swap3A_242 = arith.index_cast %scan3A_230 : i32 to index
        %swap3A_243 = arith.constant 0 : index
        %swap3A_244 = tpu.vector_load %arg7[%swap3A_241, %swap3A_242, %swap3A_243] {strides = array<i32>} : memref<2x200x64xf32, #tpu.memory_space<vmem>>, vector<1x1x16xf32>,
        %swap3A_245 = vector.shape_cast %swap3A_244 : vector<1x1x16xf32> to vector<16xf32>
        %swap3A_246 = vector.shape_cast %add3A_240 : vector<16xf32> to vector<1x1x16xf32>
        tpu.vector_store %arg7[%swap3A_241, %swap3A_242, %swap3A_243], %swap3A_246 {strides = array<i32>} : memref<2x200x64xf32, #tpu.memory_space<vmem>>, vector<1x1x16xf32>,
        %get3A_247 = arith.constant 1 : i32
        %get3A_248 = arith.index_cast %get3A_247 : i32 to index
        %get3A_249 = arith.index_cast %scan3A_230 : i32 to index
        %get3A_250 = arith.constant 0 : index
        %get3A_251 = tpu.vector_load %arg7[%get3A_248, %get3A_249, %get3A_250] {strides = array<i32>} : memref<2x200x64xf32, #tpu.memory_space<vmem>>, vector<1x1x16xf32>,
        %get3A_252 = vector.shape_cast %get3A_251 : vector<1x1x16xf32> to vector<16xf32>
        %add3A_253 = arith.addf %get3A_252, %get3A_233 : vector<16xf32>
        %swap3A_254 = arith.constant 1 : i32
        %swap3A_255 = arith.index_cast %swap3A_254 : i32 to index
        %swap3A_256 = arith.index_cast %scan3A_230 : i32 to index
        %swap3A_257 = arith.constant 0 : index
        %swap3A_258 = tpu.vector_load %arg7[%swap3A_255, %swap3A_256, %swap3A_257] {strides = array<i32>} : memref<2x200x64xf32, #tpu.memory_space<vmem>>, vector<1x1x16xf32>,
        %swap3A_259 = vector.shape_cast %swap3A_258 : vector<1x1x16xf32> to vector<16xf32>
        %swap3A_260 = vector.shape_cast %add3A_253 : vector<16xf32> to vector<1x1x16xf32>
        tpu.vector_store %arg7[%swap3A_255, %swap3A_256, %swap3A_257], %swap3A_260 {strides = array<i32>} : memref<2x200x64xf32, #tpu.memory_space<vmem>>, vector<1x1x16xf32>,
        %get3A_261 = arith.index_cast %scan3A_230 : i32 to index
        %get3A_262 = arith.constant 16 : index
        %get3A_263 = tpu.vector_load %arg9[%get3A_261, %get3A_262] {strides = array<i32>} : memref<200x64xf32, #tpu.memory_space<vmem>>, vector<1x16xf32>,
        %get3A_264 = vector.shape_cast %get3A_263 : vector<1x16xf32> to vector<16xf32>
        %get3A_265 = arith.constant 0 : i32
        %get3A_266 = arith.index_cast %get3A_265 : i32 to index
        %get3A_267 = arith.index_cast %scan3A_230 : i32 to index
        %get3A_268 = arith.constant 16 : index
        %get3A_269 = tpu.vector_load %arg7[%get3A_266, %get3A_267, %get3A_268] {strides = array<i32>} : memref<2x200x64xf32, #tpu.memory_space<vmem>>, vector<1x1x16xf32>,
        %get3A_270 = vector.shape_cast %get3A_269 : vector<1x1x16xf32> to vector<16xf32>
        %add3A_271 = arith.addf %get3A_270, %get3A_264 : vector<16xf32>
        %swap3A_272 = arith.constant 0 : i32
        %swap3A_273 = arith.index_cast %swap3A_272 : i32 to index
        %swap3A_274 = arith.index_cast %scan3A_230 : i32 to index
        %swap3A_275 = arith.constant 16 : index
        %swap3A_276 = tpu.vector_load %arg7[%swap3A_273, %swap3A_274, %swap3A_275] {strides = array<i32>} : memref<2x200x64xf32, #tpu.memory_space<vmem>>, vector<1x1x16xf32>,
        %swap3A_277 = vector.shape_cast %swap3A_276 : vector<1x1x16xf32> to vector<16xf32>
        %swap3A_278 = vector.shape_cast %add3A_271 : vector<16xf32> to vector<1x1x16xf32>
        tpu.vector_store %arg7[%swap3A_273, %swap3A_274, %swap3A_275], %swap3A_278 {strides = array<i32>} : memref<2x200x64xf32, #tpu.memory_space<vmem>>, vector<1x1x16xf32>,
        %get3A_279 = arith.constant 1 : i32
        %get3A_280 = arith.index_cast %get3A_279 : i32 to index
        %get3A_281 = arith.index_cast %scan3A_230 : i32 to index
        %get3A_282 = arith.constant 16 : index
        %get3A_283 = tpu.vector_load %arg7[%get3A_280, %get3A_281, %get3A_282] {strides = array<i32>} : memref<2x200x64xf32, #tpu.memory_space<vmem>>, vector<1x1x16xf32>,
        %get3A_284 = vector.shape_cast %get3A_283 : vector<1x1x16xf32> to vector<16xf32>
        %add3A_285 = arith.addf %get3A_284, %get3A_264 : vector<16xf32>
        %swap3A_286 = arith.constant 1 : i32
        %swap3A_287 = arith.index_cast %swap3A_286 : i32 to index
        %swap3A_288 = arith.index_cast %scan3A_230 : i32 to index
        %swap3A_289 = arith.constant 16 : index
        %swap3A_290 = tpu.vector_load %arg7[%swap3A_287, %swap3A_288, %swap3A_289] {strides = array<i32>} : memref<2x200x64xf32, #tpu.memory_space<vmem>>, vector<1x1x16xf32>,
        %swap3A_291 = vector.shape_cast %swap3A_290 : vector<1x1x16xf32> to vector<16xf32>
        %swap3A_292 = vector.shape_cast %add3A_285 : vector<16xf32> to vector<1x1x16xf32>
        tpu.vector_store %arg7[%swap3A_287, %swap3A_288, %swap3A_289], %swap3A_292 {strides = array<i32>} : memref<2x200x64xf32, #tpu.memory_space<vmem>>, vector<1x1x16xf32>,
        %get3A_293 = arith.index_cast %scan3A_230 : i32 to index
        %get3A_294 = arith.constant 32 : index
        %get3A_295 = tpu.vector_load %arg9[%get3A_293, %get3A_294] {strides = array<i32>} : memref<200x64xf32, #tpu.memory_space<vmem>>, vector<1x16xf32>,
        %get3A_296 = vector.shape_cast %get3A_295 : vector<1x16xf32> to vector<16xf32>
        %get3A_297 = arith.constant 0 : i32
        %get3A_298 = arith.index_cast %get3A_297 : i32 to index
        %get3A_299 = arith.index_cast %scan3A_230 : i32 to index
        %get3A_300 = arith.constant 32 : index
        %get3A_301 = tpu.vector_load %arg7[%get3A_298, %get3A_299, %get3A_300] {strides = array<i32>} : memref<2x200x64xf32, #tpu.memory_space<vmem>>, vector<1x1x16xf32>,
        %get3A_302 = vector.shape_cast %get3A_301 : vector<1x1x16xf32> to vector<16xf32>
        %add3A_303 = arith.addf %get3A_302, %get3A_296 : vector<16xf32>
        %swap3A_304 = arith.constant 0 : i32
        %swap3A_305 = arith.index_cast %swap3A_304 : i32 to index
        %swap3A_306 = arith.index_cast %scan3A_230 : i32 to index
        %swap3A_307 = arith.constant 32 : index
        %swap3A_308 = tpu.vector_load %arg7[%swap3A_305, %swap3A_306, %swap3A_307] {strides = array<i32>} : memref<2x200x64xf32, #tpu.memory_space<vmem>>, vector<1x1x16xf32>,
        %swap3A_309 = vector.shape_cast %swap3A_308 : vector<1x1x16xf32> to vector<16xf32>
        %swap3A_310 = vector.shape_cast %add3A_303 : vector<16xf32> to vector<1x1x16xf32>
        tpu.vector_store %arg7[%swap3A_305, %swap3A_306, %swap3A_307], %swap3A_310 {strides = array<i32>} : memref<2x200x64xf32, #tpu.memory_space<vmem>>, vector<1x1x16xf32>,
        %get3A_311 = arith.constant 1 : i32
        %get3A_312 = arith.index_cast %get3A_311 : i32 to index
        %get3A_313 = arith.index_cast %scan3A_230 : i32 to index
        %get3A_314 = arith.constant 32 : index
        %get3A_315 = tpu.vector_load %arg7[%get3A_312, %get3A_313, %get3A_314] {strides = array<i32>} : memref<2x200x64xf32, #tpu.memory_space<vmem>>, vector<1x1x16xf32>,
        %get3A_316 = vector.shape_cast %get3A_315 : vector<1x1x16xf32> to vector<16xf32>
        %add3A_317 = arith.addf %get3A_316, %get3A_296 : vector<16xf32>
        %swap3A_318 = arith.constant 1 : i32
        %swap3A_319 = arith.index_cast %swap3A_318 : i32 to index
        %swap3A_320 = arith.index_cast %scan3A_230 : i32 to index
        %swap3A_321 = arith.constant 32 : index
        %swap3A_322 = tpu.vector_load %arg7[%swap3A_319, %swap3A_320, %swap3A_321] {strides = array<i32>} : memref<2x200x64xf32, #tpu.memory_space<vmem>>, vector<1x1x16xf32>,
        %swap3A_323 = vector.shape_cast %swap3A_322 : vector<1x1x16xf32> to vector<16xf32>
        %swap3A_324 = vector.shape_cast %add3A_317 : vector<16xf32> to vector<1x1x16xf32>
        tpu.vector_store %arg7[%swap3A_319, %swap3A_320, %swap3A_321], %swap3A_324 {strides = array<i32>} : memref<2x200x64xf32, #tpu.memory_space<vmem>>, vector<1x1x16xf32>,
        %get3A_325 = arith.index_cast %scan3A_230 : i32 to index
        %get3A_326 = arith.constant 48 : index
        %get3A_327 = tpu.vector_load %arg9[%get3A_325, %get3A_326] {strides = array<i32>} : memref<200x64xf32, #tpu.memory_space<vmem>>, vector<1x16xf32>,
        %get3A_328 = vector.shape_cast %get3A_327 : vector<1x16xf32> to vector<16xf32>
        %get3A_329 = arith.constant 0 : i32
        %get3A_330 = arith.index_cast %get3A_329 : i32 to index
        %get3A_331 = arith.index_cast %scan3A_230 : i32 to index
        %get3A_332 = arith.constant 48 : index
        %get3A_333 = tpu.vector_load %arg7[%get3A_330, %get3A_331, %get3A_332] {strides = array<i32>} : memref<2x200x64xf32, #tpu.memory_space<vmem>>, vector<1x1x16xf32>,
        %get3A_334 = vector.shape_cast %get3A_333 : vector<1x1x16xf32> to vector<16xf32>
        %add3A_335 = arith.addf %get3A_334, %get3A_328 : vector<16xf32>
        %swap3A_336 = arith.constant 0 : i32
        %swap3A_337 = arith.index_cast %swap3A_336 : i32 to index
        %swap3A_338 = arith.index_cast %scan3A_230 : i32 to index
        %swap3A_339 = arith.constant 48 : index
        %swap3A_340 = tpu.vector_load %arg7[%swap3A_337, %swap3A_338, %swap3A_339] {strides = array<i32>} : memref<2x200x64xf32, #tpu.memory_space<vmem>>, vector<1x1x16xf32>,
        %swap3A_341 = vector.shape_cast %swap3A_340 : vector<1x1x16xf32> to vector<16xf32>
        %swap3A_342 = vector.shape_cast %add3A_335 : vector<16xf32> to vector<1x1x16xf32>
        tpu.vector_store %arg7[%swap3A_337, %swap3A_338, %swap3A_339], %swap3A_342 {strides = array<i32>} : memref<2x200x64xf32, #tpu.memory_space<vmem>>, vector<1x1x16xf32>,
        %get3A_343 = arith.constant 1 : i32
        %get3A_344 = arith.index_cast %get3A_343 : i32 to index
        %get3A_345 = arith.index_cast %scan3A_230 : i32 to index
        %get3A_346 = arith.constant 48 : index
        %get3A_347 = tpu.vector_load %arg7[%get3A_344, %get3A_345, %get3A_346] {strides = array<i32>} : memref<2x200x64xf32, #tpu.memory_space<vmem>>, vector<1x1x16xf32>,
        %get3A_348 = vector.shape_cast %get3A_347 : vector<1x1x16xf32> to vector<16xf32>
        %add3A_349 = arith.addf %get3A_348, %get3A_328 : vector<16xf32>
        %swap3A_350 = arith.constant 1 : i32
        %swap3A_351 = arith.index_cast %swap3A_350 : i32 to index
        %swap3A_352 = arith.index_cast %scan3A_230 : i32 to index
        %swap3A_353 = arith.constant 48 : index
        %swap3A_354 = tpu.vector_load %arg7[%swap3A_351, %swap3A_352, %swap3A_353] {strides = array<i32>} : memref<2x200x64xf32, #tpu.memory_space<vmem>>, vector<1x1x16xf32>,
        %swap3A_355 = vector.shape_cast %swap3A_354 : vector<1x1x16xf32> to vector<16xf32>
        %swap3A_356 = vector.shape_cast %add3A_349 : vector<16xf32> to vector<1x1x16xf32>
        tpu.vector_store %arg7[%swap3A_351, %swap3A_352, %swap3A_353], %swap3A_356 {strides = array<i32>} : memref<2x200x64xf32, #tpu.memory_space<vmem>>, vector<1x1x16xf32>,
        %scan3A_357 = arith.constant 1 : i32
        %scan3A_358 = arith.addi %scan3A_230, %scan3A_357 : i32
        %get3A_359 = arith.index_cast %scan3A_358 : i32 to index
        %get3A_360 = arith.constant 0 : index
        %get3A_361 = tpu.vector_load %arg9[%get3A_359, %get3A_360] {strides = array<i32>} : memref<200x64xf32, #tpu.memory_space<vmem>>, vector<1x16xf32>,
        %get3A_362 = vector.shape_cast %get3A_361 : vector<1x16xf32> to vector<16xf32>
        %get3A_363 = arith.constant 0 : i32
        %get3A_364 = arith.index_cast %get3A_363 : i32 to index
        %get3A_365 = arith.index_cast %scan3A_358 : i32 to index
        %get3A_366 = arith.constant 0 : index
        %get3A_367 = tpu.vector_load %arg7[%get3A_364, %get3A_365, %get3A_366] {strides = array<i32>} : memref<2x200x64xf32, #tpu.memory_space<vmem>>, vector<1x1x16xf32>,
        %get3A_368 = vector.shape_cast %get3A_367 : vector<1x1x16xf32> to vector<16xf32>
        %add3A_369 = arith.addf %get3A_368, %get3A_362 : vector<16xf32>
        %swap3A_370 = arith.constant 0 : i32
        %swap3A_371 = arith.index_cast %swap3A_370 : i32 to index
        %swap3A_372 = arith.index_cast %scan3A_358 : i32 to index
        %swap3A_373 = arith.constant 0 : index
        %swap3A_374 = tpu.vector_load %arg7[%swap3A_371, %swap3A_372, %swap3A_373] {strides = array<i32>} : memref<2x200x64xf32, #tpu.memory_space<vmem>>, vector<1x1x16xf32>,
        %swap3A_375 = vector.shape_cast %swap3A_374 : vector<1x1x16xf32> to vector<16xf32>
        %swap3A_376 = vector.shape_cast %add3A_369 : vector<16xf32> to vector<1x1x16xf32>
        tpu.vector_store %arg7[%swap3A_371, %swap3A_372, %swap3A_373], %swap3A_376 {strides = array<i32>} : memref<2x200x64xf32, #tpu.memory_space<vmem>>, vector<1x1x16xf32>,
        %get3A_377 = arith.constant 1 : i32
        %get3A_378 = arith.index_cast %get3A_377 : i32 to index
        %get3A_379 = arith.index_cast %scan3A_358 : i32 to index
        %get3A_380 = arith.constant 0 : index
        %get3A_381 = tpu.vector_load %arg7[%get3A_378, %get3A_379, %get3A_380] {strides = array<i32>} : memref<2x200x64xf32, #tpu.memory_space<vmem>>, vector<1x1x16xf32>,
        %get3A_382 = vector.shape_cast %get3A_381 : vector<1x1x16xf32> to vector<16xf32>
        %add3A_383 = arith.addf %get3A_382, %get3A_362 : vector<16xf32>
        %swap3A_384 = arith.constant 1 : i32
        %swap3A_385 = arith.index_cast %swap3A_384 : i32 to index
        %swap3A_386 = arith.index_cast %scan3A_358 : i32 to index
        %swap3A_387 = arith.constant 0 : index
        %swap3A_388 = tpu.vector_load %arg7[%swap3A_385, %swap3A_386, %swap3A_387] {strides = array<i32>} : memref<2x200x64xf32, #tpu.memory_space<vmem>>, vector<1x1x16xf32>,
        %swap3A_389 = vector.shape_cast %swap3A_388 : vector<1x1x16xf32> to vector<16xf32>
        %swap3A_390 = vector.shape_cast %add3A_383 : vector<16xf32> to vector<1x1x16xf32>
        tpu.vector_store %arg7[%swap3A_385, %swap3A_386, %swap3A_387], %swap3A_390 {strides = array<i32>} : memref<2x200x64xf32, #tpu.memory_space<vmem>>, vector<1x1x16xf32>,
        %get3A_391 = arith.index_cast %scan3A_358 : i32 to index
        %get3A_392 = arith.constant 16 : index
        %get3A_393 = tpu.vector_load %arg9[%get3A_391, %get3A_392] {strides = array<i32>} : memref<200x64xf32, #tpu.memory_space<vmem>>, vector<1x16xf32>,
        %get3A_394 = vector.shape_cast %get3A_393 : vector<1x16xf32> to vector<16xf32>
        %get3A_395 = arith.constant 0 : i32
        %get3A_396 = arith.index_cast %get3A_395 : i32 to index
        %get3A_397 = arith.index_cast %scan3A_358 : i32 to index
        %get3A_398 = arith.constant 16 : index
        %get3A_399 = tpu.vector_load %arg7[%get3A_396, %get3A_397, %get3A_398] {strides = array<i32>} : memref<2x200x64xf32, #tpu.memory_space<vmem>>, vector<1x1x16xf32>,
        %get3A_400 = vector.shape_cast %get3A_399 : vector<1x1x16xf32> to vector<16xf32>
        %add3A_401 = arith.addf %get3A_400, %get3A_394 : vector<16xf32>
        %swap3A_402 = arith.constant 0 : i32
        %swap3A_403 = arith.index_cast %swap3A_402 : i32 to index
        %swap3A_404 = arith.index_cast %scan3A_358 : i32 to index
        %swap3A_405 = arith.constant 16 : index
        %swap3A_406 = tpu.vector_load %arg7[%swap3A_403, %swap3A_404, %swap3A_405] {strides = array<i32>} : memref<2x200x64xf32, #tpu.memory_space<vmem>>, vector<1x1x16xf32>,
        %swap3A_407 = vector.shape_cast %swap3A_406 : vector<1x1x16xf32> to vector<16xf32>
        %swap3A_408 = vector.shape_cast %add3A_401 : vector<16xf32> to vector<1x1x16xf32>
        tpu.vector_store %arg7[%swap3A_403, %swap3A_404, %swap3A_405], %swap3A_408 {strides = array<i32>} : memref<2x200x64xf32, #tpu.memory_space<vmem>>, vector<1x1x16xf32>,
        %get3A_409 = arith.constant 1 : i32
        %get3A_410 = arith.index_cast %get3A_409 : i32 to index
        %get3A_411 = arith.index_cast %scan3A_358 : i32 to index
        %get3A_412 = arith.constant 16 : index
        %get3A_413 = tpu.vector_load %arg7[%get3A_410, %get3A_411, %get3A_412] {strides = array<i32>} : memref<2x200x64xf32, #tpu.memory_space<vmem>>, vector<1x1x16xf32>,
        %get3A_414 = vector.shape_cast %get3A_413 : vector<1x1x16xf32> to vector<16xf32>
        %add3A_415 = arith.addf %get3A_414, %get3A_394 : vector<16xf32>
        %swap3A_416 = arith.constant 1 : i32
        %swap3A_417 = arith.index_cast %swap3A_416 : i32 to index
        %swap3A_418 = arith.index_cast %scan3A_358 : i32 to index
        %swap3A_419 = arith.constant 16 : index
        %swap3A_420 = tpu.vector_load %arg7[%swap3A_417, %swap3A_418, %swap3A_419] {strides = array<i32>} : memref<2x200x64xf32, #tpu.memory_space<vmem>>, vector<1x1x16xf32>,
        %swap3A_421 = vector.shape_cast %swap3A_420 : vector<1x1x16xf32> to vector<16xf32>
        %swap3A_422 = vector.shape_cast %add3A_415 : vector<16xf32> to vector<1x1x16xf32>
        tpu.vector_store %arg7[%swap3A_417, %swap3A_418, %swap3A_419], %swap3A_422 {strides = array<i32>} : memref<2x200x64xf32, #tpu.memory_space<vmem>>, vector<1x1x16xf32>,
        %get3A_423 = arith.index_cast %scan3A_358 : i32 to index
        %get3A_424 = arith.constant 32 : index
        %get3A_425 = tpu.vector_load %arg9[%get3A_423, %get3A_424] {strides = array<i32>} : memref<200x64xf32, #tpu.memory_space<vmem>>, vector<1x16xf32>,
        %get3A_426 = vector.shape_cast %get3A_425 : vector<1x16xf32> to vector<16xf32>
        %get3A_427 = arith.constant 0 : i32
        %get3A_428 = arith.index_cast %get3A_427 : i32 to index
        %get3A_429 = arith.index_cast %scan3A_358 : i32 to index
        %get3A_430 = arith.constant 32 : index
        %get3A_431 = tpu.vector_load %arg7[%get3A_428, %get3A_429, %get3A_430] {strides = array<i32>} : memref<2x200x64xf32, #tpu.memory_space<vmem>>, vector<1x1x16xf32>,
        %get3A_432 = vector.shape_cast %get3A_431 : vector<1x1x16xf32> to vector<16xf32>
        %add3A_433 = arith.addf %get3A_432, %get3A_426 : vector<16xf32>
        %swap3A_434 = arith.constant 0 : i32
        %swap3A_435 = arith.index_cast %swap3A_434 : i32 to index
        %swap3A_436 = arith.index_cast %scan3A_358 : i32 to index
        %swap3A_437 = arith.constant 32 : index
        %swap3A_438 = tpu.vector_load %arg7[%swap3A_435, %swap3A_436, %swap3A_437] {strides = array<i32>} : memref<2x200x64xf32, #tpu.memory_space<vmem>>, vector<1x1x16xf32>,
        %swap3A_439 = vector.shape_cast %swap3A_438 : vector<1x1x16xf32> to vector<16xf32>
        %swap3A_440 = vector.shape_cast %add3A_433 : vector<16xf32> to vector<1x1x16xf32>
        tpu.vector_store %arg7[%swap3A_435, %swap3A_436, %swap3A_437], %swap3A_440 {strides = array<i32>} : memref<2x200x64xf32, #tpu.memory_space<vmem>>, vector<1x1x16xf32>,
        %get3A_441 = arith.constant 1 : i32
        %get3A_442 = arith.index_cast %get3A_441 : i32 to index
        %get3A_443 = arith.index_cast %scan3A_358 : i32 to index
        %get3A_444 = arith.constant 32 : index
        %get3A_445 = tpu.vector_load %arg7[%get3A_442, %get3A_443, %get3A_444] {strides = array<i32>} : memref<2x200x64xf32, #tpu.memory_space<vmem>>, vector<1x1x16xf32>,
        %get3A_446 = vector.shape_cast %get3A_445 : vector<1x1x16xf32> to vector<16xf32>
        %add3A_447 = arith.addf %get3A_446, %get3A_426 : vector<16xf32>
        %swap3A_448 = arith.constant 1 : i32
        %swap3A_449 = arith.index_cast %swap3A_448 : i32 to index
        %swap3A_450 = arith.index_cast %scan3A_358 : i32 to index
        %swap3A_451 = arith.constant 32 : index
        %swap3A_452 = tpu.vector_load %arg7[%swap3A_449, %swap3A_450, %swap3A_451] {strides = array<i32>} : memref<2x200x64xf32, #tpu.memory_space<vmem>>, vector<1x1x16xf32>,
        %swap3A_453 = vector.shape_cast %swap3A_452 : vector<1x1x16xf32> to vector<16xf32>
        %swap3A_454 = vector.shape_cast %add3A_447 : vector<16xf32> to vector<1x1x16xf32>
        tpu.vector_store %arg7[%swap3A_449, %swap3A_450, %swap3A_451], %swap3A_454 {strides = array<i32>} : memref<2x200x64xf32, #tpu.memory_space<vmem>>, vector<1x1x16xf32>,
        %get3A_455 = arith.index_cast %scan3A_358 : i32 to index
        %get3A_456 = arith.constant 48 : index
        %get3A_457 = tpu.vector_load %arg9[%get3A_455, %get3A_456] {strides = array<i32>} : memref<200x64xf32, #tpu.memory_space<vmem>>, vector<1x16xf32>,
        %get3A_458 = vector.shape_cast %get3A_457 : vector<1x16xf32> to vector<16xf32>
        %get3A_459 = arith.constant 0 : i32
        %get3A_460 = arith.index_cast %get3A_459 : i32 to index
        %get3A_461 = arith.index_cast %scan3A_358 : i32 to index
        %get3A_462 = arith.constant 48 : index
        %get3A_463 = tpu.vector_load %arg7[%get3A_460, %get3A_461, %get3A_462] {strides = array<i32>} : memref<2x200x64xf32, #tpu.memory_space<vmem>>, vector<1x1x16xf32>,
        %get3A_464 = vector.shape_cast %get3A_463 : vector<1x1x16xf32> to vector<16xf32>
        %add3A_465 = arith.addf %get3A_464, %get3A_458 : vector<16xf32>
        %swap3A_466 = arith.constant 0 : i32
        %swap3A_467 = arith.index_cast %swap3A_466 : i32 to index
        %swap3A_468 = arith.index_cast %scan3A_358 : i32 to index
        %swap3A_469 = arith.constant 48 : index
        %swap3A_470 = tpu.vector_load %arg7[%swap3A_467, %swap3A_468, %swap3A_469] {strides = array<i32>} : memref<2x200x64xf32, #tpu.memory_space<vmem>>, vector<1x1x16xf32>,
        %swap3A_471 = vector.shape_cast %swap3A_470 : vector<1x1x16xf32> to vector<16xf32>
        %swap3A_472 = vector.shape_cast %add3A_465 : vector<16xf32> to vector<1x1x16xf32>
        tpu.vector_store %arg7[%swap3A_467, %swap3A_468, %swap3A_469], %swap3A_472 {strides = array<i32>} : memref<2x200x64xf32, #tpu.memory_space<vmem>>, vector<1x1x16xf32>,
        %get3A_473 = arith.constant 1 : i32
        %get3A_474 = arith.index_cast %get3A_473 : i32 to index
        %get3A_475 = arith.index_cast %scan3A_358 : i32 to index
        %get3A_476 = arith.constant 48 : index
        %get3A_477 = tpu.vector_load %arg7[%get3A_474, %get3A_475, %get3A_476] {strides = array<i32>} : memref<2x200x64xf32, #tpu.memory_space<vmem>>, vector<1x1x16xf32>,
        %get3A_478 = vector.shape_cast %get3A_477 : vector<1x1x16xf32> to vector<16xf32>
        %add3A_479 = arith.addf %get3A_478, %get3A_458 : vector<16xf32>
        %swap3A_480 = arith.constant 1 : i32
        %swap3A_481 = arith.index_cast %swap3A_480 : i32 to index
        %swap3A_482 = arith.index_cast %scan3A_358 : i32 to index
        %swap3A_483 = arith.constant 48 : index
        %swap3A_484 = tpu.vector_load %arg7[%swap3A_481, %swap3A_482, %swap3A_483] {strides = array<i32>} : memref<2x200x64xf32, #tpu.memory_space<vmem>>, vector<1x1x16xf32>,
        %swap3A_485 = vector.shape_cast %swap3A_484 : vector<1x1x16xf32> to vector<16xf32>
        %swap3A_486 = vector.shape_cast %add3A_479 : vector<16xf32> to vector<1x1x16xf32>
        tpu.vector_store %arg7[%swap3A_481, %swap3A_482, %swap3A_483], %swap3A_486 {strides = array<i32>} : memref<2x200x64xf32, #tpu.memory_space<vmem>>, vector<1x1x16xf32>,
        %scan3A_487 = arith.constant 2 : i32
        %scan3A_488 = arith.addi %scan3A_230, %scan3A_487 : i32
        %get3A_489 = arith.index_cast %scan3A_488 : i32 to index
        %get3A_490 = arith.constant 0 : index
        %get3A_491 = tpu.vector_load %arg9[%get3A_489, %get3A_490] {strides = array<i32>} : memref<200x64xf32, #tpu.memory_space<vmem>>, vector<1x16xf32>,
        %get3A_492 = vector.shape_cast %get3A_491 : vector<1x16xf32> to vector<16xf32>
        %get3A_493 = arith.constant 0 : i32
        %get3A_494 = arith.index_cast %get3A_493 : i32 to index
        %get3A_495 = arith.index_cast %scan3A_488 : i32 to index
        %get3A_496 = arith.constant 0 : index
        %get3A_497 = tpu.vector_load %arg7[%get3A_494, %get3A_495, %get3A_496] {strides = array<i32>} : memref<2x200x64xf32, #tpu.memory_space<vmem>>, vector<1x1x16xf32>,
        %get3A_498 = vector.shape_cast %get3A_497 : vector<1x1x16xf32> to vector<16xf32>
        %add3A_499 = arith.addf %get3A_498, %get3A_492 : vector<16xf32>
        %swap3A_500 = arith.constant 0 : i32
        %swap3A_501 = arith.index_cast %swap3A_500 : i32 to index
        %swap3A_502 = arith.index_cast %scan3A_488 : i32 to index
        %swap3A_503 = arith.constant 0 : index
        %swap3A_504 = tpu.vector_load %arg7[%swap3A_501, %swap3A_502, %swap3A_503] {strides = array<i32>} : memref<2x200x64xf32, #tpu.memory_space<vmem>>, vector<1x1x16xf32>,
        %swap3A_505 = vector.shape_cast %swap3A_504 : vector<1x1x16xf32> to vector<16xf32>
        %swap3A_506 = vector.shape_cast %add3A_499 : vector<16xf32> to vector<1x1x16xf32>
        tpu.vector_store %arg7[%swap3A_501, %swap3A_502, %swap3A_503], %swap3A_506 {strides = array<i32>} : memref<2x200x64xf32, #tpu.memory_space<vmem>>, vector<1x1x16xf32>,
        %get3A_507 = arith.constant 1 : i32
        %get3A_508 = arith.index_cast %get3A_507 : i32 to index
        %get3A_509 = arith.index_cast %scan3A_488 : i32 to index
        %get3A_510 = arith.constant 0 : index
        %get3A_511 = tpu.vector_load %arg7[%get3A_508, %get3A_509, %get3A_510] {strides = array<i32>} : memref<2x200x64xf32, #tpu.memory_space<vmem>>, vector<1x1x16xf32>,
        %get3A_512 = vector.shape_cast %get3A_511 : vector<1x1x16xf32> to vector<16xf32>
        %add3A_513 = arith.addf %get3A_512, %get3A_492 : vector<16xf32>
        %swap3A_514 = arith.constant 1 : i32
        %swap3A_515 = arith.index_cast %swap3A_514 : i32 to index
        %swap3A_516 = arith.index_cast %scan3A_488 : i32 to index
        %swap3A_517 = arith.constant 0 : index
        %swap3A_518 = tpu.vector_load %arg7[%swap3A_515, %swap3A_516, %swap3A_517] {strides = array<i32>} : memref<2x200x64xf32, #tpu.memory_space<vmem>>, vector<1x1x16xf32>,
        %swap3A_519 = vector.shape_cast %swap3A_518 : vector<1x1x16xf32> to vector<16xf32>
        %swap3A_520 = vector.shape_cast %add3A_513 : vector<16xf32> to vector<1x1x16xf32>
        tpu.vector_store %arg7[%swap3A_515, %swap3A_516, %swap3A_517], %swap3A_520 {strides = array<i32>} : memref<2x200x64xf32, #tpu.memory_space<vmem>>, vector<1x1x16xf32>,
        %get3A_521 = arith.index_cast %scan3A_488 : i32 to index
        %get3A_522 = arith.constant 16 : index
        %get3A_523 = tpu.vector_load %arg9[%get3A_521, %get3A_522] {strides = array<i32>} : memref<200x64xf32, #tpu.memory_space<vmem>>, vector<1x16xf32>,
        %get3A_524 = vector.shape_cast %get3A_523 : vector<1x16xf32> to vector<16xf32>
        %get3A_525 = arith.constant 0 : i32
        %get3A_526 = arith.index_cast %get3A_525 : i32 to index
        %get3A_527 = arith.index_cast %scan3A_488 : i32 to index
        %get3A_528 = arith.constant 16 : index
        %get3A_529 = tpu.vector_load %arg7[%get3A_526, %get3A_527, %get3A_528] {strides = array<i32>} : memref<2x200x64xf32, #tpu.memory_space<vmem>>, vector<1x1x16xf32>,
        %get3A_530 = vector.shape_cast %get3A_529 : vector<1x1x16xf32> to vector<16xf32>
        %add3A_531 = arith.addf %get3A_530, %get3A_524 : vector<16xf32>
        %swap3A_532 = arith.constant 0 : i32
        %swap3A_533 = arith.index_cast %swap3A_532 : i32 to index
        %swap3A_534 = arith.index_cast %scan3A_488 : i32 to index
        %swap3A_535 = arith.constant 16 : index
        %swap3A_536 = tpu.vector_load %arg7[%swap3A_533, %swap3A_534, %swap3A_535] {strides = array<i32>} : memref<2x200x64xf32, #tpu.memory_space<vmem>>, vector<1x1x16xf32>,
        %swap3A_537 = vector.shape_cast %swap3A_536 : vector<1x1x16xf32> to vector<16xf32>
        %swap3A_538 = vector.shape_cast %add3A_531 : vector<16xf32> to vector<1x1x16xf32>
        tpu.vector_store %arg7[%swap3A_533, %swap3A_534, %swap3A_535], %swap3A_538 {strides = array<i32>} : memref<2x200x64xf32, #tpu.memory_space<vmem>>, vector<1x1x16xf32>,
        %get3A_539 = arith.constant 1 : i32
        %get3A_540 = arith.index_cast %get3A_539 : i32 to index
        %get3A_541 = arith.index_cast %scan3A_488 : i32 to index
        %get3A_542 = arith.constant 16 : index
        %get3A_543 = tpu.vector_load %arg7[%get3A_540, %get3A_541, %get3A_542] {strides = array<i32>} : memref<2x200x64xf32, #tpu.memory_space<vmem>>, vector<1x1x16xf32>,
        %get3A_544 = vector.shape_cast %get3A_543 : vector<1x1x16xf32> to vector<16xf32>
        %add3A_545 = arith.addf %get3A_544, %get3A_524 : vector<16xf32>
        %swap3A_546 = arith.constant 1 : i32
        %swap3A_547 = arith.index_cast %swap3A_546 : i32 to index
        %swap3A_548 = arith.index_cast %scan3A_488 : i32 to index
        %swap3A_549 = arith.constant 16 : index
        %swap3A_550 = tpu.vector_load %arg7[%swap3A_547, %swap3A_548, %swap3A_549] {strides = array<i32>} : memref<2x200x64xf32, #tpu.memory_space<vmem>>, vector<1x1x16xf32>,
        %swap3A_551 = vector.shape_cast %swap3A_550 : vector<1x1x16xf32> to vector<16xf32>
        %swap3A_552 = vector.shape_cast %add3A_545 : vector<16xf32> to vector<1x1x16xf32>
        tpu.vector_store %arg7[%swap3A_547, %swap3A_548, %swap3A_549], %swap3A_552 {strides = array<i32>} : memref<2x200x64xf32, #tpu.memory_space<vmem>>, vector<1x1x16xf32>,
        %get3A_553 = arith.index_cast %scan3A_488 : i32 to index
        %get3A_554 = arith.constant 32 : index
        %get3A_555 = tpu.vector_load %arg9[%get3A_553, %get3A_554] {strides = array<i32>} : memref<200x64xf32, #tpu.memory_space<vmem>>, vector<1x16xf32>,
        %get3A_556 = vector.shape_cast %get3A_555 : vector<1x16xf32> to vector<16xf32>
        %get3A_557 = arith.constant 0 : i32
        %get3A_558 = arith.index_cast %get3A_557 : i32 to index
        %get3A_559 = arith.index_cast %scan3A_488 : i32 to index
        %get3A_560 = arith.constant 32 : index
        %get3A_561 = tpu.vector_load %arg7[%get3A_558, %get3A_559, %get3A_560] {strides = array<i32>} : memref<2x200x64xf32, #tpu.memory_space<vmem>>, vector<1x1x16xf32>,
        %get3A_562 = vector.shape_cast %get3A_561 : vector<1x1x16xf32> to vector<16xf32>
        %add3A_563 = arith.addf %get3A_562, %get3A_556 : vector<16xf32>
        %swap3A_564 = arith.constant 0 : i32
        %swap3A_565 = arith.index_cast %swap3A_564 : i32 to index
        %swap3A_566 = arith.index_cast %scan3A_488 : i32 to index
        %swap3A_567 = arith.constant 32 : index
        %swap3A_568 = tpu.vector_load %arg7[%swap3A_565, %swap3A_566, %swap3A_567] {strides = array<i32>} : memref<2x200x64xf32, #tpu.memory_space<vmem>>, vector<1x1x16xf32>,
        %swap3A_569 = vector.shape_cast %swap3A_568 : vector<1x1x16xf32> to vector<16xf32>
        %swap3A_570 = vector.shape_cast %add3A_563 : vector<16xf32> to vector<1x1x16xf32>
        tpu.vector_store %arg7[%swap3A_565, %swap3A_566, %swap3A_567], %swap3A_570 {strides = array<i32>} : memref<2x200x64xf32, #tpu.memory_space<vmem>>, vector<1x1x16xf32>,
        %get3A_571 = arith.constant 1 : i32
        %get3A_572 = arith.index_cast %get3A_571 : i32 to index
        %get3A_573 = arith.index_cast %scan3A_488 : i32 to index
        %get3A_574 = arith.constant 32 : index
        %get3A_575 = tpu.vector_load %arg7[%get3A_572, %get3A_573, %get3A_574] {strides = array<i32>} : memref<2x200x64xf32, #tpu.memory_space<vmem>>, vector<1x1x16xf32>,
        %get3A_576 = vector.shape_cast %get3A_575 : vector<1x1x16xf32> to vector<16xf32>
        %add3A_577 = arith.addf %get3A_576, %get3A_556 : vector<16xf32>
        %swap3A_578 = arith.constant 1 : i32
        %swap3A_579 = arith.index_cast %swap3A_578 : i32 to index
        %swap3A_580 = arith.index_cast %scan3A_488 : i32 to index
        %swap3A_581 = arith.constant 32 : index
        %swap3A_582 = tpu.vector_load %arg7[%swap3A_579, %swap3A_580, %swap3A_581] {strides = array<i32>} : memref<2x200x64xf32, #tpu.memory_space<vmem>>, vector<1x1x16xf32>,
        %swap3A_583 = vector.shape_cast %swap3A_582 : vector<1x1x16xf32> to vector<16xf32>
        %swap3A_584 = vector.shape_cast %add3A_577 : vector<16xf32> to vector<1x1x16xf32>
        tpu.vector_store %arg7[%swap3A_579, %swap3A_580, %swap3A_581], %swap3A_584 {strides = array<i32>} : memref<2x200x64xf32, #tpu.memory_space<vmem>>, vector<1x1x16xf32>,
        %get3A_585 = arith.index_cast %scan3A_488 : i32 to index
        %get3A_586 = arith.constant 48 : index
        %get3A_587 = tpu.vector_load %arg9[%get3A_585, %get3A_586] {strides = array<i32>} : memref<200x64xf32, #tpu.memory_space<vmem>>, vector<1x16xf32>,
        %get3A_588 = vector.shape_cast %get3A_587 : vector<1x16xf32> to vector<16xf32>
        %get3A_589 = arith.constant 0 : i32
        %get3A_590 = arith.index_cast %get3A_589 : i32 to index
        %get3A_591 = arith.index_cast %scan3A_488 : i32 to index
        %get3A_592 = arith.constant 48 : index
        %get3A_593 = tpu.vector_load %arg7[%get3A_590, %get3A_591, %get3A_592] {strides = array<i32>} : memref<2x200x64xf32, #tpu.memory_space<vmem>>, vector<1x1x16xf32>,
        %get3A_594 = vector.shape_cast %get3A_593 : vector<1x1x16xf32> to vector<16xf32>
        %add3A_595 = arith.addf %get3A_594, %get3A_588 : vector<16xf32>
        %swap3A_596 = arith.constant 0 : i32
        %swap3A_597 = arith.index_cast %swap3A_596 : i32 to index
        %swap3A_598 = arith.index_cast %scan3A_488 : i32 to index
        %swap3A_599 = arith.constant 48 : index
        %swap3A_600 = tpu.vector_load %arg7[%swap3A_597, %swap3A_598, %swap3A_599] {strides = array<i32>} : memref<2x200x64xf32, #tpu.memory_space<vmem>>, vector<1x1x16xf32>,
        %swap3A_601 = vector.shape_cast %swap3A_600 : vector<1x1x16xf32> to vector<16xf32>
        %swap3A_602 = vector.shape_cast %add3A_595 : vector<16xf32> to vector<1x1x16xf32>
        tpu.vector_store %arg7[%swap3A_597, %swap3A_598, %swap3A_599], %swap3A_602 {strides = array<i32>} : memref<2x200x64xf32, #tpu.memory_space<vmem>>, vector<1x1x16xf32>,
        %get3A_603 = arith.constant 1 : i32
        %get3A_604 = arith.index_cast %get3A_603 : i32 to index
        %get3A_605 = arith.index_cast %scan3A_488 : i32 to index
        %get3A_606 = arith.constant 48 : index
        %get3A_607 = tpu.vector_load %arg7[%get3A_604, %get3A_605, %get3A_606] {strides = array<i32>} : memref<2x200x64xf32, #tpu.memory_space<vmem>>, vector<1x1x16xf32>,
        %get3A_608 = vector.shape_cast %get3A_607 : vector<1x1x16xf32> to vector<16xf32>
        %add3A_609 = arith.addf %get3A_608, %get3A_588 : vector<16xf32>
        %swap3A_610 = arith.constant 1 : i32
        %swap3A_611 = arith.index_cast %swap3A_610 : i32 to index
        %swap3A_612 = arith.index_cast %scan3A_488 : i32 to index
        %swap3A_613 = arith.constant 48 : index
        %swap3A_614 = tpu.vector_load %arg7[%swap3A_611, %swap3A_612, %swap3A_613] {strides = array<i32>} : memref<2x200x64xf32, #tpu.memory_space<vmem>>, vector<1x1x16xf32>,
        %swap3A_615 = vector.shape_cast %swap3A_614 : vector<1x1x16xf32> to vector<16xf32>
        %swap3A_616 = vector.shape_cast %add3A_609 : vector<16xf32> to vector<1x1x16xf32>
        tpu.vector_store %arg7[%swap3A_611, %swap3A_612, %swap3A_613], %swap3A_616 {strides = array<i32>} : memref<2x200x64xf32, #tpu.memory_space<vmem>>, vector<1x1x16xf32>,
        %scan3A_617 = arith.constant 3 : i32
        %scan3A_618 = arith.addi %scan3A_230, %scan3A_617 : i32
        %get3A_619 = arith.index_cast %scan3A_618 : i32 to index
        %get3A_620 = arith.constant 0 : index
        %get3A_621 = tpu.vector_load %arg9[%get3A_619, %get3A_620] {strides = array<i32>} : memref<200x64xf32, #tpu.memory_space<vmem>>, vector<1x16xf32>,
        %get3A_622 = vector.shape_cast %get3A_621 : vector<1x16xf32> to vector<16xf32>
        %get3A_623 = arith.constant 0 : i32
        %get3A_624 = arith.index_cast %get3A_623 : i32 to index
        %get3A_625 = arith.index_cast %scan3A_618 : i32 to index
        %get3A_626 = arith.constant 0 : index
        %get3A_627 = tpu.vector_load %arg7[%get3A_624, %get3A_625, %get3A_626] {strides = array<i32>} : memref<2x200x64xf32, #tpu.memory_space<vmem>>, vector<1x1x16xf32>,
        %get3A_628 = vector.shape_cast %get3A_627 : vector<1x1x16xf32> to vector<16xf32>
        %add3A_629 = arith.addf %get3A_628, %get3A_622 : vector<16xf32>
        %swap3A_630 = arith.constant 0 : i32
        %swap3A_631 = arith.index_cast %swap3A_630 : i32 to index
        %swap3A_632 = arith.index_cast %scan3A_618 : i32 to index
        %swap3A_633 = arith.constant 0 : index
        %swap3A_634 = tpu.vector_load %arg7[%swap3A_631, %swap3A_632, %swap3A_633] {strides = array<i32>} : memref<2x200x64xf32, #tpu.memory_space<vmem>>, vector<1x1x16xf32>,
        %swap3A_635 = vector.shape_cast %swap3A_634 : vector<1x1x16xf32> to vector<16xf32>
        %swap3A_636 = vector.shape_cast %add3A_629 : vector<16xf32> to vector<1x1x16xf32>
        tpu.vector_store %arg7[%swap3A_631, %swap3A_632, %swap3A_633], %swap3A_636 {strides = array<i32>} : memref<2x200x64xf32, #tpu.memory_space<vmem>>, vector<1x1x16xf32>,
        %get3A_637 = arith.constant 1 : i32
        %get3A_638 = arith.index_cast %get3A_637 : i32 to index
        %get3A_639 = arith.index_cast %scan3A_618 : i32 to index
        %get3A_640 = arith.constant 0 : index
        %get3A_641 = tpu.vector_load %arg7[%get3A_638, %get3A_639, %get3A_640] {strides = array<i32>} : memref<2x200x64xf32, #tpu.memory_space<vmem>>, vector<1x1x16xf32>,
        %get3A_642 = vector.shape_cast %get3A_641 : vector<1x1x16xf32> to vector<16xf32>
        %add3A_643 = arith.addf %get3A_642, %get3A_622 : vector<16xf32>
        %swap3A_644 = arith.constant 1 : i32
        %swap3A_645 = arith.index_cast %swap3A_644 : i32 to index
        %swap3A_646 = arith.index_cast %scan3A_618 : i32 to index
        %swap3A_647 = arith.constant 0 : index
        %swap3A_648 = tpu.vector_load %arg7[%swap3A_645, %swap3A_646, %swap3A_647] {strides = array<i32>} : memref<2x200x64xf32, #tpu.memory_space<vmem>>, vector<1x1x16xf32>,
        %swap3A_649 = vector.shape_cast %swap3A_648 : vector<1x1x16xf32> to vector<16xf32>
        %swap3A_650 = vector.shape_cast %add3A_643 : vector<16xf32> to vector<1x1x16xf32>
        tpu.vector_store %arg7[%swap3A_645, %swap3A_646, %swap3A_647], %swap3A_650 {strides = array<i32>} : memref<2x200x64xf32, #tpu.memory_space<vmem>>, vector<1x1x16xf32>,
        %get3A_651 = arith.index_cast %scan3A_618 : i32 to index
        %get3A_652 = arith.constant 16 : index
        %get3A_653 = tpu.vector_load %arg9[%get3A_651, %get3A_652] {strides = array<i32>} : memref<200x64xf32, #tpu.memory_space<vmem>>, vector<1x16xf32>,
        %get3A_654 = vector.shape_cast %get3A_653 : vector<1x16xf32> to vector<16xf32>
        %get3A_655 = arith.constant 0 : i32
        %get3A_656 = arith.index_cast %get3A_655 : i32 to index
        %get3A_657 = arith.index_cast %scan3A_618 : i32 to index
        %get3A_658 = arith.constant 16 : index
        %get3A_659 = tpu.vector_load %arg7[%get3A_656, %get3A_657, %get3A_658] {strides = array<i32>} : memref<2x200x64xf32, #tpu.memory_space<vmem>>, vector<1x1x16xf32>,
        %get3A_660 = vector.shape_cast %get3A_659 : vector<1x1x16xf32> to vector<16xf32>
        %add3A_661 = arith.addf %get3A_660, %get3A_654 : vector<16xf32>
        %swap3A_662 = arith.constant 0 : i32
        %swap3A_663 = arith.index_cast %swap3A_662 : i32 to index
        %swap3A_664 = arith.index_cast %scan3A_618 : i32 to index
        %swap3A_665 = arith.constant 16 : index
        %swap3A_666 = tpu.vector_load %arg7[%swap3A_663, %swap3A_664, %swap3A_665] {strides = array<i32>} : memref<2x200x64xf32, #tpu.memory_space<vmem>>, vector<1x1x16xf32>,
        %swap3A_667 = vector.shape_cast %swap3A_666 : vector<1x1x16xf32> to vector<16xf32>
        %swap3A_668 = vector.shape_cast %add3A_661 : vector<16xf32> to vector<1x1x16xf32>
        tpu.vector_store %arg7[%swap3A_663, %swap3A_664, %swap3A_665], %swap3A_668 {strides = array<i32>} : memref<2x200x64xf32, #tpu.memory_space<vmem>>, vector<1x1x16xf32>,
        %get3A_669 = arith.constant 1 : i32
        %get3A_670 = arith.index_cast %get3A_669 : i32 to index
        %get3A_671 = arith.index_cast %scan3A_618 : i32 to index
        %get3A_672 = arith.constant 16 : index
        %get3A_673 = tpu.vector_load %arg7[%get3A_670, %get3A_671, %get3A_672] {strides = array<i32>} : memref<2x200x64xf32, #tpu.memory_space<vmem>>, vector<1x1x16xf32>,
        %get3A_674 = vector.shape_cast %get3A_673 : vector<1x1x16xf32> to vector<16xf32>
        %add3A_675 = arith.addf %get3A_674, %get3A_654 : vector<16xf32>
        %swap3A_676 = arith.constant 1 : i32
        %swap3A_677 = arith.index_cast %swap3A_676 : i32 to index
        %swap3A_678 = arith.index_cast %scan3A_618 : i32 to index
        %swap3A_679 = arith.constant 16 : index
        %swap3A_680 = tpu.vector_load %arg7[%swap3A_677, %swap3A_678, %swap3A_679] {strides = array<i32>} : memref<2x200x64xf32, #tpu.memory_space<vmem>>, vector<1x1x16xf32>,
        %swap3A_681 = vector.shape_cast %swap3A_680 : vector<1x1x16xf32> to vector<16xf32>
        %swap3A_682 = vector.shape_cast %add3A_675 : vector<16xf32> to vector<1x1x16xf32>
        tpu.vector_store %arg7[%swap3A_677, %swap3A_678, %swap3A_679], %swap3A_682 {strides = array<i32>} : memref<2x200x64xf32, #tpu.memory_space<vmem>>, vector<1x1x16xf32>,
        %get3A_683 = arith.index_cast %scan3A_618 : i32 to index
        %get3A_684 = arith.constant 32 : index
        %get3A_685 = tpu.vector_load %arg9[%get3A_683, %get3A_684] {strides = array<i32>} : memref<200x64xf32, #tpu.memory_space<vmem>>, vector<1x16xf32>,
        %get3A_686 = vector.shape_cast %get3A_685 : vector<1x16xf32> to vector<16xf32>
        %get3A_687 = arith.constant 0 : i32
        %get3A_688 = arith.index_cast %get3A_687 : i32 to index
        %get3A_689 = arith.index_cast %scan3A_618 : i32 to index
        %get3A_690 = arith.constant 32 : index
        %get3A_691 = tpu.vector_load %arg7[%get3A_688, %get3A_689, %get3A_690] {strides = array<i32>} : memref<2x200x64xf32, #tpu.memory_space<vmem>>, vector<1x1x16xf32>,
        %get3A_692 = vector.shape_cast %get3A_691 : vector<1x1x16xf32> to vector<16xf32>
        %add3A_693 = arith.addf %get3A_692, %get3A_686 : vector<16xf32>
        %swap3A_694 = arith.constant 0 : i32
        %swap3A_695 = arith.index_cast %swap3A_694 : i32 to index
        %swap3A_696 = arith.index_cast %scan3A_618 : i32 to index
        %swap3A_697 = arith.constant 32 : index
        %swap3A_698 = tpu.vector_load %arg7[%swap3A_695, %swap3A_696, %swap3A_697] {strides = array<i32>} : memref<2x200x64xf32, #tpu.memory_space<vmem>>, vector<1x1x16xf32>,
        %swap3A_699 = vector.shape_cast %swap3A_698 : vector<1x1x16xf32> to vector<16xf32>
        %swap3A_700 = vector.shape_cast %add3A_693 : vector<16xf32> to vector<1x1x16xf32>
        tpu.vector_store %arg7[%swap3A_695, %swap3A_696, %swap3A_697], %swap3A_700 {strides = array<i32>} : memref<2x200x64xf32, #tpu.memory_space<vmem>>, vector<1x1x16xf32>,
        %get3A_701 = arith.constant 1 : i32
        %get3A_702 = arith.index_cast %get3A_701 : i32 to index
        %get3A_703 = arith.index_cast %scan3A_618 : i32 to index
        %get3A_704 = arith.constant 32 : index
        %get3A_705 = tpu.vector_load %arg7[%get3A_702, %get3A_703, %get3A_704] {strides = array<i32>} : memref<2x200x64xf32, #tpu.memory_space<vmem>>, vector<1x1x16xf32>,
        %get3A_706 = vector.shape_cast %get3A_705 : vector<1x1x16xf32> to vector<16xf32>
        %add3A_707 = arith.addf %get3A_706, %get3A_686 : vector<16xf32>
        %swap3A_708 = arith.constant 1 : i32
        %swap3A_709 = arith.index_cast %swap3A_708 : i32 to index
        %swap3A_710 = arith.index_cast %scan3A_618 : i32 to index
        %swap3A_711 = arith.constant 32 : index
        %swap3A_712 = tpu.vector_load %arg7[%swap3A_709, %swap3A_710, %swap3A_711] {strides = array<i32>} : memref<2x200x64xf32, #tpu.memory_space<vmem>>, vector<1x1x16xf32>,
        %swap3A_713 = vector.shape_cast %swap3A_712 : vector<1x1x16xf32> to vector<16xf32>
        %swap3A_714 = vector.shape_cast %add3A_707 : vector<16xf32> to vector<1x1x16xf32>
        tpu.vector_store %arg7[%swap3A_709, %swap3A_710, %swap3A_711], %swap3A_714 {strides = array<i32>} : memref<2x200x64xf32, #tpu.memory_space<vmem>>, vector<1x1x16xf32>,
        %get3A_715 = arith.index_cast %scan3A_618 : i32 to index
        %get3A_716 = arith.constant 48 : index
        %get3A_717 = tpu.vector_load %arg9[%get3A_715, %get3A_716] {strides = array<i32>} : memref<200x64xf32, #tpu.memory_space<vmem>>, vector<1x16xf32>,
        %get3A_718 = vector.shape_cast %get3A_717 : vector<1x16xf32> to vector<16xf32>
        %get3A_719 = arith.constant 0 : i32
        %get3A_720 = arith.index_cast %get3A_719 : i32 to index
        %get3A_721 = arith.index_cast %scan3A_618 : i32 to index
        %get3A_722 = arith.constant 48 : index
        %get3A_723 = tpu.vector_load %arg7[%get3A_720, %get3A_721, %get3A_722] {strides = array<i32>} : memref<2x200x64xf32, #tpu.memory_space<vmem>>, vector<1x1x16xf32>,
        %get3A_724 = vector.shape_cast %get3A_723 : vector<1x1x16xf32> to vector<16xf32>
        %add3A_725 = arith.addf %get3A_724, %get3A_718 : vector<16xf32>
        %swap3A_726 = arith.constant 0 : i32
        %swap3A_727 = arith.index_cast %swap3A_726 : i32 to index
        %swap3A_728 = arith.index_cast %scan3A_618 : i32 to index
        %swap3A_729 = arith.constant 48 : index
        %swap3A_730 = tpu.vector_load %arg7[%swap3A_727, %swap3A_728, %swap3A_729] {strides = array<i32>} : memref<2x200x64xf32, #tpu.memory_space<vmem>>, vector<1x1x16xf32>,
        %swap3A_731 = vector.shape_cast %swap3A_730 : vector<1x1x16xf32> to vector<16xf32>
        %swap3A_732 = vector.shape_cast %add3A_725 : vector<16xf32> to vector<1x1x16xf32>
        tpu.vector_store %arg7[%swap3A_727, %swap3A_728, %swap3A_729], %swap3A_732 {strides = array<i32>} : memref<2x200x64xf32, #tpu.memory_space<vmem>>, vector<1x1x16xf32>,
        %get3A_733 = arith.constant 1 : i32
        %get3A_734 = arith.index_cast %get3A_733 : i32 to index
        %get3A_735 = arith.index_cast %scan3A_618 : i32 to index
        %get3A_736 = arith.constant 48 : index
        %get3A_737 = tpu.vector_load %arg7[%get3A_734, %get3A_735, %get3A_736] {strides = array<i32>} : memref<2x200x64xf32, #tpu.memory_space<vmem>>, vector<1x1x16xf32>,
        %get3A_738 = vector.shape_cast %get3A_737 : vector<1x1x16xf32> to vector<16xf32>
        %add3A_739 = arith.addf %get3A_738, %get3A_718 : vector<16xf32>
        %swap3A_740 = arith.constant 1 : i32
        %swap3A_741 = arith.index_cast %swap3A_740 : i32 to index
        %swap3A_742 = arith.index_cast %scan3A_618 : i32 to index
        %swap3A_743 = arith.constant 48 : index
        %swap3A_744 = tpu.vector_load %arg7[%swap3A_741, %swap3A_742, %swap3A_743] {strides = array<i32>} : memref<2x200x64xf32, #tpu.memory_space<vmem>>, vector<1x1x16xf32>,
        %swap3A_745 = vector.shape_cast %swap3A_744 : vector<1x1x16xf32> to vector<16xf32>
        %swap3A_746 = vector.shape_cast %add3A_739 : vector<16xf32> to vector<1x1x16xf32>
        tpu.vector_store %arg7[%swap3A_741, %swap3A_742, %swap3A_743], %swap3A_746 {strides = array<i32>} : memref<2x200x64xf32, #tpu.memory_space<vmem>>, vector<1x1x16xf32>,
        %scan3A_747 = arith.constant 4 : i32
        %scan3A_748 = arith.addi %scan3A_230, %scan3A_747 : i32
        %get3A_749 = arith.index_cast %scan3A_748 : i32 to index
        %get3A_750 = arith.constant 0 : index
        %get3A_751 = tpu.vector_load %arg9[%get3A_749, %get3A_750] {strides = array<i32>} : memref<200x64xf32, #tpu.memory_space<vmem>>, vector<1x16xf32>,
        %get3A_752 = vector.shape_cast %get3A_751 : vector<1x16xf32> to vector<16xf32>
        %get3A_753 = arith.constant 0 : i32
        %get3A_754 = arith.index_cast %get3A_753 : i32 to index
        %get3A_755 = arith.index_cast %scan3A_748 : i32 to index
        %get3A_756 = arith.constant 0 : index
        %get3A_757 = tpu.vector_load %arg7[%get3A_754, %get3A_755, %get3A_756] {strides = array<i32>} : memref<2x200x64xf32, #tpu.memory_space<vmem>>, vector<1x1x16xf32>,
        %get3A_758 = vector.shape_cast %get3A_757 : vector<1x1x16xf32> to vector<16xf32>
        %add3A_759 = arith.addf %get3A_758, %get3A_752 : vector<16xf32>
        %swap3A_760 = arith.constant 0 : i32
        %swap3A_761 = arith.index_cast %swap3A_760 : i32 to index
        %swap3A_762 = arith.index_cast %scan3A_748 : i32 to index
        %swap3A_763 = arith.constant 0 : index
        %swap3A_764 = tpu.vector_load %arg7[%swap3A_761, %swap3A_762, %swap3A_763] {strides = array<i32>} : memref<2x200x64xf32, #tpu.memory_space<vmem>>, vector<1x1x16xf32>,
        %swap3A_765 = vector.shape_cast %swap3A_764 : vector<1x1x16xf32> to vector<16xf32>
        %swap3A_766 = vector.shape_cast %add3A_759 : vector<16xf32> to vector<1x1x16xf32>
        tpu.vector_store %arg7[%swap3A_761, %swap3A_762, %swap3A_763], %swap3A_766 {strides = array<i32>} : memref<2x200x64xf32, #tpu.memory_space<vmem>>, vector<1x1x16xf32>,
        %get3A_767 = arith.constant 1 : i32
        %get3A_768 = arith.index_cast %get3A_767 : i32 to index
        %get3A_769 = arith.index_cast %scan3A_748 : i32 to index
        %get3A_770 = arith.constant 0 : index
        %get3A_771 = tpu.vector_load %arg7[%get3A_768, %get3A_769, %get3A_770] {strides = array<i32>} : memref<2x200x64xf32, #tpu.memory_space<vmem>>, vector<1x1x16xf32>,
        %get3A_772 = vector.shape_cast %get3A_771 : vector<1x1x16xf32> to vector<16xf32>
        %add3A_773 = arith.addf %get3A_772, %get3A_752 : vector<16xf32>
        %swap3A_774 = arith.constant 1 : i32
        %swap3A_775 = arith.index_cast %swap3A_774 : i32 to index
        %swap3A_776 = arith.index_cast %scan3A_748 : i32 to index
        %swap3A_777 = arith.constant 0 : index
        %swap3A_778 = tpu.vector_load %arg7[%swap3A_775, %swap3A_776, %swap3A_777] {strides = array<i32>} : memref<2x200x64xf32, #tpu.memory_space<vmem>>, vector<1x1x16xf32>,
        %swap3A_779 = vector.shape_cast %swap3A_778 : vector<1x1x16xf32> to vector<16xf32>
        %swap3A_780 = vector.shape_cast %add3A_773 : vector<16xf32> to vector<1x1x16xf32>
        tpu.vector_store %arg7[%swap3A_775, %swap3A_776, %swap3A_777], %swap3A_780 {strides = array<i32>} : memref<2x200x64xf32, #tpu.memory_space<vmem>>, vector<1x1x16xf32>,
        %get3A_781 = arith.index_cast %scan3A_748 : i32 to index
        %get3A_782 = arith.constant 16 : index
        %get3A_783 = tpu.vector_load %arg9[%get3A_781, %get3A_782] {strides = array<i32>} : memref<200x64xf32, #tpu.memory_space<vmem>>, vector<1x16xf32>,
        %get3A_784 = vector.shape_cast %get3A_783 : vector<1x16xf32> to vector<16xf32>
        %get3A_785 = arith.constant 0 : i32
        %get3A_786 = arith.index_cast %get3A_785 : i32 to index
        %get3A_787 = arith.index_cast %scan3A_748 : i32 to index
        %get3A_788 = arith.constant 16 : index
        %get3A_789 = tpu.vector_load %arg7[%get3A_786, %get3A_787, %get3A_788] {strides = array<i32>} : memref<2x200x64xf32, #tpu.memory_space<vmem>>, vector<1x1x16xf32>,
        %get3A_790 = vector.shape_cast %get3A_789 : vector<1x1x16xf32> to vector<16xf32>
        %add3A_791 = arith.addf %get3A_790, %get3A_784 : vector<16xf32>
        %swap3A_792 = arith.constant 0 : i32
        %swap3A_793 = arith.index_cast %swap3A_792 : i32 to index
        %swap3A_794 = arith.index_cast %scan3A_748 : i32 to index
        %swap3A_795 = arith.constant 16 : index
        %swap3A_796 = tpu.vector_load %arg7[%swap3A_793, %swap3A_794, %swap3A_795] {strides = array<i32>} : memref<2x200x64xf32, #tpu.memory_space<vmem>>, vector<1x1x16xf32>,
        %swap3A_797 = vector.shape_cast %swap3A_796 : vector<1x1x16xf32> to vector<16xf32>
        %swap3A_798 = vector.shape_cast %add3A_791 : vector<16xf32> to vector<1x1x16xf32>
        tpu.vector_store %arg7[%swap3A_793, %swap3A_794, %swap3A_795], %swap3A_798 {strides = array<i32>} : memref<2x200x64xf32, #tpu.memory_space<vmem>>, vector<1x1x16xf32>,
        %get3A_799 = arith.constant 1 : i32
        %get3A_800 = arith.index_cast %get3A_799 : i32 to index
        %get3A_801 = arith.index_cast %scan3A_748 : i32 to index
        %get3A_802 = arith.constant 16 : index
        %get3A_803 = tpu.vector_load %arg7[%get3A_800, %get3A_801, %get3A_802] {strides = array<i32>} : memref<2x200x64xf32, #tpu.memory_space<vmem>>, vector<1x1x16xf32>,
        %get3A_804 = vector.shape_cast %get3A_803 : vector<1x1x16xf32> to vector<16xf32>
        %add3A_805 = arith.addf %get3A_804, %get3A_784 : vector<16xf32>
        %swap3A_806 = arith.constant 1 : i32
        %swap3A_807 = arith.index_cast %swap3A_806 : i32 to index
        %swap3A_808 = arith.index_cast %scan3A_748 : i32 to index
        %swap3A_809 = arith.constant 16 : index
        %swap3A_810 = tpu.vector_load %arg7[%swap3A_807, %swap3A_808, %swap3A_809] {strides = array<i32>} : memref<2x200x64xf32, #tpu.memory_space<vmem>>, vector<1x1x16xf32>,
        %swap3A_811 = vector.shape_cast %swap3A_810 : vector<1x1x16xf32> to vector<16xf32>
        %swap3A_812 = vector.shape_cast %add3A_805 : vector<16xf32> to vector<1x1x16xf32>
        tpu.vector_store %arg7[%swap3A_807, %swap3A_808, %swap3A_809], %swap3A_812 {strides = array<i32>} : memref<2x200x64xf32, #tpu.memory_space<vmem>>, vector<1x1x16xf32>,
        %get3A_813 = arith.index_cast %scan3A_748 : i32 to index
        %get3A_814 = arith.constant 32 : index
        %get3A_815 = tpu.vector_load %arg9[%get3A_813, %get3A_814] {strides = array<i32>} : memref<200x64xf32, #tpu.memory_space<vmem>>, vector<1x16xf32>,
        %get3A_816 = vector.shape_cast %get3A_815 : vector<1x16xf32> to vector<16xf32>
        %get3A_817 = arith.constant 0 : i32
        %get3A_818 = arith.index_cast %get3A_817 : i32 to index
        %get3A_819 = arith.index_cast %scan3A_748 : i32 to index
        %get3A_820 = arith.constant 32 : index
        %get3A_821 = tpu.vector_load %arg7[%get3A_818, %get3A_819, %get3A_820] {strides = array<i32>} : memref<2x200x64xf32, #tpu.memory_space<vmem>>, vector<1x1x16xf32>,
        %get3A_822 = vector.shape_cast %get3A_821 : vector<1x1x16xf32> to vector<16xf32>
        %add3A_823 = arith.addf %get3A_822, %get3A_816 : vector<16xf32>
        %swap3A_824 = arith.constant 0 : i32
        %swap3A_825 = arith.index_cast %swap3A_824 : i32 to index
        %swap3A_826 = arith.index_cast %scan3A_748 : i32 to index
        %swap3A_827 = arith.constant 32 : index
        %swap3A_828 = tpu.vector_load %arg7[%swap3A_825, %swap3A_826, %swap3A_827] {strides = array<i32>} : memref<2x200x64xf32, #tpu.memory_space<vmem>>, vector<1x1x16xf32>,
        %swap3A_829 = vector.shape_cast %swap3A_828 : vector<1x1x16xf32> to vector<16xf32>
        %swap3A_830 = vector.shape_cast %add3A_823 : vector<16xf32> to vector<1x1x16xf32>
        tpu.vector_store %arg7[%swap3A_825, %swap3A_826, %swap3A_827], %swap3A_830 {strides = array<i32>} : memref<2x200x64xf32, #tpu.memory_space<vmem>>, vector<1x1x16xf32>,
        %get3A_831 = arith.constant 1 : i32
        %get3A_832 = arith.index_cast %get3A_831 : i32 to index
        %get3A_833 = arith.index_cast %scan3A_748 : i32 to index
        %get3A_834 = arith.constant 32 : index
        %get3A_835 = tpu.vector_load %arg7[%get3A_832, %get3A_833, %get3A_834] {strides = array<i32>} : memref<2x200x64xf32, #tpu.memory_space<vmem>>, vector<1x1x16xf32>,
        %get3A_836 = vector.shape_cast %get3A_835 : vector<1x1x16xf32> to vector<16xf32>
        %add3A_837 = arith.addf %get3A_836, %get3A_816 : vector<16xf32>
        %swap3A_838 = arith.constant 1 : i32
        %swap3A_839 = arith.index_cast %swap3A_838 : i32 to index
        %swap3A_840 = arith.index_cast %scan3A_748 : i32 to index
        %swap3A_841 = arith.constant 32 : index
        %swap3A_842 = tpu.vector_load %arg7[%swap3A_839, %swap3A_840, %swap3A_841] {strides = array<i32>} : memref<2x200x64xf32, #tpu.memory_space<vmem>>, vector<1x1x16xf32>,
        %swap3A_843 = vector.shape_cast %swap3A_842 : vector<1x1x16xf32> to vector<16xf32>
        %swap3A_844 = vector.shape_cast %add3A_837 : vector<16xf32> to vector<1x1x16xf32>
        tpu.vector_store %arg7[%swap3A_839, %swap3A_840, %swap3A_841], %swap3A_844 {strides = array<i32>} : memref<2x200x64xf32, #tpu.memory_space<vmem>>, vector<1x1x16xf32>,
        %get3A_845 = arith.index_cast %scan3A_748 : i32 to index
        %get3A_846 = arith.constant 48 : index
        %get3A_847 = tpu.vector_load %arg9[%get3A_845, %get3A_846] {strides = array<i32>} : memref<200x64xf32, #tpu.memory_space<vmem>>, vector<1x16xf32>,
        %get3A_848 = vector.shape_cast %get3A_847 : vector<1x16xf32> to vector<16xf32>
        %get3A_849 = arith.constant 0 : i32
        %get3A_850 = arith.index_cast %get3A_849 : i32 to index
        %get3A_851 = arith.index_cast %scan3A_748 : i32 to index
        %get3A_852 = arith.constant 48 : index
        %get3A_853 = tpu.vector_load %arg7[%get3A_850, %get3A_851, %get3A_852] {strides = array<i32>} : memref<2x200x64xf32, #tpu.memory_space<vmem>>, vector<1x1x16xf32>,
        %get3A_854 = vector.shape_cast %get3A_853 : vector<1x1x16xf32> to vector<16xf32>
        %add3A_855 = arith.addf %get3A_854, %get3A_848 : vector<16xf32>
        %swap3A_856 = arith.constant 0 : i32
        %swap3A_857 = arith.index_cast %swap3A_856 : i32 to index
        %swap3A_858 = arith.index_cast %scan3A_748 : i32 to index
        %swap3A_859 = arith.constant 48 : index
        %swap3A_860 = tpu.vector_load %arg7[%swap3A_857, %swap3A_858, %swap3A_859] {strides = array<i32>} : memref<2x200x64xf32, #tpu.memory_space<vmem>>, vector<1x1x16xf32>,
        %swap3A_861 = vector.shape_cast %swap3A_860 : vector<1x1x16xf32> to vector<16xf32>
        %swap3A_862 = vector.shape_cast %add3A_855 : vector<16xf32> to vector<1x1x16xf32>
        tpu.vector_store %arg7[%swap3A_857, %swap3A_858, %swap3A_859], %swap3A_862 {strides = array<i32>} : memref<2x200x64xf32, #tpu.memory_space<vmem>>, vector<1x1x16xf32>,
        %get3A_863 = arith.constant 1 : i32
        %get3A_864 = arith.index_cast %get3A_863 : i32 to index
        %get3A_865 = arith.index_cast %scan3A_748 : i32 to index
        %get3A_866 = arith.constant 48 : index
        %get3A_867 = tpu.vector_load %arg7[%get3A_864, %get3A_865, %get3A_866] {strides = array<i32>} : memref<2x200x64xf32, #tpu.memory_space<vmem>>, vector<1x1x16xf32>,
        %get3A_868 = vector.shape_cast %get3A_867 : vector<1x1x16xf32> to vector<16xf32>
        %add3A_869 = arith.addf %get3A_868, %get3A_848 : vector<16xf32>
        %swap3A_870 = arith.constant 1 : i32
        %swap3A_871 = arith.index_cast %swap3A_870 : i32 to index
        %swap3A_872 = arith.index_cast %scan3A_748 : i32 to index
        %swap3A_873 = arith.constant 48 : index
        %swap3A_874 = tpu.vector_load %arg7[%swap3A_871, %swap3A_872, %swap3A_873] {strides = array<i32>} : memref<2x200x64xf32, #tpu.memory_space<vmem>>, vector<1x1x16xf32>,
        %swap3A_875 = vector.shape_cast %swap3A_874 : vector<1x1x16xf32> to vector<16xf32>
        %swap3A_876 = vector.shape_cast %add3A_869 : vector<16xf32> to vector<1x1x16xf32>
        tpu.vector_store %arg7[%swap3A_871, %swap3A_872, %swap3A_873], %swap3A_876 {strides = array<i32>} : memref<2x200x64xf32, #tpu.memory_space<vmem>>, vector<1x1x16xf32>,
        %scan3A_877 = arith.constant 5 : i32
        %scan3A_878 = arith.addi %scan3A_230, %scan3A_877 : i32
        %get3A_879 = arith.index_cast %scan3A_878 : i32 to index
        %get3A_880 = arith.constant 0 : index
        %get3A_881 = tpu.vector_load %arg9[%get3A_879, %get3A_880] {strides = array<i32>} : memref<200x64xf32, #tpu.memory_space<vmem>>, vector<1x16xf32>,
        %get3A_882 = vector.shape_cast %get3A_881 : vector<1x16xf32> to vector<16xf32>
        %get3A_883 = arith.constant 0 : i32
        %get3A_884 = arith.index_cast %get3A_883 : i32 to index
        %get3A_885 = arith.index_cast %scan3A_878 : i32 to index
        %get3A_886 = arith.constant 0 : index
        %get3A_887 = tpu.vector_load %arg7[%get3A_884, %get3A_885, %get3A_886] {strides = array<i32>} : memref<2x200x64xf32, #tpu.memory_space<vmem>>, vector<1x1x16xf32>,
        %get3A_888 = vector.shape_cast %get3A_887 : vector<1x1x16xf32> to vector<16xf32>
        %add3A_889 = arith.addf %get3A_888, %get3A_882 : vector<16xf32>
        %swap3A_890 = arith.constant 0 : i32
        %swap3A_891 = arith.index_cast %swap3A_890 : i32 to index
        %swap3A_892 = arith.index_cast %scan3A_878 : i32 to index
        %swap3A_893 = arith.constant 0 : index
        %swap3A_894 = tpu.vector_load %arg7[%swap3A_891, %swap3A_892, %swap3A_893] {strides = array<i32>} : memref<2x200x64xf32, #tpu.memory_space<vmem>>, vector<1x1x16xf32>,
        %swap3A_895 = vector.shape_cast %swap3A_894 : vector<1x1x16xf32> to vector<16xf32>
        %swap3A_896 = vector.shape_cast %add3A_889 : vector<16xf32> to vector<1x1x16xf32>
        tpu.vector_store %arg7[%swap3A_891, %swap3A_892, %swap3A_893], %swap3A_896 {strides = array<i32>} : memref<2x200x64xf32, #tpu.memory_space<vmem>>, vector<1x1x16xf32>,
        %get3A_897 = arith.constant 1 : i32
        %get3A_898 = arith.index_cast %get3A_897 : i32 to index
        %get3A_899 = arith.index_cast %scan3A_878 : i32 to index
        %get3A_900 = arith.constant 0 : index
        %get3A_901 = tpu.vector_load %arg7[%get3A_898, %get3A_899, %get3A_900] {strides = array<i32>} : memref<2x200x64xf32, #tpu.memory_space<vmem>>, vector<1x1x16xf32>,
        %get3A_902 = vector.shape_cast %get3A_901 : vector<1x1x16xf32> to vector<16xf32>
        %add3A_903 = arith.addf %get3A_902, %get3A_882 : vector<16xf32>
        %swap3A_904 = arith.constant 1 : i32
        %swap3A_905 = arith.index_cast %swap3A_904 : i32 to index
        %swap3A_906 = arith.index_cast %scan3A_878 : i32 to index
        %swap3A_907 = arith.constant 0 : index
        %swap3A_908 = tpu.vector_load %arg7[%swap3A_905, %swap3A_906, %swap3A_907] {strides = array<i32>} : memref<2x200x64xf32, #tpu.memory_space<vmem>>, vector<1x1x16xf32>,
        %swap3A_909 = vector.shape_cast %swap3A_908 : vector<1x1x16xf32> to vector<16xf32>
        %swap3A_910 = vector.shape_cast %add3A_903 : vector<16xf32> to vector<1x1x16xf32>
        tpu.vector_store %arg7[%swap3A_905, %swap3A_906, %swap3A_907], %swap3A_910 {strides = array<i32>} : memref<2x200x64xf32, #tpu.memory_space<vmem>>, vector<1x1x16xf32>,
        %get3A_911 = arith.index_cast %scan3A_878 : i32 to index
        %get3A_912 = arith.constant 16 : index
        %get3A_913 = tpu.vector_load %arg9[%get3A_911, %get3A_912] {strides = array<i32>} : memref<200x64xf32, #tpu.memory_space<vmem>>, vector<1x16xf32>,
        %get3A_914 = vector.shape_cast %get3A_913 : vector<1x16xf32> to vector<16xf32>
        %get3A_915 = arith.constant 0 : i32
        %get3A_916 = arith.index_cast %get3A_915 : i32 to index
        %get3A_917 = arith.index_cast %scan3A_878 : i32 to index
        %get3A_918 = arith.constant 16 : index
        %get3A_919 = tpu.vector_load %arg7[%get3A_916, %get3A_917, %get3A_918] {strides = array<i32>} : memref<2x200x64xf32, #tpu.memory_space<vmem>>, vector<1x1x16xf32>,
        %get3A_920 = vector.shape_cast %get3A_919 : vector<1x1x16xf32> to vector<16xf32>
        %add3A_921 = arith.addf %get3A_920, %get3A_914 : vector<16xf32>
        %swap3A_922 = arith.constant 0 : i32
        %swap3A_923 = arith.index_cast %swap3A_922 : i32 to index
        %swap3A_924 = arith.index_cast %scan3A_878 : i32 to index
        %swap3A_925 = arith.constant 16 : index
        %swap3A_926 = tpu.vector_load %arg7[%swap3A_923, %swap3A_924, %swap3A_925] {strides = array<i32>} : memref<2x200x64xf32, #tpu.memory_space<vmem>>, vector<1x1x16xf32>,
        %swap3A_927 = vector.shape_cast %swap3A_926 : vector<1x1x16xf32> to vector<16xf32>
        %swap3A_928 = vector.shape_cast %add3A_921 : vector<16xf32> to vector<1x1x16xf32>
        tpu.vector_store %arg7[%swap3A_923, %swap3A_924, %swap3A_925], %swap3A_928 {strides = array<i32>} : memref<2x200x64xf32, #tpu.memory_space<vmem>>, vector<1x1x16xf32>,
        %get3A_929 = arith.constant 1 : i32
        %get3A_930 = arith.index_cast %get3A_929 : i32 to index
        %get3A_931 = arith.index_cast %scan3A_878 : i32 to index
        %get3A_932 = arith.constant 16 : index
        %get3A_933 = tpu.vector_load %arg7[%get3A_930, %get3A_931, %get3A_932] {strides = array<i32>} : memref<2x200x64xf32, #tpu.memory_space<vmem>>, vector<1x1x16xf32>,
        %get3A_934 = vector.shape_cast %get3A_933 : vector<1x1x16xf32> to vector<16xf32>
        %add3A_935 = arith.addf %get3A_934, %get3A_914 : vector<16xf32>
        %swap3A_936 = arith.constant 1 : i32
        %swap3A_937 = arith.index_cast %swap3A_936 : i32 to index
        %swap3A_938 = arith.index_cast %scan3A_878 : i32 to index
        %swap3A_939 = arith.constant 16 : index
        %swap3A_940 = tpu.vector_load %arg7[%swap3A_937, %swap3A_938, %swap3A_939] {strides = array<i32>} : memref<2x200x64xf32, #tpu.memory_space<vmem>>, vector<1x1x16xf32>,
        %swap3A_941 = vector.shape_cast %swap3A_940 : vector<1x1x16xf32> to vector<16xf32>
        %swap3A_942 = vector.shape_cast %add3A_935 : vector<16xf32> to vector<1x1x16xf32>
        tpu.vector_store %arg7[%swap3A_937, %swap3A_938, %swap3A_939], %swap3A_942 {strides = array<i32>} : memref<2x200x64xf32, #tpu.memory_space<vmem>>, vector<1x1x16xf32>,
        %get3A_943 = arith.index_cast %scan3A_878 : i32 to index
        %get3A_944 = arith.constant 32 : index
        %get3A_945 = tpu.vector_load %arg9[%get3A_943, %get3A_944] {strides = array<i32>} : memref<200x64xf32, #tpu.memory_space<vmem>>, vector<1x16xf32>,
        %get3A_946 = vector.shape_cast %get3A_945 : vector<1x16xf32> to vector<16xf32>
        %get3A_947 = arith.constant 0 : i32
        %get3A_948 = arith.index_cast %get3A_947 : i32 to index
        %get3A_949 = arith.index_cast %scan3A_878 : i32 to index
        %get3A_950 = arith.constant 32 : index
        %get3A_951 = tpu.vector_load %arg7[%get3A_948, %get3A_949, %get3A_950] {strides = array<i32>} : memref<2x200x64xf32, #tpu.memory_space<vmem>>, vector<1x1x16xf32>,
        %get3A_952 = vector.shape_cast %get3A_951 : vector<1x1x16xf32> to vector<16xf32>
        %add3A_953 = arith.addf %get3A_952, %get3A_946 : vector<16xf32>
        %swap3A_954 = arith.constant 0 : i32
        %swap3A_955 = arith.index_cast %swap3A_954 : i32 to index
        %swap3A_956 = arith.index_cast %scan3A_878 : i32 to index
        %swap3A_957 = arith.constant 32 : index
        %swap3A_958 = tpu.vector_load %arg7[%swap3A_955, %swap3A_956, %swap3A_957] {strides = array<i32>} : memref<2x200x64xf32, #tpu.memory_space<vmem>>, vector<1x1x16xf32>,
        %swap3A_959 = vector.shape_cast %swap3A_958 : vector<1x1x16xf32> to vector<16xf32>
        %swap3A_960 = vector.shape_cast %add3A_953 : vector<16xf32> to vector<1x1x16xf32>
        tpu.vector_store %arg7[%swap3A_955, %swap3A_956, %swap3A_957], %swap3A_960 {strides = array<i32>} : memref<2x200x64xf32, #tpu.memory_space<vmem>>, vector<1x1x16xf32>,
        %get3A_961 = arith.constant 1 : i32
        %get3A_962 = arith.index_cast %get3A_961 : i32 to index
        %get3A_963 = arith.index_cast %scan3A_878 : i32 to index
        %get3A_964 = arith.constant 32 : index
        %get3A_965 = tpu.vector_load %arg7[%get3A_962, %get3A_963, %get3A_964] {strides = array<i32>} : memref<2x200x64xf32, #tpu.memory_space<vmem>>, vector<1x1x16xf32>,
        %get3A_966 = vector.shape_cast %get3A_965 : vector<1x1x16xf32> to vector<16xf32>
        %add3A_967 = arith.addf %get3A_966, %get3A_946 : vector<16xf32>
        %swap3A_968 = arith.constant 1 : i32
        %swap3A_969 = arith.index_cast %swap3A_968 : i32 to index
        %swap3A_970 = arith.index_cast %scan3A_878 : i32 to index
        %swap3A_971 = arith.constant 32 : index
        %swap3A_972 = tpu.vector_load %arg7[%swap3A_969, %swap3A_970, %swap3A_971] {strides = array<i32>} : memref<2x200x64xf32, #tpu.memory_space<vmem>>, vector<1x1x16xf32>,
        %swap3A_973 = vector.shape_cast %swap3A_972 : vector<1x1x16xf32> to vector<16xf32>
        %swap3A_974 = vector.shape_cast %add3A_967 : vector<16xf32> to vector<1x1x16xf32>
        tpu.vector_store %arg7[%swap3A_969, %swap3A_970, %swap3A_971], %swap3A_974 {strides = array<i32>} : memref<2x200x64xf32, #tpu.memory_space<vmem>>, vector<1x1x16xf32>,
        %get3A_975 = arith.index_cast %scan3A_878 : i32 to index
        %get3A_976 = arith.constant 48 : index
        %get3A_977 = tpu.vector_load %arg9[%get3A_975, %get3A_976] {strides = array<i32>} : memref<200x64xf32, #tpu.memory_space<vmem>>, vector<1x16xf32>,
        %get3A_978 = vector.shape_cast %get3A_977 : vector<1x16xf32> to vector<16xf32>
        %get3A_979 = arith.constant 0 : i32
        %get3A_980 = arith.index_cast %get3A_979 : i32 to index
        %get3A_981 = arith.index_cast %scan3A_878 : i32 to index
        %get3A_982 = arith.constant 48 : index
        %get3A_983 = tpu.vector_load %arg7[%get3A_980, %get3A_981, %get3A_982] {strides = array<i32>} : memref<2x200x64xf32, #tpu.memory_space<vmem>>, vector<1x1x16xf32>,
        %get3A_984 = vector.shape_cast %get3A_983 : vector<1x1x16xf32> to vector<16xf32>
        %add3A_985 = arith.addf %get3A_984, %get3A_978 : vector<16xf32>
        %swap3A_986 = arith.constant 0 : i32
        %swap3A_987 = arith.index_cast %swap3A_986 : i32 to index
        %swap3A_988 = arith.index_cast %scan3A_878 : i32 to index
        %swap3A_989 = arith.constant 48 : index
        %swap3A_990 = tpu.vector_load %arg7[%swap3A_987, %swap3A_988, %swap3A_989] {strides = array<i32>} : memref<2x200x64xf32, #tpu.memory_space<vmem>>, vector<1x1x16xf32>,
        %swap3A_991 = vector.shape_cast %swap3A_990 : vector<1x1x16xf32> to vector<16xf32>
        %swap3A_992 = vector.shape_cast %add3A_985 : vector<16xf32> to vector<1x1x16xf32>
        tpu.vector_store %arg7[%swap3A_987, %swap3A_988, %swap3A_989], %swap3A_992 {strides = array<i32>} : memref<2x200x64xf32, #tpu.memory_space<vmem>>, vector<1x1x16xf32>,
        %get3A_993 = arith.constant 1 : i32
        %get3A_994 = arith.index_cast %get3A_993 : i32 to index
        %get3A_995 = arith.index_cast %scan3A_878 : i32 to index
        %get3A_996 = arith.constant 48 : index
        %get3A_997 = tpu.vector_load %arg7[%get3A_994, %get3A_995, %get3A_996] {strides = array<i32>} : memref<2x200x64xf32, #tpu.memory_space<vmem>>, vector<1x1x16xf32>,
        %get3A_998 = vector.shape_cast %get3A_997 : vector<1x1x16xf32> to vector<16xf32>
        %add3A_999 = arith.addf %get3A_998, %get3A_978 : vector<16xf32>
        %swap3A_1000 = arith.constant 1 : i32
        %swap3A_1001 = arith.index_cast %swap3A_1000 : i32 to index
        %swap3A_1002 = arith.index_cast %scan3A_878 : i32 to index
        %swap3A_1003 = arith.constant 48 : index
        %swap3A_1004 = tpu.vector_load %arg7[%swap3A_1001, %swap3A_1002, %swap3A_1003] {strides = array<i32>} : memref<2x200x64xf32, #tpu.memory_space<vmem>>, vector<1x1x16xf32>,
        %swap3A_1005 = vector.shape_cast %swap3A_1004 : vector<1x1x16xf32> to vector<16xf32>
        %swap3A_1006 = vector.shape_cast %add3A_999 : vector<16xf32> to vector<1x1x16xf32>
        tpu.vector_store %arg7[%swap3A_1001, %swap3A_1002, %swap3A_1003], %swap3A_1006 {strides = array<i32>} : memref<2x200x64xf32, #tpu.memory_space<vmem>>, vector<1x1x16xf32>,
        %scan3A_1007 = arith.constant 6 : i32
        %scan3A_1008 = arith.addi %scan3A_230, %scan3A_1007 : i32
        %get3A_1009 = arith.index_cast %scan3A_1008 : i32 to index
        %get3A_1010 = arith.constant 0 : index
        %get3A_1011 = tpu.vector_load %arg9[%get3A_1009, %get3A_1010] {strides = array<i32>} : memref<200x64xf32, #tpu.memory_space<vmem>>, vector<1x16xf32>,
        %get3A_1012 = vector.shape_cast %get3A_1011 : vector<1x16xf32> to vector<16xf32>
        %get3A_1013 = arith.constant 0 : i32
        %get3A_1014 = arith.index_cast %get3A_1013 : i32 to index
        %get3A_1015 = arith.index_cast %scan3A_1008 : i32 to index
        %get3A_1016 = arith.constant 0 : index
        %get3A_1017 = tpu.vector_load %arg7[%get3A_1014, %get3A_1015, %get3A_1016] {strides = array<i32>} : memref<2x200x64xf32, #tpu.memory_space<vmem>>, vector<1x1x16xf32>,
        %get3A_1018 = vector.shape_cast %get3A_1017 : vector<1x1x16xf32> to vector<16xf32>
        %add3A_1019 = arith.addf %get3A_1018, %get3A_1012 : vector<16xf32>
        %swap3A_1020 = arith.constant 0 : i32
        %swap3A_1021 = arith.index_cast %swap3A_1020 : i32 to index
        %swap3A_1022 = arith.index_cast %scan3A_1008 : i32 to index
        %swap3A_1023 = arith.constant 0 : index
        %swap3A_1024 = tpu.vector_load %arg7[%swap3A_1021, %swap3A_1022, %swap3A_1023] {strides = array<i32>} : memref<2x200x64xf32, #tpu.memory_space<vmem>>, vector<1x1x16xf32>,
        %swap3A_1025 = vector.shape_cast %swap3A_1024 : vector<1x1x16xf32> to vector<16xf32>
        %swap3A_1026 = vector.shape_cast %add3A_1019 : vector<16xf32> to vector<1x1x16xf32>
        tpu.vector_store %arg7[%swap3A_1021, %swap3A_1022, %swap3A_1023], %swap3A_1026 {strides = array<i32>} : memref<2x200x64xf32, #tpu.memory_space<vmem>>, vector<1x1x16xf32>,
        %get3A_1027 = arith.constant 1 : i32
        %get3A_1028 = arith.index_cast %get3A_1027 : i32 to index
        %get3A_1029 = arith.index_cast %scan3A_1008 : i32 to index
        %get3A_1030 = arith.constant 0 : index
        %get3A_1031 = tpu.vector_load %arg7[%get3A_1028, %get3A_1029, %get3A_1030] {strides = array<i32>} : memref<2x200x64xf32, #tpu.memory_space<vmem>>, vector<1x1x16xf32>,
        %get3A_1032 = vector.shape_cast %get3A_1031 : vector<1x1x16xf32> to vector<16xf32>
        %add3A_1033 = arith.addf %get3A_1032, %get3A_1012 : vector<16xf32>
        %swap3A_1034 = arith.constant 1 : i32
        %swap3A_1035 = arith.index_cast %swap3A_1034 : i32 to index
        %swap3A_1036 = arith.index_cast %scan3A_1008 : i32 to index
        %swap3A_1037 = arith.constant 0 : index
        %swap3A_1038 = tpu.vector_load %arg7[%swap3A_1035, %swap3A_1036, %swap3A_1037] {strides = array<i32>} : memref<2x200x64xf32, #tpu.memory_space<vmem>>, vector<1x1x16xf32>,
        %swap3A_1039 = vector.shape_cast %swap3A_1038 : vector<1x1x16xf32> to vector<16xf32>
        %swap3A_1040 = vector.shape_cast %add3A_1033 : vector<16xf32> to vector<1x1x16xf32>
        tpu.vector_store %arg7[%swap3A_1035, %swap3A_1036, %swap3A_1037], %swap3A_1040 {strides = array<i32>} : memref<2x200x64xf32, #tpu.memory_space<vmem>>, vector<1x1x16xf32>,
        %get3A_1041 = arith.index_cast %scan3A_1008 : i32 to index
        %get3A_1042 = arith.constant 16 : index
        %get3A_1043 = tpu.vector_load %arg9[%get3A_1041, %get3A_1042] {strides = array<i32>} : memref<200x64xf32, #tpu.memory_space<vmem>>, vector<1x16xf32>,
        %get3A_1044 = vector.shape_cast %get3A_1043 : vector<1x16xf32> to vector<16xf32>
        %get3A_1045 = arith.constant 0 : i32
        %get3A_1046 = arith.index_cast %get3A_1045 : i32 to index
        %get3A_1047 = arith.index_cast %scan3A_1008 : i32 to index
        %get3A_1048 = arith.constant 16 : index
        %get3A_1049 = tpu.vector_load %arg7[%get3A_1046, %get3A_1047, %get3A_1048] {strides = array<i32>} : memref<2x200x64xf32, #tpu.memory_space<vmem>>, vector<1x1x16xf32>,
        %get3A_1050 = vector.shape_cast %get3A_1049 : vector<1x1x16xf32> to vector<16xf32>
        %add3A_1051 = arith.addf %get3A_1050, %get3A_1044 : vector<16xf32>
        %swap3A_1052 = arith.constant 0 : i32
        %swap3A_1053 = arith.index_cast %swap3A_1052 : i32 to index
        %swap3A_1054 = arith.index_cast %scan3A_1008 : i32 to index
        %swap3A_1055 = arith.constant 16 : index
        %swap3A_1056 = tpu.vector_load %arg7[%swap3A_1053, %swap3A_1054, %swap3A_1055] {strides = array<i32>} : memref<2x200x64xf32, #tpu.memory_space<vmem>>, vector<1x1x16xf32>,
        %swap3A_1057 = vector.shape_cast %swap3A_1056 : vector<1x1x16xf32> to vector<16xf32>
        %swap3A_1058 = vector.shape_cast %add3A_1051 : vector<16xf32> to vector<1x1x16xf32>
        tpu.vector_store %arg7[%swap3A_1053, %swap3A_1054, %swap3A_1055], %swap3A_1058 {strides = array<i32>} : memref<2x200x64xf32, #tpu.memory_space<vmem>>, vector<1x1x16xf32>,
        %get3A_1059 = arith.constant 1 : i32
        %get3A_1060 = arith.index_cast %get3A_1059 : i32 to index
        %get3A_1061 = arith.index_cast %scan3A_1008 : i32 to index
        %get3A_1062 = arith.constant 16 : index
        %get3A_1063 = tpu.vector_load %arg7[%get3A_1060, %get3A_1061, %get3A_1062] {strides = array<i32>} : memref<2x200x64xf32, #tpu.memory_space<vmem>>, vector<1x1x16xf32>,
        %get3A_1064 = vector.shape_cast %get3A_1063 : vector<1x1x16xf32> to vector<16xf32>
        %add3A_1065 = arith.addf %get3A_1064, %get3A_1044 : vector<16xf32>
        %swap3A_1066 = arith.constant 1 : i32
        %swap3A_1067 = arith.index_cast %swap3A_1066 : i32 to index
        %swap3A_1068 = arith.index_cast %scan3A_1008 : i32 to index
        %swap3A_1069 = arith.constant 16 : index
        %swap3A_1070 = tpu.vector_load %arg7[%swap3A_1067, %swap3A_1068, %swap3A_1069] {strides = array<i32>} : memref<2x200x64xf32, #tpu.memory_space<vmem>>, vector<1x1x16xf32>,
        %swap3A_1071 = vector.shape_cast %swap3A_1070 : vector<1x1x16xf32> to vector<16xf32>
        %swap3A_1072 = vector.shape_cast %add3A_1065 : vector<16xf32> to vector<1x1x16xf32>
        tpu.vector_store %arg7[%swap3A_1067, %swap3A_1068, %swap3A_1069], %swap3A_1072 {strides = array<i32>} : memref<2x200x64xf32, #tpu.memory_space<vmem>>, vector<1x1x16xf32>,
        %get3A_1073 = arith.index_cast %scan3A_1008 : i32 to index
        %get3A_1074 = arith.constant 32 : index
        %get3A_1075 = tpu.vector_load %arg9[%get3A_1073, %get3A_1074] {strides = array<i32>} : memref<200x64xf32, #tpu.memory_space<vmem>>, vector<1x16xf32>,
        %get3A_1076 = vector.shape_cast %get3A_1075 : vector<1x16xf32> to vector<16xf32>
        %get3A_1077 = arith.constant 0 : i32
        %get3A_1078 = arith.index_cast %get3A_1077 : i32 to index
        %get3A_1079 = arith.index_cast %scan3A_1008 : i32 to index
        %get3A_1080 = arith.constant 32 : index
        %get3A_1081 = tpu.vector_load %arg7[%get3A_1078, %get3A_1079, %get3A_1080] {strides = array<i32>} : memref<2x200x64xf32, #tpu.memory_space<vmem>>, vector<1x1x16xf32>,
        %get3A_1082 = vector.shape_cast %get3A_1081 : vector<1x1x16xf32> to vector<16xf32>
        %add3A_1083 = arith.addf %get3A_1082, %get3A_1076 : vector<16xf32>
        %swap3A_1084 = arith.constant 0 : i32
        %swap3A_1085 = arith.index_cast %swap3A_1084 : i32 to index
        %swap3A_1086 = arith.index_cast %scan3A_1008 : i32 to index
        %swap3A_1087 = arith.constant 32 : index
        %swap3A_1088 = tpu.vector_load %arg7[%swap3A_1085, %swap3A_1086, %swap3A_1087] {strides = array<i32>} : memref<2x200x64xf32, #tpu.memory_space<vmem>>, vector<1x1x16xf32>,
        %swap3A_1089 = vector.shape_cast %swap3A_1088 : vector<1x1x16xf32> to vector<16xf32>
        %swap3A_1090 = vector.shape_cast %add3A_1083 : vector<16xf32> to vector<1x1x16xf32>
        tpu.vector_store %arg7[%swap3A_1085, %swap3A_1086, %swap3A_1087], %swap3A_1090 {strides = array<i32>} : memref<2x200x64xf32, #tpu.memory_space<vmem>>, vector<1x1x16xf32>,
        %get3A_1091 = arith.constant 1 : i32
        %get3A_1092 = arith.index_cast %get3A_1091 : i32 to index
        %get3A_1093 = arith.index_cast %scan3A_1008 : i32 to index
        %get3A_1094 = arith.constant 32 : index
        %get3A_1095 = tpu.vector_load %arg7[%get3A_1092, %get3A_1093, %get3A_1094] {strides = array<i32>} : memref<2x200x64xf32, #tpu.memory_space<vmem>>, vector<1x1x16xf32>,
        %get3A_1096 = vector.shape_cast %get3A_1095 : vector<1x1x16xf32> to vector<16xf32>
        %add3A_1097 = arith.addf %get3A_1096, %get3A_1076 : vector<16xf32>
        %swap3A_1098 = arith.constant 1 : i32
        %swap3A_1099 = arith.index_cast %swap3A_1098 : i32 to index
        %swap3A_1100 = arith.index_cast %scan3A_1008 : i32 to index
        %swap3A_1101 = arith.constant 32 : index
        %swap3A_1102 = tpu.vector_load %arg7[%swap3A_1099, %swap3A_1100, %swap3A_1101] {strides = array<i32>} : memref<2x200x64xf32, #tpu.memory_space<vmem>>, vector<1x1x16xf32>,
        %swap3A_1103 = vector.shape_cast %swap3A_1102 : vector<1x1x16xf32> to vector<16xf32>
        %swap3A_1104 = vector.shape_cast %add3A_1097 : vector<16xf32> to vector<1x1x16xf32>
        tpu.vector_store %arg7[%swap3A_1099, %swap3A_1100, %swap3A_1101], %swap3A_1104 {strides = array<i32>} : memref<2x200x64xf32, #tpu.memory_space<vmem>>, vector<1x1x16xf32>,
        %get3A_1105 = arith.index_cast %scan3A_1008 : i32 to index
        %get3A_1106 = arith.constant 48 : index
        %get3A_1107 = tpu.vector_load %arg9[%get3A_1105, %get3A_1106] {strides = array<i32>} : memref<200x64xf32, #tpu.memory_space<vmem>>, vector<1x16xf32>,
        %get3A_1108 = vector.shape_cast %get3A_1107 : vector<1x16xf32> to vector<16xf32>
        %get3A_1109 = arith.constant 0 : i32
        %get3A_1110 = arith.index_cast %get3A_1109 : i32 to index
        %get3A_1111 = arith.index_cast %scan3A_1008 : i32 to index
        %get3A_1112 = arith.constant 48 : index
        %get3A_1113 = tpu.vector_load %arg7[%get3A_1110, %get3A_1111, %get3A_1112] {strides = array<i32>} : memref<2x200x64xf32, #tpu.memory_space<vmem>>, vector<1x1x16xf32>,
        %get3A_1114 = vector.shape_cast %get3A_1113 : vector<1x1x16xf32> to vector<16xf32>
        %add3A_1115 = arith.addf %get3A_1114, %get3A_1108 : vector<16xf32>
        %swap3A_1116 = arith.constant 0 : i32
        %swap3A_1117 = arith.index_cast %swap3A_1116 : i32 to index
        %swap3A_1118 = arith.index_cast %scan3A_1008 : i32 to index
        %swap3A_1119 = arith.constant 48 : index
        %swap3A_1120 = tpu.vector_load %arg7[%swap3A_1117, %swap3A_1118, %swap3A_1119] {strides = array<i32>} : memref<2x200x64xf32, #tpu.memory_space<vmem>>, vector<1x1x16xf32>,
        %swap3A_1121 = vector.shape_cast %swap3A_1120 : vector<1x1x16xf32> to vector<16xf32>
        %swap3A_1122 = vector.shape_cast %add3A_1115 : vector<16xf32> to vector<1x1x16xf32>
        tpu.vector_store %arg7[%swap3A_1117, %swap3A_1118, %swap3A_1119], %swap3A_1122 {strides = array<i32>} : memref<2x200x64xf32, #tpu.memory_space<vmem>>, vector<1x1x16xf32>,
        %get3A_1123 = arith.constant 1 : i32
        %get3A_1124 = arith.index_cast %get3A_1123 : i32 to index
        %get3A_1125 = arith.index_cast %scan3A_1008 : i32 to index
        %get3A_1126 = arith.constant 48 : index
        %get3A_1127 = tpu.vector_load %arg7[%get3A_1124, %get3A_1125, %get3A_1126] {strides = array<i32>} : memref<2x200x64xf32, #tpu.memory_space<vmem>>, vector<1x1x16xf32>,
        %get3A_1128 = vector.shape_cast %get3A_1127 : vector<1x1x16xf32> to vector<16xf32>
        %add3A_1129 = arith.addf %get3A_1128, %get3A_1108 : vector<16xf32>
        %swap3A_1130 = arith.constant 1 : i32
        %swap3A_1131 = arith.index_cast %swap3A_1130 : i32 to index
        %swap3A_1132 = arith.index_cast %scan3A_1008 : i32 to index
        %swap3A_1133 = arith.constant 48 : index
        %swap3A_1134 = tpu.vector_load %arg7[%swap3A_1131, %swap3A_1132, %swap3A_1133] {strides = array<i32>} : memref<2x200x64xf32, #tpu.memory_space<vmem>>, vector<1x1x16xf32>,
        %swap3A_1135 = vector.shape_cast %swap3A_1134 : vector<1x1x16xf32> to vector<16xf32>
        %swap3A_1136 = vector.shape_cast %add3A_1129 : vector<16xf32> to vector<1x1x16xf32>
        tpu.vector_store %arg7[%swap3A_1131, %swap3A_1132, %swap3A_1133], %swap3A_1136 {strides = array<i32>} : memref<2x200x64xf32, #tpu.memory_space<vmem>>, vector<1x1x16xf32>,
        %scan3A_1137 = arith.constant 7 : i32
        %scan3A_1138 = arith.addi %scan3A_230, %scan3A_1137 : i32
        %get3A_1139 = arith.index_cast %scan3A_1138 : i32 to index
        %get3A_1140 = arith.constant 0 : index
        %get3A_1141 = tpu.vector_load %arg9[%get3A_1139, %get3A_1140] {strides = array<i32>} : memref<200x64xf32, #tpu.memory_space<vmem>>, vector<1x16xf32>,
        %get3A_1142 = vector.shape_cast %get3A_1141 : vector<1x16xf32> to vector<16xf32>
        %get3A_1143 = arith.constant 0 : i32
        %get3A_1144 = arith.index_cast %get3A_1143 : i32 to index
        %get3A_1145 = arith.index_cast %scan3A_1138 : i32 to index
        %get3A_1146 = arith.constant 0 : index
        %get3A_1147 = tpu.vector_load %arg7[%get3A_1144, %get3A_1145, %get3A_1146] {strides = array<i32>} : memref<2x200x64xf32, #tpu.memory_space<vmem>>, vector<1x1x16xf32>,
        %get3A_1148 = vector.shape_cast %get3A_1147 : vector<1x1x16xf32> to vector<16xf32>
        %add3A_1149 = arith.addf %get3A_1148, %get3A_1142 : vector<16xf32>
        %swap3A_1150 = arith.constant 0 : i32
        %swap3A_1151 = arith.index_cast %swap3A_1150 : i32 to index
        %swap3A_1152 = arith.index_cast %scan3A_1138 : i32 to index
        %swap3A_1153 = arith.constant 0 : index
        %swap3A_1154 = tpu.vector_load %arg7[%swap3A_1151, %swap3A_1152, %swap3A_1153] {strides = array<i32>} : memref<2x200x64xf32, #tpu.memory_space<vmem>>, vector<1x1x16xf32>,
        %swap3A_1155 = vector.shape_cast %swap3A_1154 : vector<1x1x16xf32> to vector<16xf32>
        %swap3A_1156 = vector.shape_cast %add3A_1149 : vector<16xf32> to vector<1x1x16xf32>
        tpu.vector_store %arg7[%swap3A_1151, %swap3A_1152, %swap3A_1153], %swap3A_1156 {strides = array<i32>} : memref<2x200x64xf32, #tpu.memory_space<vmem>>, vector<1x1x16xf32>,
        %get3A_1157 = arith.constant 1 : i32
        %get3A_1158 = arith.index_cast %get3A_1157 : i32 to index
        %get3A_1159 = arith.index_cast %scan3A_1138 : i32 to index
        %get3A_1160 = arith.constant 0 : index
        %get3A_1161 = tpu.vector_load %arg7[%get3A_1158, %get3A_1159, %get3A_1160] {strides = array<i32>} : memref<2x200x64xf32, #tpu.memory_space<vmem>>, vector<1x1x16xf32>,
        %get3A_1162 = vector.shape_cast %get3A_1161 : vector<1x1x16xf32> to vector<16xf32>
        %add3A_1163 = arith.addf %get3A_1162, %get3A_1142 : vector<16xf32>
        %swap3A_1164 = arith.constant 1 : i32
        %swap3A_1165 = arith.index_cast %swap3A_1164 : i32 to index
        %swap3A_1166 = arith.index_cast %scan3A_1138 : i32 to index
        %swap3A_1167 = arith.constant 0 : index
        %swap3A_1168 = tpu.vector_load %arg7[%swap3A_1165, %swap3A_1166, %swap3A_1167] {strides = array<i32>} : memref<2x200x64xf32, #tpu.memory_space<vmem>>, vector<1x1x16xf32>,
        %swap3A_1169 = vector.shape_cast %swap3A_1168 : vector<1x1x16xf32> to vector<16xf32>
        %swap3A_1170 = vector.shape_cast %add3A_1163 : vector<16xf32> to vector<1x1x16xf32>
        tpu.vector_store %arg7[%swap3A_1165, %swap3A_1166, %swap3A_1167], %swap3A_1170 {strides = array<i32>} : memref<2x200x64xf32, #tpu.memory_space<vmem>>, vector<1x1x16xf32>,
        %get3A_1171 = arith.index_cast %scan3A_1138 : i32 to index
        %get3A_1172 = arith.constant 16 : index
        %get3A_1173 = tpu.vector_load %arg9[%get3A_1171, %get3A_1172] {strides = array<i32>} : memref<200x64xf32, #tpu.memory_space<vmem>>, vector<1x16xf32>,
        %get3A_1174 = vector.shape_cast %get3A_1173 : vector<1x16xf32> to vector<16xf32>
        %get3A_1175 = arith.constant 0 : i32
        %get3A_1176 = arith.index_cast %get3A_1175 : i32 to index
        %get3A_1177 = arith.index_cast %scan3A_1138 : i32 to index
        %get3A_1178 = arith.constant 16 : index
        %get3A_1179 = tpu.vector_load %arg7[%get3A_1176, %get3A_1177, %get3A_1178] {strides = array<i32>} : memref<2x200x64xf32, #tpu.memory_space<vmem>>, vector<1x1x16xf32>,
        %get3A_1180 = vector.shape_cast %get3A_1179 : vector<1x1x16xf32> to vector<16xf32>
        %add3A_1181 = arith.addf %get3A_1180, %get3A_1174 : vector<16xf32>
        %swap3A_1182 = arith.constant 0 : i32
        %swap3A_1183 = arith.index_cast %swap3A_1182 : i32 to index
        %swap3A_1184 = arith.index_cast %scan3A_1138 : i32 to index
        %swap3A_1185 = arith.constant 16 : index
        %swap3A_1186 = tpu.vector_load %arg7[%swap3A_1183, %swap3A_1184, %swap3A_1185] {strides = array<i32>} : memref<2x200x64xf32, #tpu.memory_space<vmem>>, vector<1x1x16xf32>,
        %swap3A_1187 = vector.shape_cast %swap3A_1186 : vector<1x1x16xf32> to vector<16xf32>
        %swap3A_1188 = vector.shape_cast %add3A_1181 : vector<16xf32> to vector<1x1x16xf32>
        tpu.vector_store %arg7[%swap3A_1183, %swap3A_1184, %swap3A_1185], %swap3A_1188 {strides = array<i32>} : memref<2x200x64xf32, #tpu.memory_space<vmem>>, vector<1x1x16xf32>,
        %get3A_1189 = arith.constant 1 : i32
        %get3A_1190 = arith.index_cast %get3A_1189 : i32 to index
        %get3A_1191 = arith.index_cast %scan3A_1138 : i32 to index
        %get3A_1192 = arith.constant 16 : index
        %get3A_1193 = tpu.vector_load %arg7[%get3A_1190, %get3A_1191, %get3A_1192] {strides = array<i32>} : memref<2x200x64xf32, #tpu.memory_space<vmem>>, vector<1x1x16xf32>,
        %get3A_1194 = vector.shape_cast %get3A_1193 : vector<1x1x16xf32> to vector<16xf32>
        %add3A_1195 = arith.addf %get3A_1194, %get3A_1174 : vector<16xf32>
        %swap3A_1196 = arith.constant 1 : i32
        %swap3A_1197 = arith.index_cast %swap3A_1196 : i32 to index
        %swap3A_1198 = arith.index_cast %scan3A_1138 : i32 to index
        %swap3A_1199 = arith.constant 16 : index
        %swap3A_1200 = tpu.vector_load %arg7[%swap3A_1197, %swap3A_1198, %swap3A_1199] {strides = array<i32>} : memref<2x200x64xf32, #tpu.memory_space<vmem>>, vector<1x1x16xf32>,
        %swap3A_1201 = vector.shape_cast %swap3A_1200 : vector<1x1x16xf32> to vector<16xf32>
        %swap3A_1202 = vector.shape_cast %add3A_1195 : vector<16xf32> to vector<1x1x16xf32>
        tpu.vector_store %arg7[%swap3A_1197, %swap3A_1198, %swap3A_1199], %swap3A_1202 {strides = array<i32>} : memref<2x200x64xf32, #tpu.memory_space<vmem>>, vector<1x1x16xf32>,
        %get3A_1203 = arith.index_cast %scan3A_1138 : i32 to index
        %get3A_1204 = arith.constant 32 : index
        %get3A_1205 = tpu.vector_load %arg9[%get3A_1203, %get3A_1204] {strides = array<i32>} : memref<200x64xf32, #tpu.memory_space<vmem>>, vector<1x16xf32>,
        %get3A_1206 = vector.shape_cast %get3A_1205 : vector<1x16xf32> to vector<16xf32>
        %get3A_1207 = arith.constant 0 : i32
        %get3A_1208 = arith.index_cast %get3A_1207 : i32 to index
        %get3A_1209 = arith.index_cast %scan3A_1138 : i32 to index
        %get3A_1210 = arith.constant 32 : index
        %get3A_1211 = tpu.vector_load %arg7[%get3A_1208, %get3A_1209, %get3A_1210] {strides = array<i32>} : memref<2x200x64xf32, #tpu.memory_space<vmem>>, vector<1x1x16xf32>,
        %get3A_1212 = vector.shape_cast %get3A_1211 : vector<1x1x16xf32> to vector<16xf32>
        %add3A_1213 = arith.addf %get3A_1212, %get3A_1206 : vector<16xf32>
        %swap3A_1214 = arith.constant 0 : i32
        %swap3A_1215 = arith.index_cast %swap3A_1214 : i32 to index
        %swap3A_1216 = arith.index_cast %scan3A_1138 : i32 to index
        %swap3A_1217 = arith.constant 32 : index
        %swap3A_1218 = tpu.vector_load %arg7[%swap3A_1215, %swap3A_1216, %swap3A_1217] {strides = array<i32>} : memref<2x200x64xf32, #tpu.memory_space<vmem>>, vector<1x1x16xf32>,
        %swap3A_1219 = vector.shape_cast %swap3A_1218 : vector<1x1x16xf32> to vector<16xf32>
        %swap3A_1220 = vector.shape_cast %add3A_1213 : vector<16xf32> to vector<1x1x16xf32>
        tpu.vector_store %arg7[%swap3A_1215, %swap3A_1216, %swap3A_1217], %swap3A_1220 {strides = array<i32>} : memref<2x200x64xf32, #tpu.memory_space<vmem>>, vector<1x1x16xf32>,
        %get3A_1221 = arith.constant 1 : i32
        %get3A_1222 = arith.index_cast %get3A_1221 : i32 to index
        %get3A_1223 = arith.index_cast %scan3A_1138 : i32 to index
        %get3A_1224 = arith.constant 32 : index
        %get3A_1225 = tpu.vector_load %arg7[%get3A_1222, %get3A_1223, %get3A_1224] {strides = array<i32>} : memref<2x200x64xf32, #tpu.memory_space<vmem>>, vector<1x1x16xf32>,
        %get3A_1226 = vector.shape_cast %get3A_1225 : vector<1x1x16xf32> to vector<16xf32>
        %add3A_1227 = arith.addf %get3A_1226, %get3A_1206 : vector<16xf32>
        %swap3A_1228 = arith.constant 1 : i32
        %swap3A_1229 = arith.index_cast %swap3A_1228 : i32 to index
        %swap3A_1230 = arith.index_cast %scan3A_1138 : i32 to index
        %swap3A_1231 = arith.constant 32 : index
        %swap3A_1232 = tpu.vector_load %arg7[%swap3A_1229, %swap3A_1230, %swap3A_1231] {strides = array<i32>} : memref<2x200x64xf32, #tpu.memory_space<vmem>>, vector<1x1x16xf32>,
        %swap3A_1233 = vector.shape_cast %swap3A_1232 : vector<1x1x16xf32> to vector<16xf32>
        %swap3A_1234 = vector.shape_cast %add3A_1227 : vector<16xf32> to vector<1x1x16xf32>
        tpu.vector_store %arg7[%swap3A_1229, %swap3A_1230, %swap3A_1231], %swap3A_1234 {strides = array<i32>} : memref<2x200x64xf32, #tpu.memory_space<vmem>>, vector<1x1x16xf32>,
        %get3A_1235 = arith.index_cast %scan3A_1138 : i32 to index
        %get3A_1236 = arith.constant 48 : index
        %get3A_1237 = tpu.vector_load %arg9[%get3A_1235, %get3A_1236] {strides = array<i32>} : memref<200x64xf32, #tpu.memory_space<vmem>>, vector<1x16xf32>,
        %get3A_1238 = vector.shape_cast %get3A_1237 : vector<1x16xf32> to vector<16xf32>
        %get3A_1239 = arith.constant 0 : i32
        %get3A_1240 = arith.index_cast %get3A_1239 : i32 to index
        %get3A_1241 = arith.index_cast %scan3A_1138 : i32 to index
        %get3A_1242 = arith.constant 48 : index
        %get3A_1243 = tpu.vector_load %arg7[%get3A_1240, %get3A_1241, %get3A_1242] {strides = array<i32>} : memref<2x200x64xf32, #tpu.memory_space<vmem>>, vector<1x1x16xf32>,
        %get3A_1244 = vector.shape_cast %get3A_1243 : vector<1x1x16xf32> to vector<16xf32>
        %add3A_1245 = arith.addf %get3A_1244, %get3A_1238 : vector<16xf32>
        %swap3A_1246 = arith.constant 0 : i32
        %swap3A_1247 = arith.index_cast %swap3A_1246 : i32 to index
        %swap3A_1248 = arith.index_cast %scan3A_1138 : i32 to index
        %swap3A_1249 = arith.constant 48 : index
        %swap3A_1250 = tpu.vector_load %arg7[%swap3A_1247, %swap3A_1248, %swap3A_1249] {strides = array<i32>} : memref<2x200x64xf32, #tpu.memory_space<vmem>>, vector<1x1x16xf32>,
        %swap3A_1251 = vector.shape_cast %swap3A_1250 : vector<1x1x16xf32> to vector<16xf32>
        %swap3A_1252 = vector.shape_cast %add3A_1245 : vector<16xf32> to vector<1x1x16xf32>
        tpu.vector_store %arg7[%swap3A_1247, %swap3A_1248, %swap3A_1249], %swap3A_1252 {strides = array<i32>} : memref<2x200x64xf32, #tpu.memory_space<vmem>>, vector<1x1x16xf32>,
        %get3A_1253 = arith.constant 1 : i32
        %get3A_1254 = arith.index_cast %get3A_1253 : i32 to index
        %get3A_1255 = arith.index_cast %scan3A_1138 : i32 to index
        %get3A_1256 = arith.constant 48 : index
        %get3A_1257 = tpu.vector_load %arg7[%get3A_1254, %get3A_1255, %get3A_1256] {strides = array<i32>} : memref<2x200x64xf32, #tpu.memory_space<vmem>>, vector<1x1x16xf32>,
        %get3A_1258 = vector.shape_cast %get3A_1257 : vector<1x1x16xf32> to vector<16xf32>
        %add3A_1259 = arith.addf %get3A_1258, %get3A_1238 : vector<16xf32>
        %swap3A_1260 = arith.constant 1 : i32
        %swap3A_1261 = arith.index_cast %swap3A_1260 : i32 to index
        %swap3A_1262 = arith.index_cast %scan3A_1138 : i32 to index
        %swap3A_1263 = arith.constant 48 : index
        %swap3A_1264 = tpu.vector_load %arg7[%swap3A_1261, %swap3A_1262, %swap3A_1263] {strides = array<i32>} : memref<2x200x64xf32, #tpu.memory_space<vmem>>, vector<1x1x16xf32>,
        %swap3A_1265 = vector.shape_cast %swap3A_1264 : vector<1x1x16xf32> to vector<16xf32>
        %swap3A_1266 = vector.shape_cast %add3A_1259 : vector<16xf32> to vector<1x1x16xf32>
        tpu.vector_store %arg7[%swap3A_1261, %swap3A_1262, %swap3A_1263], %swap3A_1266 {strides = array<i32>} : memref<2x200x64xf32, #tpu.memory_space<vmem>>, vector<1x1x16xf32>,
      }
      %scan3A_141 = arith.constant 200 : i32
      %mul3A_142 = arith.constant 2 : i32
      %mul3A_143 = arith.muli %mul3A_64, %mul3A_142 : i32
      %add3A_144 = arith.addi %mul3A_2, %mul3A_143 : i32
      "tpu.region"() ({
        %run_scoped3A = tpu.sem_alloc : memref<!tpu.dma_semaphore, #tpu.memory_space<semaphore_mem>>
        %dma_start3A_230 = arith.constant 0 : i32
        %dma_start3A_231 = arith.constant 0 : i32
        %dma_start3A_232 = tpu.memref_slice %arg5[%add3A_144, %dma_start3A_230, %dma_start3A_231] : memref<4096x200x64xf32, #tpu.memory_space<hbm>> -> memref<2x200x64xf32, #tpu.memory_space<hbm>>
        %dma_start3A_233 = arith.constant 0 : i32
        %dma_start3A_234 = arith.constant 0 : i32
        %dma_start3A_235 = tpu.memref_slice %arg5[%add3A_144, %dma_start3A_233, %dma_start3A_234] : memref<4096x200x64xf32, #tpu.memory_space<hbm>> -> memref<2x200x64xf32, #tpu.memory_space<hbm>>
        tpu.enqueue_dma source(%arg7 : memref<2x200x64xf32, #tpu.memory_space<vmem>>) target(%dma_start3A_235 : memref<2x200x64xf32, #tpu.memory_space<hbm>>) target_semaphore(%run_scoped3A : memref<!tpu.dma_semaphore, #tpu.memory_space<semaphore_mem>>)
        %dma_wait3A_236 = arith.constant 0 : i32
        %dma_wait3A_237 = arith.constant 0 : i32
        %dma_wait3A_238 = tpu.memref_slice %arg5[%add3A_144, %dma_wait3A_236, %dma_wait3A_237] : memref<4096x200x64xf32, #tpu.memory_space<hbm>> -> memref<2x200x64xf32, #tpu.memory_space<hbm>>
        %dma_wait3A_239 = arith.constant 0 : i32
        %dma_wait3A_240 = arith.constant 0 : i32
        %dma_wait3A_241 = tpu.memref_slice %arg5[%add3A_144, %dma_wait3A_239, %dma_wait3A_240] : memref<4096x200x64xf32, #tpu.memory_space<hbm>> -> memref<2x200x64xf32, #tpu.memory_space<hbm>>
        tpu.wait_dma2 semaphore(%run_scoped3A : memref<!tpu.dma_semaphore, #tpu.memory_space<semaphore_mem>>) src(%arg7 : memref<2x200x64xf32, #tpu.memory_space<vmem>>) dst(%dma_wait3A_241 : memref<2x200x64xf32, #tpu.memory_space<hbm>>)
        tpu.yield
      }) : () -> ()
      %mul3A_145 = arith.constant 2 : i32
      %mul3A_146 = arith.muli %mul3A_145, %scan3A_62 : i32
      %add3A_147 = arith.constant 1 : i32
      %add3A_148 = arith.addi %mul3A_146, %add3A_147 : i32
      %add3A_149 = arith.constant 1 : i32
      %add3A_150 = arith.addi %add3A_148, %add3A_149 : i32
      %min3A_151 = arith.constant 63 : i32
      %min3A_152 = arith.minsi %add3A_150, %min3A_151 : i32
      %mul3A_153 = arith.constant 2 : i32
      %mul3A_154 = arith.muli %min3A_152, %mul3A_153 : i32
      %add3A_155 = arith.constant 0 : i32
      %add3A_156 = arith.addi %mul3A_154, %add3A_155 : i32
      %dma_start3A_157 = arith.constant 0 : i32
      %dma_start3A_158 = arith.constant 0 : i32
      %dma_start3A_159 = arith.constant 0 : i32
      %dma_start3A_160 = tpu.memref_slice %arg7[%dma_start3A_157, %dma_start3A_158, %dma_start3A_159] : memref<2x200x64xf32, #tpu.memory_space<vmem>> -> memref<1x104x64xf32, #tpu.memory_space<vmem>>
      %dma_start3A_161 = tpu.memref_squeeze %dma_start3A_160 : memref<1x104x64xf32, #tpu.memory_space<vmem>> -> memref<104x64xf32, #tpu.memory_space<vmem>>
      %dma_start3A_162 = arith.constant 0 : i32
      %dma_start3A_163 = tpu.memref_slice %arg6[%add3A_156, %dma_start3A_162] : memref<128x200xi32, #tpu.memory_space<vmem>> -> memref<1x104xi32, #tpu.memory_space<vmem>>
      %dma_start3A_164 = tpu.memref_squeeze %dma_start3A_163 : memref<1x104xi32, #tpu.memory_space<vmem>> -> memref<104xi32, #tpu.memory_space<vmem>>
      %dma_start3A_165 = arith.constant 0 : i32
      %dma_start3A_166 = arith.constant 0 : i32
      %dma_start3A_167 = tpu.memref_slice %arg4[%dma_start3A_165, %dma_start3A_166] : memref<100001x64xf32, #tpu.memory_space<hbm>> -> memref<100001x64xf32, #tpu.memory_space<hbm>>
      tpu.enqueue_indirect_dma source(%dma_start3A_167 : memref<100001x64xf32, #tpu.memory_space<hbm>>) target(%dma_start3A_161 : memref<104x64xf32, #tpu.memory_space<vmem>>) offsets(%dma_start3A_164 : memref<104xi32, #tpu.memory_space<vmem>>) semaphore(%arg10 : memref<!tpu.dma_semaphore, #tpu.memory_space<semaphore_mem>>)
      %mul3A_168 = arith.constant 2 : i32
      %mul3A_169 = arith.muli %min3A_152, %mul3A_168 : i32
      %add3A_170 = arith.constant 0 : i32
      %add3A_171 = arith.addi %mul3A_169, %add3A_170 : i32
      %dma_start3A_172 = arith.constant 0 : i32
      %dma_start3A_173 = arith.constant 104 : i32
      %dma_start3A_174 = arith.constant 0 : i32
      %dma_start3A_175 = tpu.memref_slice %arg7[%dma_start3A_172, %dma_start3A_173, %dma_start3A_174] : memref<2x200x64xf32, #tpu.memory_space<vmem>> -> memref<1x96x64xf32, #tpu.memory_space<vmem>>
      %dma_start3A_176 = tpu.memref_squeeze %dma_start3A_175 : memref<1x96x64xf32, #tpu.memory_space<vmem>> -> memref<96x64xf32, #tpu.memory_space<vmem>>
      %dma_start3A_177 = arith.constant 104 : i32
      %dma_start3A_178 = tpu.memref_slice %arg6[%add3A_171, %dma_start3A_177] : memref<128x200xi32, #tpu.memory_space<vmem>> -> memref<1x96xi32, #tpu.memory_space<vmem>>
      %dma_start3A_179 = tpu.memref_squeeze %dma_start3A_178 : memref<1x96xi32, #tpu.memory_space<vmem>> -> memref<96xi32, #tpu.memory_space<vmem>>
      %dma_start3A_180 = arith.constant 0 : i32
      %dma_start3A_181 = arith.constant 0 : i32
      %dma_start3A_182 = tpu.memref_slice %arg4[%dma_start3A_180, %dma_start3A_181] : memref<100001x64xf32, #tpu.memory_space<hbm>> -> memref<100001x64xf32, #tpu.memory_space<hbm>>
      tpu.enqueue_indirect_dma source(%dma_start3A_182 : memref<100001x64xf32, #tpu.memory_space<hbm>>) target(%dma_start3A_176 : memref<96x64xf32, #tpu.memory_space<vmem>>) offsets(%dma_start3A_179 : memref<96xi32, #tpu.memory_space<vmem>>) semaphore(%arg10 : memref<!tpu.dma_semaphore, #tpu.memory_space<semaphore_mem>>)
      %mul3A_183 = arith.constant 2 : i32
      %mul3A_184 = arith.muli %min3A_152, %mul3A_183 : i32
      %add3A_185 = arith.constant 1 : i32
      %add3A_186 = arith.addi %mul3A_184, %add3A_185 : i32
      %dma_start3A_187 = arith.constant 1 : i32
      %dma_start3A_188 = arith.constant 0 : i32
      %dma_start3A_189 = arith.constant 0 : i32
      %dma_start3A_190 = tpu.memref_slice %arg7[%dma_start3A_187, %dma_start3A_188, %dma_start3A_189] : memref<2x200x64xf32, #tpu.memory_space<vmem>> -> memref<1x104x64xf32, #tpu.memory_space<vmem>>
      %dma_start3A_191 = tpu.memref_squeeze %dma_start3A_190 : memref<1x104x64xf32, #tpu.memory_space<vmem>> -> memref<104x64xf32, #tpu.memory_space<vmem>>
      %dma_start3A_192 = arith.constant 0 : i32
      %dma_start3A_193 = tpu.memref_slice %arg6[%add3A_186, %dma_start3A_192] : memref<128x200xi32, #tpu.memory_space<vmem>> -> memref<1x104xi32, #tpu.memory_space<vmem>>
      %dma_start3A_194 = tpu.memref_squeeze %dma_start3A_193 : memref<1x104xi32, #tpu.memory_space<vmem>> -> memref<104xi32, #tpu.memory_space<vmem>>
      %dma_start3A_195 = arith.constant 0 : i32
      %dma_start3A_196 = arith.constant 0 : i32
      %dma_start3A_197 = tpu.memref_slice %arg4[%dma_start3A_195, %dma_start3A_196] : memref<100001x64xf32, #tpu.memory_space<hbm>> -> memref<100001x64xf32, #tpu.memory_space<hbm>>
      tpu.enqueue_indirect_dma source(%dma_start3A_197 : memref<100001x64xf32, #tpu.memory_space<hbm>>) target(%dma_start3A_191 : memref<104x64xf32, #tpu.memory_space<vmem>>) offsets(%dma_start3A_194 : memref<104xi32, #tpu.memory_space<vmem>>) semaphore(%arg10 : memref<!tpu.dma_semaphore, #tpu.memory_space<semaphore_mem>>)
      %mul3A_198 = arith.constant 2 : i32
      %mul3A_199 = arith.muli %min3A_152, %mul3A_198 : i32
      %add3A_200 = arith.constant 1 : i32
      %add3A_201 = arith.addi %mul3A_199, %add3A_200 : i32
      %dma_start3A_202 = arith.constant 1 : i32
      %dma_start3A_203 = arith.constant 104 : i32
      %dma_start3A_204 = arith.constant 0 : i32
      %dma_start3A_205 = tpu.memref_slice %arg7[%dma_start3A_202, %dma_start3A_203, %dma_start3A_204] : memref<2x200x64xf32, #tpu.memory_space<vmem>> -> memref<1x96x64xf32, #tpu.memory_space<vmem>>
      %dma_start3A_206 = tpu.memref_squeeze %dma_start3A_205 : memref<1x96x64xf32, #tpu.memory_space<vmem>> -> memref<96x64xf32, #tpu.memory_space<vmem>>
      %dma_start3A_207 = arith.constant 104 : i32
      %dma_start3A_208 = tpu.memref_slice %arg6[%add3A_201, %dma_start3A_207] : memref<128x200xi32, #tpu.memory_space<vmem>> -> memref<1x96xi32, #tpu.memory_space<vmem>>
      %dma_start3A_209 = tpu.memref_squeeze %dma_start3A_208 : memref<1x96xi32, #tpu.memory_space<vmem>> -> memref<96xi32, #tpu.memory_space<vmem>>
      %dma_start3A_210 = arith.constant 0 : i32
      %dma_start3A_211 = arith.constant 0 : i32
      %dma_start3A_212 = tpu.memref_slice %arg4[%dma_start3A_210, %dma_start3A_211] : memref<100001x64xf32, #tpu.memory_space<hbm>> -> memref<100001x64xf32, #tpu.memory_space<hbm>>
      tpu.enqueue_indirect_dma source(%dma_start3A_212 : memref<100001x64xf32, #tpu.memory_space<hbm>>) target(%dma_start3A_206 : memref<96x64xf32, #tpu.memory_space<vmem>>) offsets(%dma_start3A_209 : memref<96xi32, #tpu.memory_space<vmem>>) semaphore(%arg10 : memref<!tpu.dma_semaphore, #tpu.memory_space<semaphore_mem>>)
      %dma_wait3A_213 = arith.constant 0 : i32
      %dma_wait3A_214 = arith.constant 0 : i32
      %dma_wait3A_215 = arith.constant 0 : i32
      %dma_wait3A_216 = tpu.memref_slice %arg5[%dma_wait3A_213, %dma_wait3A_214, %dma_wait3A_215] : memref<4096x200x64xf32, #tpu.memory_space<hbm>> -> memref<2x200x64xf32, #tpu.memory_space<hbm>>
      %dma_wait3A_217 = arith.constant 0 : i32
      %dma_wait3A_218 = arith.constant 0 : i32
      %dma_wait3A_219 = arith.constant 0 : i32
      %dma_wait3A_220 = tpu.memref_slice %arg5[%dma_wait3A_217, %dma_wait3A_218, %dma_wait3A_219] : memref<4096x200x64xf32, #tpu.memory_space<hbm>> -> memref<2x200x64xf32, #tpu.memory_space<hbm>>
      tpu.wait_dma2 semaphore(%arg11 : memref<!tpu.dma_semaphore, #tpu.memory_space<semaphore_mem>>) src(%dma_wait3A_220 : memref<2x200x64xf32, #tpu.memory_space<hbm>>) dst(%arg8 : memref<2x200x64xf32, #tpu.memory_space<vmem>>)
      %scan3A_221 = arith.constant 0 : i32
      %scan3A_222 = arith.constant 0 : i32
      %scan3A_223 = arith.constant 200 : i32
      %scan3A_224 = arith.addi %scan3A_222, %scan3A_223 : i32
      %scan3A_225 = arith.constant 8 : i32
      scf.for %scan3A_230 = %scan3A_222 to %scan3A_224 step %scan3A_225  : i32 {
        %get3A = arith.index_cast %scan3A_230 : i32 to index
        %get3A_231 = arith.constant 0 : index
        %get3A_232 = tpu.vector_load %arg9[%get3A, %get3A_231] {strides = array<i32>} : memref<200x64xf32, #tpu.memory_space<vmem>>, vector<1x16xf32>,
        %get3A_233 = vector.shape_cast %get3A_232 : vector<1x16xf32> to vector<16xf32>
        %get3A_234 = arith.constant 0 : i32
        %get3A_235 = arith.index_cast %get3A_234 : i32 to index
        %get3A_236 = arith.index_cast %scan3A_230 : i32 to index
        %get3A_237 = arith.constant 0 : index
        %get3A_238 = tpu.vector_load %arg8[%get3A_235, %get3A_236, %get3A_237] {strides = array<i32>} : memref<2x200x64xf32, #tpu.memory_space<vmem>>, vector<1x1x16xf32>,
        %get3A_239 = vector.shape_cast %get3A_238 : vector<1x1x16xf32> to vector<16xf32>
        %add3A_240 = arith.addf %get3A_239, %get3A_233 : vector<16xf32>
        %swap3A = arith.constant 0 : i32
        %swap3A_241 = arith.index_cast %swap3A : i32 to index
        %swap3A_242 = arith.index_cast %scan3A_230 : i32 to index
        %swap3A_243 = arith.constant 0 : index
        %swap3A_244 = tpu.vector_load %arg8[%swap3A_241, %swap3A_242, %swap3A_243] {strides = array<i32>} : memref<2x200x64xf32, #tpu.memory_space<vmem>>, vector<1x1x16xf32>,
        %swap3A_245 = vector.shape_cast %swap3A_244 : vector<1x1x16xf32> to vector<16xf32>
        %swap3A_246 = vector.shape_cast %add3A_240 : vector<16xf32> to vector<1x1x16xf32>
        tpu.vector_store %arg8[%swap3A_241, %swap3A_242, %swap3A_243], %swap3A_246 {strides = array<i32>} : memref<2x200x64xf32, #tpu.memory_space<vmem>>, vector<1x1x16xf32>,
        %get3A_247 = arith.constant 1 : i32
        %get3A_248 = arith.index_cast %get3A_247 : i32 to index
        %get3A_249 = arith.index_cast %scan3A_230 : i32 to index
        %get3A_250 = arith.constant 0 : index
        %get3A_251 = tpu.vector_load %arg8[%get3A_248, %get3A_249, %get3A_250] {strides = array<i32>} : memref<2x200x64xf32, #tpu.memory_space<vmem>>, vector<1x1x16xf32>,
        %get3A_252 = vector.shape_cast %get3A_251 : vector<1x1x16xf32> to vector<16xf32>
        %add3A_253 = arith.addf %get3A_252, %get3A_233 : vector<16xf32>
        %swap3A_254 = arith.constant 1 : i32
        %swap3A_255 = arith.index_cast %swap3A_254 : i32 to index
        %swap3A_256 = arith.index_cast %scan3A_230 : i32 to index
        %swap3A_257 = arith.constant 0 : index
        %swap3A_258 = tpu.vector_load %arg8[%swap3A_255, %swap3A_256, %swap3A_257] {strides = array<i32>} : memref<2x200x64xf32, #tpu.memory_space<vmem>>, vector<1x1x16xf32>,
        %swap3A_259 = vector.shape_cast %swap3A_258 : vector<1x1x16xf32> to vector<16xf32>
        %swap3A_260 = vector.shape_cast %add3A_253 : vector<16xf32> to vector<1x1x16xf32>
        tpu.vector_store %arg8[%swap3A_255, %swap3A_256, %swap3A_257], %swap3A_260 {strides = array<i32>} : memref<2x200x64xf32, #tpu.memory_space<vmem>>, vector<1x1x16xf32>,
        %get3A_261 = arith.index_cast %scan3A_230 : i32 to index
        %get3A_262 = arith.constant 16 : index
        %get3A_263 = tpu.vector_load %arg9[%get3A_261, %get3A_262] {strides = array<i32>} : memref<200x64xf32, #tpu.memory_space<vmem>>, vector<1x16xf32>,
        %get3A_264 = vector.shape_cast %get3A_263 : vector<1x16xf32> to vector<16xf32>
        %get3A_265 = arith.constant 0 : i32
        %get3A_266 = arith.index_cast %get3A_265 : i32 to index
        %get3A_267 = arith.index_cast %scan3A_230 : i32 to index
        %get3A_268 = arith.constant 16 : index
        %get3A_269 = tpu.vector_load %arg8[%get3A_266, %get3A_267, %get3A_268] {strides = array<i32>} : memref<2x200x64xf32, #tpu.memory_space<vmem>>, vector<1x1x16xf32>,
        %get3A_270 = vector.shape_cast %get3A_269 : vector<1x1x16xf32> to vector<16xf32>
        %add3A_271 = arith.addf %get3A_270, %get3A_264 : vector<16xf32>
        %swap3A_272 = arith.constant 0 : i32
        %swap3A_273 = arith.index_cast %swap3A_272 : i32 to index
        %swap3A_274 = arith.index_cast %scan3A_230 : i32 to index
        %swap3A_275 = arith.constant 16 : index
        %swap3A_276 = tpu.vector_load %arg8[%swap3A_273, %swap3A_274, %swap3A_275] {strides = array<i32>} : memref<2x200x64xf32, #tpu.memory_space<vmem>>, vector<1x1x16xf32>,
        %swap3A_277 = vector.shape_cast %swap3A_276 : vector<1x1x16xf32> to vector<16xf32>
        %swap3A_278 = vector.shape_cast %add3A_271 : vector<16xf32> to vector<1x1x16xf32>
        tpu.vector_store %arg8[%swap3A_273, %swap3A_274, %swap3A_275], %swap3A_278 {strides = array<i32>} : memref<2x200x64xf32, #tpu.memory_space<vmem>>, vector<1x1x16xf32>,
        %get3A_279 = arith.constant 1 : i32
        %get3A_280 = arith.index_cast %get3A_279 : i32 to index
        %get3A_281 = arith.index_cast %scan3A_230 : i32 to index
        %get3A_282 = arith.constant 16 : index
        %get3A_283 = tpu.vector_load %arg8[%get3A_280, %get3A_281, %get3A_282] {strides = array<i32>} : memref<2x200x64xf32, #tpu.memory_space<vmem>>, vector<1x1x16xf32>,
        %get3A_284 = vector.shape_cast %get3A_283 : vector<1x1x16xf32> to vector<16xf32>
        %add3A_285 = arith.addf %get3A_284, %get3A_264 : vector<16xf32>
        %swap3A_286 = arith.constant 1 : i32
        %swap3A_287 = arith.index_cast %swap3A_286 : i32 to index
        %swap3A_288 = arith.index_cast %scan3A_230 : i32 to index
        %swap3A_289 = arith.constant 16 : index
        %swap3A_290 = tpu.vector_load %arg8[%swap3A_287, %swap3A_288, %swap3A_289] {strides = array<i32>} : memref<2x200x64xf32, #tpu.memory_space<vmem>>, vector<1x1x16xf32>,
        %swap3A_291 = vector.shape_cast %swap3A_290 : vector<1x1x16xf32> to vector<16xf32>
        %swap3A_292 = vector.shape_cast %add3A_285 : vector<16xf32> to vector<1x1x16xf32>
        tpu.vector_store %arg8[%swap3A_287, %swap3A_288, %swap3A_289], %swap3A_292 {strides = array<i32>} : memref<2x200x64xf32, #tpu.memory_space<vmem>>, vector<1x1x16xf32>,
        %get3A_293 = arith.index_cast %scan3A_230 : i32 to index
        %get3A_294 = arith.constant 32 : index
        %get3A_295 = tpu.vector_load %arg9[%get3A_293, %get3A_294] {strides = array<i32>} : memref<200x64xf32, #tpu.memory_space<vmem>>, vector<1x16xf32>,
        %get3A_296 = vector.shape_cast %get3A_295 : vector<1x16xf32> to vector<16xf32>
        %get3A_297 = arith.constant 0 : i32
        %get3A_298 = arith.index_cast %get3A_297 : i32 to index
        %get3A_299 = arith.index_cast %scan3A_230 : i32 to index
        %get3A_300 = arith.constant 32 : index
        %get3A_301 = tpu.vector_load %arg8[%get3A_298, %get3A_299, %get3A_300] {strides = array<i32>} : memref<2x200x64xf32, #tpu.memory_space<vmem>>, vector<1x1x16xf32>,
        %get3A_302 = vector.shape_cast %get3A_301 : vector<1x1x16xf32> to vector<16xf32>
        %add3A_303 = arith.addf %get3A_302, %get3A_296 : vector<16xf32>
        %swap3A_304 = arith.constant 0 : i32
        %swap3A_305 = arith.index_cast %swap3A_304 : i32 to index
        %swap3A_306 = arith.index_cast %scan3A_230 : i32 to index
        %swap3A_307 = arith.constant 32 : index
        %swap3A_308 = tpu.vector_load %arg8[%swap3A_305, %swap3A_306, %swap3A_307] {strides = array<i32>} : memref<2x200x64xf32, #tpu.memory_space<vmem>>, vector<1x1x16xf32>,
        %swap3A_309 = vector.shape_cast %swap3A_308 : vector<1x1x16xf32> to vector<16xf32>
        %swap3A_310 = vector.shape_cast %add3A_303 : vector<16xf32> to vector<1x1x16xf32>
        tpu.vector_store %arg8[%swap3A_305, %swap3A_306, %swap3A_307], %swap3A_310 {strides = array<i32>} : memref<2x200x64xf32, #tpu.memory_space<vmem>>, vector<1x1x16xf32>,
        %get3A_311 = arith.constant 1 : i32
        %get3A_312 = arith.index_cast %get3A_311 : i32 to index
        %get3A_313 = arith.index_cast %scan3A_230 : i32 to index
        %get3A_314 = arith.constant 32 : index
        %get3A_315 = tpu.vector_load %arg8[%get3A_312, %get3A_313, %get3A_314] {strides = array<i32>} : memref<2x200x64xf32, #tpu.memory_space<vmem>>, vector<1x1x16xf32>,
        %get3A_316 = vector.shape_cast %get3A_315 : vector<1x1x16xf32> to vector<16xf32>
        %add3A_317 = arith.addf %get3A_316, %get3A_296 : vector<16xf32>
        %swap3A_318 = arith.constant 1 : i32
        %swap3A_319 = arith.index_cast %swap3A_318 : i32 to index
        %swap3A_320 = arith.index_cast %scan3A_230 : i32 to index
        %swap3A_321 = arith.constant 32 : index
        %swap3A_322 = tpu.vector_load %arg8[%swap3A_319, %swap3A_320, %swap3A_321] {strides = array<i32>} : memref<2x200x64xf32, #tpu.memory_space<vmem>>, vector<1x1x16xf32>,
        %swap3A_323 = vector.shape_cast %swap3A_322 : vector<1x1x16xf32> to vector<16xf32>
        %swap3A_324 = vector.shape_cast %add3A_317 : vector<16xf32> to vector<1x1x16xf32>
        tpu.vector_store %arg8[%swap3A_319, %swap3A_320, %swap3A_321], %swap3A_324 {strides = array<i32>} : memref<2x200x64xf32, #tpu.memory_space<vmem>>, vector<1x1x16xf32>,
        %get3A_325 = arith.index_cast %scan3A_230 : i32 to index
        %get3A_326 = arith.constant 48 : index
        %get3A_327 = tpu.vector_load %arg9[%get3A_325, %get3A_326] {strides = array<i32>} : memref<200x64xf32, #tpu.memory_space<vmem>>, vector<1x16xf32>,
        %get3A_328 = vector.shape_cast %get3A_327 : vector<1x16xf32> to vector<16xf32>
        %get3A_329 = arith.constant 0 : i32
        %get3A_330 = arith.index_cast %get3A_329 : i32 to index
        %get3A_331 = arith.index_cast %scan3A_230 : i32 to index
        %get3A_332 = arith.constant 48 : index
        %get3A_333 = tpu.vector_load %arg8[%get3A_330, %get3A_331, %get3A_332] {strides = array<i32>} : memref<2x200x64xf32, #tpu.memory_space<vmem>>, vector<1x1x16xf32>,
        %get3A_334 = vector.shape_cast %get3A_333 : vector<1x1x16xf32> to vector<16xf32>
        %add3A_335 = arith.addf %get3A_334, %get3A_328 : vector<16xf32>
        %swap3A_336 = arith.constant 0 : i32
        %swap3A_337 = arith.index_cast %swap3A_336 : i32 to index
        %swap3A_338 = arith.index_cast %scan3A_230 : i32 to index
        %swap3A_339 = arith.constant 48 : index
        %swap3A_340 = tpu.vector_load %arg8[%swap3A_337, %swap3A_338, %swap3A_339] {strides = array<i32>} : memref<2x200x64xf32, #tpu.memory_space<vmem>>, vector<1x1x16xf32>,
        %swap3A_341 = vector.shape_cast %swap3A_340 : vector<1x1x16xf32> to vector<16xf32>
        %swap3A_342 = vector.shape_cast %add3A_335 : vector<16xf32> to vector<1x1x16xf32>
        tpu.vector_store %arg8[%swap3A_337, %swap3A_338, %swap3A_339], %swap3A_342 {strides = array<i32>} : memref<2x200x64xf32, #tpu.memory_space<vmem>>, vector<1x1x16xf32>,
        %get3A_343 = arith.constant 1 : i32
        %get3A_344 = arith.index_cast %get3A_343 : i32 to index
        %get3A_345 = arith.index_cast %scan3A_230 : i32 to index
        %get3A_346 = arith.constant 48 : index
        %get3A_347 = tpu.vector_load %arg8[%get3A_344, %get3A_345, %get3A_346] {strides = array<i32>} : memref<2x200x64xf32, #tpu.memory_space<vmem>>, vector<1x1x16xf32>,
        %get3A_348 = vector.shape_cast %get3A_347 : vector<1x1x16xf32> to vector<16xf32>
        %add3A_349 = arith.addf %get3A_348, %get3A_328 : vector<16xf32>
        %swap3A_350 = arith.constant 1 : i32
        %swap3A_351 = arith.index_cast %swap3A_350 : i32 to index
        %swap3A_352 = arith.index_cast %scan3A_230 : i32 to index
        %swap3A_353 = arith.constant 48 : index
        %swap3A_354 = tpu.vector_load %arg8[%swap3A_351, %swap3A_352, %swap3A_353] {strides = array<i32>} : memref<2x200x64xf32, #tpu.memory_space<vmem>>, vector<1x1x16xf32>,
        %swap3A_355 = vector.shape_cast %swap3A_354 : vector<1x1x16xf32> to vector<16xf32>
        %swap3A_356 = vector.shape_cast %add3A_349 : vector<16xf32> to vector<1x1x16xf32>
        tpu.vector_store %arg8[%swap3A_351, %swap3A_352, %swap3A_353], %swap3A_356 {strides = array<i32>} : memref<2x200x64xf32, #tpu.memory_space<vmem>>, vector<1x1x16xf32>,
        %scan3A_357 = arith.constant 1 : i32
        %scan3A_358 = arith.addi %scan3A_230, %scan3A_357 : i32
        %get3A_359 = arith.index_cast %scan3A_358 : i32 to index
        %get3A_360 = arith.constant 0 : index
        %get3A_361 = tpu.vector_load %arg9[%get3A_359, %get3A_360] {strides = array<i32>} : memref<200x64xf32, #tpu.memory_space<vmem>>, vector<1x16xf32>,
        %get3A_362 = vector.shape_cast %get3A_361 : vector<1x16xf32> to vector<16xf32>
        %get3A_363 = arith.constant 0 : i32
        %get3A_364 = arith.index_cast %get3A_363 : i32 to index
        %get3A_365 = arith.index_cast %scan3A_358 : i32 to index
        %get3A_366 = arith.constant 0 : index
        %get3A_367 = tpu.vector_load %arg8[%get3A_364, %get3A_365, %get3A_366] {strides = array<i32>} : memref<2x200x64xf32, #tpu.memory_space<vmem>>, vector<1x1x16xf32>,
        %get3A_368 = vector.shape_cast %get3A_367 : vector<1x1x16xf32> to vector<16xf32>
        %add3A_369 = arith.addf %get3A_368, %get3A_362 : vector<16xf32>
        %swap3A_370 = arith.constant 0 : i32
        %swap3A_371 = arith.index_cast %swap3A_370 : i32 to index
        %swap3A_372 = arith.index_cast %scan3A_358 : i32 to index
        %swap3A_373 = arith.constant 0 : index
        %swap3A_374 = tpu.vector_load %arg8[%swap3A_371, %swap3A_372, %swap3A_373] {strides = array<i32>} : memref<2x200x64xf32, #tpu.memory_space<vmem>>, vector<1x1x16xf32>,
        %swap3A_375 = vector.shape_cast %swap3A_374 : vector<1x1x16xf32> to vector<16xf32>
        %swap3A_376 = vector.shape_cast %add3A_369 : vector<16xf32> to vector<1x1x16xf32>
        tpu.vector_store %arg8[%swap3A_371, %swap3A_372, %swap3A_373], %swap3A_376 {strides = array<i32>} : memref<2x200x64xf32, #tpu.memory_space<vmem>>, vector<1x1x16xf32>,
        %get3A_377 = arith.constant 1 : i32
        %get3A_378 = arith.index_cast %get3A_377 : i32 to index
        %get3A_379 = arith.index_cast %scan3A_358 : i32 to index
        %get3A_380 = arith.constant 0 : index
        %get3A_381 = tpu.vector_load %arg8[%get3A_378, %get3A_379, %get3A_380] {strides = array<i32>} : memref<2x200x64xf32, #tpu.memory_space<vmem>>, vector<1x1x16xf32>,
        %get3A_382 = vector.shape_cast %get3A_381 : vector<1x1x16xf32> to vector<16xf32>
        %add3A_383 = arith.addf %get3A_382, %get3A_362 : vector<16xf32>
        %swap3A_384 = arith.constant 1 : i32
        %swap3A_385 = arith.index_cast %swap3A_384 : i32 to index
        %swap3A_386 = arith.index_cast %scan3A_358 : i32 to index
        %swap3A_387 = arith.constant 0 : index
        %swap3A_388 = tpu.vector_load %arg8[%swap3A_385, %swap3A_386, %swap3A_387] {strides = array<i32>} : memref<2x200x64xf32, #tpu.memory_space<vmem>>, vector<1x1x16xf32>,
        %swap3A_389 = vector.shape_cast %swap3A_388 : vector<1x1x16xf32> to vector<16xf32>
        %swap3A_390 = vector.shape_cast %add3A_383 : vector<16xf32> to vector<1x1x16xf32>
        tpu.vector_store %arg8[%swap3A_385, %swap3A_386, %swap3A_387], %swap3A_390 {strides = array<i32>} : memref<2x200x64xf32, #tpu.memory_space<vmem>>, vector<1x1x16xf32>,
        %get3A_391 = arith.index_cast %scan3A_358 : i32 to index
        %get3A_392 = arith.constant 16 : index
        %get3A_393 = tpu.vector_load %arg9[%get3A_391, %get3A_392] {strides = array<i32>} : memref<200x64xf32, #tpu.memory_space<vmem>>, vector<1x16xf32>,
        %get3A_394 = vector.shape_cast %get3A_393 : vector<1x16xf32> to vector<16xf32>
        %get3A_395 = arith.constant 0 : i32
        %get3A_396 = arith.index_cast %get3A_395 : i32 to index
        %get3A_397 = arith.index_cast %scan3A_358 : i32 to index
        %get3A_398 = arith.constant 16 : index
        %get3A_399 = tpu.vector_load %arg8[%get3A_396, %get3A_397, %get3A_398] {strides = array<i32>} : memref<2x200x64xf32, #tpu.memory_space<vmem>>, vector<1x1x16xf32>,
        %get3A_400 = vector.shape_cast %get3A_399 : vector<1x1x16xf32> to vector<16xf32>
        %add3A_401 = arith.addf %get3A_400, %get3A_394 : vector<16xf32>
        %swap3A_402 = arith.constant 0 : i32
        %swap3A_403 = arith.index_cast %swap3A_402 : i32 to index
        %swap3A_404 = arith.index_cast %scan3A_358 : i32 to index
        %swap3A_405 = arith.constant 16 : index
        %swap3A_406 = tpu.vector_load %arg8[%swap3A_403, %swap3A_404, %swap3A_405] {strides = array<i32>} : memref<2x200x64xf32, #tpu.memory_space<vmem>>, vector<1x1x16xf32>,
        %swap3A_407 = vector.shape_cast %swap3A_406 : vector<1x1x16xf32> to vector<16xf32>
        %swap3A_408 = vector.shape_cast %add3A_401 : vector<16xf32> to vector<1x1x16xf32>
        tpu.vector_store %arg8[%swap3A_403, %swap3A_404, %swap3A_405], %swap3A_408 {strides = array<i32>} : memref<2x200x64xf32, #tpu.memory_space<vmem>>, vector<1x1x16xf32>,
        %get3A_409 = arith.constant 1 : i32
        %get3A_410 = arith.index_cast %get3A_409 : i32 to index
        %get3A_411 = arith.index_cast %scan3A_358 : i32 to index
        %get3A_412 = arith.constant 16 : index
        %get3A_413 = tpu.vector_load %arg8[%get3A_410, %get3A_411, %get3A_412] {strides = array<i32>} : memref<2x200x64xf32, #tpu.memory_space<vmem>>, vector<1x1x16xf32>,
        %get3A_414 = vector.shape_cast %get3A_413 : vector<1x1x16xf32> to vector<16xf32>
        %add3A_415 = arith.addf %get3A_414, %get3A_394 : vector<16xf32>
        %swap3A_416 = arith.constant 1 : i32
        %swap3A_417 = arith.index_cast %swap3A_416 : i32 to index
        %swap3A_418 = arith.index_cast %scan3A_358 : i32 to index
        %swap3A_419 = arith.constant 16 : index
        %swap3A_420 = tpu.vector_load %arg8[%swap3A_417, %swap3A_418, %swap3A_419] {strides = array<i32>} : memref<2x200x64xf32, #tpu.memory_space<vmem>>, vector<1x1x16xf32>,
        %swap3A_421 = vector.shape_cast %swap3A_420 : vector<1x1x16xf32> to vector<16xf32>
        %swap3A_422 = vector.shape_cast %add3A_415 : vector<16xf32> to vector<1x1x16xf32>
        tpu.vector_store %arg8[%swap3A_417, %swap3A_418, %swap3A_419], %swap3A_422 {strides = array<i32>} : memref<2x200x64xf32, #tpu.memory_space<vmem>>, vector<1x1x16xf32>,
        %get3A_423 = arith.index_cast %scan3A_358 : i32 to index
        %get3A_424 = arith.constant 32 : index
        %get3A_425 = tpu.vector_load %arg9[%get3A_423, %get3A_424] {strides = array<i32>} : memref<200x64xf32, #tpu.memory_space<vmem>>, vector<1x16xf32>,
        %get3A_426 = vector.shape_cast %get3A_425 : vector<1x16xf32> to vector<16xf32>
        %get3A_427 = arith.constant 0 : i32
        %get3A_428 = arith.index_cast %get3A_427 : i32 to index
        %get3A_429 = arith.index_cast %scan3A_358 : i32 to index
        %get3A_430 = arith.constant 32 : index
        %get3A_431 = tpu.vector_load %arg8[%get3A_428, %get3A_429, %get3A_430] {strides = array<i32>} : memref<2x200x64xf32, #tpu.memory_space<vmem>>, vector<1x1x16xf32>,
        %get3A_432 = vector.shape_cast %get3A_431 : vector<1x1x16xf32> to vector<16xf32>
        %add3A_433 = arith.addf %get3A_432, %get3A_426 : vector<16xf32>
        %swap3A_434 = arith.constant 0 : i32
        %swap3A_435 = arith.index_cast %swap3A_434 : i32 to index
        %swap3A_436 = arith.index_cast %scan3A_358 : i32 to index
        %swap3A_437 = arith.constant 32 : index
        %swap3A_438 = tpu.vector_load %arg8[%swap3A_435, %swap3A_436, %swap3A_437] {strides = array<i32>} : memref<2x200x64xf32, #tpu.memory_space<vmem>>, vector<1x1x16xf32>,
        %swap3A_439 = vector.shape_cast %swap3A_438 : vector<1x1x16xf32> to vector<16xf32>
        %swap3A_440 = vector.shape_cast %add3A_433 : vector<16xf32> to vector<1x1x16xf32>
        tpu.vector_store %arg8[%swap3A_435, %swap3A_436, %swap3A_437], %swap3A_440 {strides = array<i32>} : memref<2x200x64xf32, #tpu.memory_space<vmem>>, vector<1x1x16xf32>,
        %get3A_441 = arith.constant 1 : i32
        %get3A_442 = arith.index_cast %get3A_441 : i32 to index
        %get3A_443 = arith.index_cast %scan3A_358 : i32 to index
        %get3A_444 = arith.constant 32 : index
        %get3A_445 = tpu.vector_load %arg8[%get3A_442, %get3A_443, %get3A_444] {strides = array<i32>} : memref<2x200x64xf32, #tpu.memory_space<vmem>>, vector<1x1x16xf32>,
        %get3A_446 = vector.shape_cast %get3A_445 : vector<1x1x16xf32> to vector<16xf32>
        %add3A_447 = arith.addf %get3A_446, %get3A_426 : vector<16xf32>
        %swap3A_448 = arith.constant 1 : i32
        %swap3A_449 = arith.index_cast %swap3A_448 : i32 to index
        %swap3A_450 = arith.index_cast %scan3A_358 : i32 to index
        %swap3A_451 = arith.constant 32 : index
        %swap3A_452 = tpu.vector_load %arg8[%swap3A_449, %swap3A_450, %swap3A_451] {strides = array<i32>} : memref<2x200x64xf32, #tpu.memory_space<vmem>>, vector<1x1x16xf32>,
        %swap3A_453 = vector.shape_cast %swap3A_452 : vector<1x1x16xf32> to vector<16xf32>
        %swap3A_454 = vector.shape_cast %add3A_447 : vector<16xf32> to vector<1x1x16xf32>
        tpu.vector_store %arg8[%swap3A_449, %swap3A_450, %swap3A_451], %swap3A_454 {strides = array<i32>} : memref<2x200x64xf32, #tpu.memory_space<vmem>>, vector<1x1x16xf32>,
        %get3A_455 = arith.index_cast %scan3A_358 : i32 to index
        %get3A_456 = arith.constant 48 : index
        %get3A_457 = tpu.vector_load %arg9[%get3A_455, %get3A_456] {strides = array<i32>} : memref<200x64xf32, #tpu.memory_space<vmem>>, vector<1x16xf32>,
        %get3A_458 = vector.shape_cast %get3A_457 : vector<1x16xf32> to vector<16xf32>
        %get3A_459 = arith.constant 0 : i32
        %get3A_460 = arith.index_cast %get3A_459 : i32 to index
        %get3A_461 = arith.index_cast %scan3A_358 : i32 to index
        %get3A_462 = arith.constant 48 : index
        %get3A_463 = tpu.vector_load %arg8[%get3A_460, %get3A_461, %get3A_462] {strides = array<i32>} : memref<2x200x64xf32, #tpu.memory_space<vmem>>, vector<1x1x16xf32>,
        %get3A_464 = vector.shape_cast %get3A_463 : vector<1x1x16xf32> to vector<16xf32>
        %add3A_465 = arith.addf %get3A_464, %get3A_458 : vector<16xf32>
        %swap3A_466 = arith.constant 0 : i32
        %swap3A_467 = arith.index_cast %swap3A_466 : i32 to index
        %swap3A_468 = arith.index_cast %scan3A_358 : i32 to index
        %swap3A_469 = arith.constant 48 : index
        %swap3A_470 = tpu.vector_load %arg8[%swap3A_467, %swap3A_468, %swap3A_469] {strides = array<i32>} : memref<2x200x64xf32, #tpu.memory_space<vmem>>, vector<1x1x16xf32>,
        %swap3A_471 = vector.shape_cast %swap3A_470 : vector<1x1x16xf32> to vector<16xf32>
        %swap3A_472 = vector.shape_cast %add3A_465 : vector<16xf32> to vector<1x1x16xf32>
        tpu.vector_store %arg8[%swap3A_467, %swap3A_468, %swap3A_469], %swap3A_472 {strides = array<i32>} : memref<2x200x64xf32, #tpu.memory_space<vmem>>, vector<1x1x16xf32>,
        %get3A_473 = arith.constant 1 : i32
        %get3A_474 = arith.index_cast %get3A_473 : i32 to index
        %get3A_475 = arith.index_cast %scan3A_358 : i32 to index
        %get3A_476 = arith.constant 48 : index
        %get3A_477 = tpu.vector_load %arg8[%get3A_474, %get3A_475, %get3A_476] {strides = array<i32>} : memref<2x200x64xf32, #tpu.memory_space<vmem>>, vector<1x1x16xf32>,
        %get3A_478 = vector.shape_cast %get3A_477 : vector<1x1x16xf32> to vector<16xf32>
        %add3A_479 = arith.addf %get3A_478, %get3A_458 : vector<16xf32>
        %swap3A_480 = arith.constant 1 : i32
        %swap3A_481 = arith.index_cast %swap3A_480 : i32 to index
        %swap3A_482 = arith.index_cast %scan3A_358 : i32 to index
        %swap3A_483 = arith.constant 48 : index
        %swap3A_484 = tpu.vector_load %arg8[%swap3A_481, %swap3A_482, %swap3A_483] {strides = array<i32>} : memref<2x200x64xf32, #tpu.memory_space<vmem>>, vector<1x1x16xf32>,
        %swap3A_485 = vector.shape_cast %swap3A_484 : vector<1x1x16xf32> to vector<16xf32>
        %swap3A_486 = vector.shape_cast %add3A_479 : vector<16xf32> to vector<1x1x16xf32>
        tpu.vector_store %arg8[%swap3A_481, %swap3A_482, %swap3A_483], %swap3A_486 {strides = array<i32>} : memref<2x200x64xf32, #tpu.memory_space<vmem>>, vector<1x1x16xf32>,
        %scan3A_487 = arith.constant 2 : i32
        %scan3A_488 = arith.addi %scan3A_230, %scan3A_487 : i32
        %get3A_489 = arith.index_cast %scan3A_488 : i32 to index
        %get3A_490 = arith.constant 0 : index
        %get3A_491 = tpu.vector_load %arg9[%get3A_489, %get3A_490] {strides = array<i32>} : memref<200x64xf32, #tpu.memory_space<vmem>>, vector<1x16xf32>,
        %get3A_492 = vector.shape_cast %get3A_491 : vector<1x16xf32> to vector<16xf32>
        %get3A_493 = arith.constant 0 : i32
        %get3A_494 = arith.index_cast %get3A_493 : i32 to index
        %get3A_495 = arith.index_cast %scan3A_488 : i32 to index
        %get3A_496 = arith.constant 0 : index
        %get3A_497 = tpu.vector_load %arg8[%get3A_494, %get3A_495, %get3A_496] {strides = array<i32>} : memref<2x200x64xf32, #tpu.memory_space<vmem>>, vector<1x1x16xf32>,
        %get3A_498 = vector.shape_cast %get3A_497 : vector<1x1x16xf32> to vector<16xf32>
        %add3A_499 = arith.addf %get3A_498, %get3A_492 : vector<16xf32>
        %swap3A_500 = arith.constant 0 : i32
        %swap3A_501 = arith.index_cast %swap3A_500 : i32 to index
        %swap3A_502 = arith.index_cast %scan3A_488 : i32 to index
        %swap3A_503 = arith.constant 0 : index
        %swap3A_504 = tpu.vector_load %arg8[%swap3A_501, %swap3A_502, %swap3A_503] {strides = array<i32>} : memref<2x200x64xf32, #tpu.memory_space<vmem>>, vector<1x1x16xf32>,
        %swap3A_505 = vector.shape_cast %swap3A_504 : vector<1x1x16xf32> to vector<16xf32>
        %swap3A_506 = vector.shape_cast %add3A_499 : vector<16xf32> to vector<1x1x16xf32>
        tpu.vector_store %arg8[%swap3A_501, %swap3A_502, %swap3A_503], %swap3A_506 {strides = array<i32>} : memref<2x200x64xf32, #tpu.memory_space<vmem>>, vector<1x1x16xf32>,
        %get3A_507 = arith.constant 1 : i32
        %get3A_508 = arith.index_cast %get3A_507 : i32 to index
        %get3A_509 = arith.index_cast %scan3A_488 : i32 to index
        %get3A_510 = arith.constant 0 : index
        %get3A_511 = tpu.vector_load %arg8[%get3A_508, %get3A_509, %get3A_510] {strides = array<i32>} : memref<2x200x64xf32, #tpu.memory_space<vmem>>, vector<1x1x16xf32>,
        %get3A_512 = vector.shape_cast %get3A_511 : vector<1x1x16xf32> to vector<16xf32>
        %add3A_513 = arith.addf %get3A_512, %get3A_492 : vector<16xf32>
        %swap3A_514 = arith.constant 1 : i32
        %swap3A_515 = arith.index_cast %swap3A_514 : i32 to index
        %swap3A_516 = arith.index_cast %scan3A_488 : i32 to index
        %swap3A_517 = arith.constant 0 : index
        %swap3A_518 = tpu.vector_load %arg8[%swap3A_515, %swap3A_516, %swap3A_517] {strides = array<i32>} : memref<2x200x64xf32, #tpu.memory_space<vmem>>, vector<1x1x16xf32>,
        %swap3A_519 = vector.shape_cast %swap3A_518 : vector<1x1x16xf32> to vector<16xf32>
        %swap3A_520 = vector.shape_cast %add3A_513 : vector<16xf32> to vector<1x1x16xf32>
        tpu.vector_store %arg8[%swap3A_515, %swap3A_516, %swap3A_517], %swap3A_520 {strides = array<i32>} : memref<2x200x64xf32, #tpu.memory_space<vmem>>, vector<1x1x16xf32>,
        %get3A_521 = arith.index_cast %scan3A_488 : i32 to index
        %get3A_522 = arith.constant 16 : index
        %get3A_523 = tpu.vector_load %arg9[%get3A_521, %get3A_522] {strides = array<i32>} : memref<200x64xf32, #tpu.memory_space<vmem>>, vector<1x16xf32>,
        %get3A_524 = vector.shape_cast %get3A_523 : vector<1x16xf32> to vector<16xf32>
        %get3A_525 = arith.constant 0 : i32
        %get3A_526 = arith.index_cast %get3A_525 : i32 to index
        %get3A_527 = arith.index_cast %scan3A_488 : i32 to index
        %get3A_528 = arith.constant 16 : index
        %get3A_529 = tpu.vector_load %arg8[%get3A_526, %get3A_527, %get3A_528] {strides = array<i32>} : memref<2x200x64xf32, #tpu.memory_space<vmem>>, vector<1x1x16xf32>,
        %get3A_530 = vector.shape_cast %get3A_529 : vector<1x1x16xf32> to vector<16xf32>
        %add3A_531 = arith.addf %get3A_530, %get3A_524 : vector<16xf32>
        %swap3A_532 = arith.constant 0 : i32
        %swap3A_533 = arith.index_cast %swap3A_532 : i32 to index
        %swap3A_534 = arith.index_cast %scan3A_488 : i32 to index
        %swap3A_535 = arith.constant 16 : index
        %swap3A_536 = tpu.vector_load %arg8[%swap3A_533, %swap3A_534, %swap3A_535] {strides = array<i32>} : memref<2x200x64xf32, #tpu.memory_space<vmem>>, vector<1x1x16xf32>,
        %swap3A_537 = vector.shape_cast %swap3A_536 : vector<1x1x16xf32> to vector<16xf32>
        %swap3A_538 = vector.shape_cast %add3A_531 : vector<16xf32> to vector<1x1x16xf32>
        tpu.vector_store %arg8[%swap3A_533, %swap3A_534, %swap3A_535], %swap3A_538 {strides = array<i32>} : memref<2x200x64xf32, #tpu.memory_space<vmem>>, vector<1x1x16xf32>,
        %get3A_539 = arith.constant 1 : i32
        %get3A_540 = arith.index_cast %get3A_539 : i32 to index
        %get3A_541 = arith.index_cast %scan3A_488 : i32 to index
        %get3A_542 = arith.constant 16 : index
        %get3A_543 = tpu.vector_load %arg8[%get3A_540, %get3A_541, %get3A_542] {strides = array<i32>} : memref<2x200x64xf32, #tpu.memory_space<vmem>>, vector<1x1x16xf32>,
        %get3A_544 = vector.shape_cast %get3A_543 : vector<1x1x16xf32> to vector<16xf32>
        %add3A_545 = arith.addf %get3A_544, %get3A_524 : vector<16xf32>
        %swap3A_546 = arith.constant 1 : i32
        %swap3A_547 = arith.index_cast %swap3A_546 : i32 to index
        %swap3A_548 = arith.index_cast %scan3A_488 : i32 to index
        %swap3A_549 = arith.constant 16 : index
        %swap3A_550 = tpu.vector_load %arg8[%swap3A_547, %swap3A_548, %swap3A_549] {strides = array<i32>} : memref<2x200x64xf32, #tpu.memory_space<vmem>>, vector<1x1x16xf32>,
        %swap3A_551 = vector.shape_cast %swap3A_550 : vector<1x1x16xf32> to vector<16xf32>
        %swap3A_552 = vector.shape_cast %add3A_545 : vector<16xf32> to vector<1x1x16xf32>
        tpu.vector_store %arg8[%swap3A_547, %swap3A_548, %swap3A_549], %swap3A_552 {strides = array<i32>} : memref<2x200x64xf32, #tpu.memory_space<vmem>>, vector<1x1x16xf32>,
        %get3A_553 = arith.index_cast %scan3A_488 : i32 to index
        %get3A_554 = arith.constant 32 : index
        %get3A_555 = tpu.vector_load %arg9[%get3A_553, %get3A_554] {strides = array<i32>} : memref<200x64xf32, #tpu.memory_space<vmem>>, vector<1x16xf32>,
        %get3A_556 = vector.shape_cast %get3A_555 : vector<1x16xf32> to vector<16xf32>
        %get3A_557 = arith.constant 0 : i32
        %get3A_558 = arith.index_cast %get3A_557 : i32 to index
        %get3A_559 = arith.index_cast %scan3A_488 : i32 to index
        %get3A_560 = arith.constant 32 : index
        %get3A_561 = tpu.vector_load %arg8[%get3A_558, %get3A_559, %get3A_560] {strides = array<i32>} : memref<2x200x64xf32, #tpu.memory_space<vmem>>, vector<1x1x16xf32>,
        %get3A_562 = vector.shape_cast %get3A_561 : vector<1x1x16xf32> to vector<16xf32>
        %add3A_563 = arith.addf %get3A_562, %get3A_556 : vector<16xf32>
        %swap3A_564 = arith.constant 0 : i32
        %swap3A_565 = arith.index_cast %swap3A_564 : i32 to index
        %swap3A_566 = arith.index_cast %scan3A_488 : i32 to index
        %swap3A_567 = arith.constant 32 : index
        %swap3A_568 = tpu.vector_load %arg8[%swap3A_565, %swap3A_566, %swap3A_567] {strides = array<i32>} : memref<2x200x64xf32, #tpu.memory_space<vmem>>, vector<1x1x16xf32>,
        %swap3A_569 = vector.shape_cast %swap3A_568 : vector<1x1x16xf32> to vector<16xf32>
        %swap3A_570 = vector.shape_cast %add3A_563 : vector<16xf32> to vector<1x1x16xf32>
        tpu.vector_store %arg8[%swap3A_565, %swap3A_566, %swap3A_567], %swap3A_570 {strides = array<i32>} : memref<2x200x64xf32, #tpu.memory_space<vmem>>, vector<1x1x16xf32>,
        %get3A_571 = arith.constant 1 : i32
        %get3A_572 = arith.index_cast %get3A_571 : i32 to index
        %get3A_573 = arith.index_cast %scan3A_488 : i32 to index
        %get3A_574 = arith.constant 32 : index
        %get3A_575 = tpu.vector_load %arg8[%get3A_572, %get3A_573, %get3A_574] {strides = array<i32>} : memref<2x200x64xf32, #tpu.memory_space<vmem>>, vector<1x1x16xf32>,
        %get3A_576 = vector.shape_cast %get3A_575 : vector<1x1x16xf32> to vector<16xf32>
        %add3A_577 = arith.addf %get3A_576, %get3A_556 : vector<16xf32>
        %swap3A_578 = arith.constant 1 : i32
        %swap3A_579 = arith.index_cast %swap3A_578 : i32 to index
        %swap3A_580 = arith.index_cast %scan3A_488 : i32 to index
        %swap3A_581 = arith.constant 32 : index
        %swap3A_582 = tpu.vector_load %arg8[%swap3A_579, %swap3A_580, %swap3A_581] {strides = array<i32>} : memref<2x200x64xf32, #tpu.memory_space<vmem>>, vector<1x1x16xf32>,
        %swap3A_583 = vector.shape_cast %swap3A_582 : vector<1x1x16xf32> to vector<16xf32>
        %swap3A_584 = vector.shape_cast %add3A_577 : vector<16xf32> to vector<1x1x16xf32>
        tpu.vector_store %arg8[%swap3A_579, %swap3A_580, %swap3A_581], %swap3A_584 {strides = array<i32>} : memref<2x200x64xf32, #tpu.memory_space<vmem>>, vector<1x1x16xf32>,
        %get3A_585 = arith.index_cast %scan3A_488 : i32 to index
        %get3A_586 = arith.constant 48 : index
        %get3A_587 = tpu.vector_load %arg9[%get3A_585, %get3A_586] {strides = array<i32>} : memref<200x64xf32, #tpu.memory_space<vmem>>, vector<1x16xf32>,
        %get3A_588 = vector.shape_cast %get3A_587 : vector<1x16xf32> to vector<16xf32>
        %get3A_589 = arith.constant 0 : i32
        %get3A_590 = arith.index_cast %get3A_589 : i32 to index
        %get3A_591 = arith.index_cast %scan3A_488 : i32 to index
        %get3A_592 = arith.constant 48 : index
        %get3A_593 = tpu.vector_load %arg8[%get3A_590, %get3A_591, %get3A_592] {strides = array<i32>} : memref<2x200x64xf32, #tpu.memory_space<vmem>>, vector<1x1x16xf32>,
        %get3A_594 = vector.shape_cast %get3A_593 : vector<1x1x16xf32> to vector<16xf32>
        %add3A_595 = arith.addf %get3A_594, %get3A_588 : vector<16xf32>
        %swap3A_596 = arith.constant 0 : i32
        %swap3A_597 = arith.index_cast %swap3A_596 : i32 to index
        %swap3A_598 = arith.index_cast %scan3A_488 : i32 to index
        %swap3A_599 = arith.constant 48 : index
        %swap3A_600 = tpu.vector_load %arg8[%swap3A_597, %swap3A_598, %swap3A_599] {strides = array<i32>} : memref<2x200x64xf32, #tpu.memory_space<vmem>>, vector<1x1x16xf32>,
        %swap3A_601 = vector.shape_cast %swap3A_600 : vector<1x1x16xf32> to vector<16xf32>
        %swap3A_602 = vector.shape_cast %add3A_595 : vector<16xf32> to vector<1x1x16xf32>
        tpu.vector_store %arg8[%swap3A_597, %swap3A_598, %swap3A_599], %swap3A_602 {strides = array<i32>} : memref<2x200x64xf32, #tpu.memory_space<vmem>>, vector<1x1x16xf32>,
        %get3A_603 = arith.constant 1 : i32
        %get3A_604 = arith.index_cast %get3A_603 : i32 to index
        %get3A_605 = arith.index_cast %scan3A_488 : i32 to index
        %get3A_606 = arith.constant 48 : index
        %get3A_607 = tpu.vector_load %arg8[%get3A_604, %get3A_605, %get3A_606] {strides = array<i32>} : memref<2x200x64xf32, #tpu.memory_space<vmem>>, vector<1x1x16xf32>,
        %get3A_608 = vector.shape_cast %get3A_607 : vector<1x1x16xf32> to vector<16xf32>
        %add3A_609 = arith.addf %get3A_608, %get3A_588 : vector<16xf32>
        %swap3A_610 = arith.constant 1 : i32
        %swap3A_611 = arith.index_cast %swap3A_610 : i32 to index
        %swap3A_612 = arith.index_cast %scan3A_488 : i32 to index
        %swap3A_613 = arith.constant 48 : index
        %swap3A_614 = tpu.vector_load %arg8[%swap3A_611, %swap3A_612, %swap3A_613] {strides = array<i32>} : memref<2x200x64xf32, #tpu.memory_space<vmem>>, vector<1x1x16xf32>,
        %swap3A_615 = vector.shape_cast %swap3A_614 : vector<1x1x16xf32> to vector<16xf32>
        %swap3A_616 = vector.shape_cast %add3A_609 : vector<16xf32> to vector<1x1x16xf32>
        tpu.vector_store %arg8[%swap3A_611, %swap3A_612, %swap3A_613], %swap3A_616 {strides = array<i32>} : memref<2x200x64xf32, #tpu.memory_space<vmem>>, vector<1x1x16xf32>,
        %scan3A_617 = arith.constant 3 : i32
        %scan3A_618 = arith.addi %scan3A_230, %scan3A_617 : i32
        %get3A_619 = arith.index_cast %scan3A_618 : i32 to index
        %get3A_620 = arith.constant 0 : index
        %get3A_621 = tpu.vector_load %arg9[%get3A_619, %get3A_620] {strides = array<i32>} : memref<200x64xf32, #tpu.memory_space<vmem>>, vector<1x16xf32>,
        %get3A_622 = vector.shape_cast %get3A_621 : vector<1x16xf32> to vector<16xf32>
        %get3A_623 = arith.constant 0 : i32
        %get3A_624 = arith.index_cast %get3A_623 : i32 to index
        %get3A_625 = arith.index_cast %scan3A_618 : i32 to index
        %get3A_626 = arith.constant 0 : index
        %get3A_627 = tpu.vector_load %arg8[%get3A_624, %get3A_625, %get3A_626] {strides = array<i32>} : memref<2x200x64xf32, #tpu.memory_space<vmem>>, vector<1x1x16xf32>,
        %get3A_628 = vector.shape_cast %get3A_627 : vector<1x1x16xf32> to vector<16xf32>
        %add3A_629 = arith.addf %get3A_628, %get3A_622 : vector<16xf32>
        %swap3A_630 = arith.constant 0 : i32
        %swap3A_631 = arith.index_cast %swap3A_630 : i32 to index
        %swap3A_632 = arith.index_cast %scan3A_618 : i32 to index
        %swap3A_633 = arith.constant 0 : index
        %swap3A_634 = tpu.vector_load %arg8[%swap3A_631, %swap3A_632, %swap3A_633] {strides = array<i32>} : memref<2x200x64xf32, #tpu.memory_space<vmem>>, vector<1x1x16xf32>,
        %swap3A_635 = vector.shape_cast %swap3A_634 : vector<1x1x16xf32> to vector<16xf32>
        %swap3A_636 = vector.shape_cast %add3A_629 : vector<16xf32> to vector<1x1x16xf32>
        tpu.vector_store %arg8[%swap3A_631, %swap3A_632, %swap3A_633], %swap3A_636 {strides = array<i32>} : memref<2x200x64xf32, #tpu.memory_space<vmem>>, vector<1x1x16xf32>,
        %get3A_637 = arith.constant 1 : i32
        %get3A_638 = arith.index_cast %get3A_637 : i32 to index
        %get3A_639 = arith.index_cast %scan3A_618 : i32 to index
        %get3A_640 = arith.constant 0 : index
        %get3A_641 = tpu.vector_load %arg8[%get3A_638, %get3A_639, %get3A_640] {strides = array<i32>} : memref<2x200x64xf32, #tpu.memory_space<vmem>>, vector<1x1x16xf32>,
        %get3A_642 = vector.shape_cast %get3A_641 : vector<1x1x16xf32> to vector<16xf32>
        %add3A_643 = arith.addf %get3A_642, %get3A_622 : vector<16xf32>
        %swap3A_644 = arith.constant 1 : i32
        %swap3A_645 = arith.index_cast %swap3A_644 : i32 to index
        %swap3A_646 = arith.index_cast %scan3A_618 : i32 to index
        %swap3A_647 = arith.constant 0 : index
        %swap3A_648 = tpu.vector_load %arg8[%swap3A_645, %swap3A_646, %swap3A_647] {strides = array<i32>} : memref<2x200x64xf32, #tpu.memory_space<vmem>>, vector<1x1x16xf32>,
        %swap3A_649 = vector.shape_cast %swap3A_648 : vector<1x1x16xf32> to vector<16xf32>
        %swap3A_650 = vector.shape_cast %add3A_643 : vector<16xf32> to vector<1x1x16xf32>
        tpu.vector_store %arg8[%swap3A_645, %swap3A_646, %swap3A_647], %swap3A_650 {strides = array<i32>} : memref<2x200x64xf32, #tpu.memory_space<vmem>>, vector<1x1x16xf32>,
        %get3A_651 = arith.index_cast %scan3A_618 : i32 to index
        %get3A_652 = arith.constant 16 : index
        %get3A_653 = tpu.vector_load %arg9[%get3A_651, %get3A_652] {strides = array<i32>} : memref<200x64xf32, #tpu.memory_space<vmem>>, vector<1x16xf32>,
        %get3A_654 = vector.shape_cast %get3A_653 : vector<1x16xf32> to vector<16xf32>
        %get3A_655 = arith.constant 0 : i32
        %get3A_656 = arith.index_cast %get3A_655 : i32 to index
        %get3A_657 = arith.index_cast %scan3A_618 : i32 to index
        %get3A_658 = arith.constant 16 : index
        %get3A_659 = tpu.vector_load %arg8[%get3A_656, %get3A_657, %get3A_658] {strides = array<i32>} : memref<2x200x64xf32, #tpu.memory_space<vmem>>, vector<1x1x16xf32>,
        %get3A_660 = vector.shape_cast %get3A_659 : vector<1x1x16xf32> to vector<16xf32>
        %add3A_661 = arith.addf %get3A_660, %get3A_654 : vector<16xf32>
        %swap3A_662 = arith.constant 0 : i32
        %swap3A_663 = arith.index_cast %swap3A_662 : i32 to index
        %swap3A_664 = arith.index_cast %scan3A_618 : i32 to index
        %swap3A_665 = arith.constant 16 : index
        %swap3A_666 = tpu.vector_load %arg8[%swap3A_663, %swap3A_664, %swap3A_665] {strides = array<i32>} : memref<2x200x64xf32, #tpu.memory_space<vmem>>, vector<1x1x16xf32>,
        %swap3A_667 = vector.shape_cast %swap3A_666 : vector<1x1x16xf32> to vector<16xf32>
        %swap3A_668 = vector.shape_cast %add3A_661 : vector<16xf32> to vector<1x1x16xf32>
        tpu.vector_store %arg8[%swap3A_663, %swap3A_664, %swap3A_665], %swap3A_668 {strides = array<i32>} : memref<2x200x64xf32, #tpu.memory_space<vmem>>, vector<1x1x16xf32>,
        %get3A_669 = arith.constant 1 : i32
        %get3A_670 = arith.index_cast %get3A_669 : i32 to index
        %get3A_671 = arith.index_cast %scan3A_618 : i32 to index
        %get3A_672 = arith.constant 16 : index
        %get3A_673 = tpu.vector_load %arg8[%get3A_670, %get3A_671, %get3A_672] {strides = array<i32>} : memref<2x200x64xf32, #tpu.memory_space<vmem>>, vector<1x1x16xf32>,
        %get3A_674 = vector.shape_cast %get3A_673 : vector<1x1x16xf32> to vector<16xf32>
        %add3A_675 = arith.addf %get3A_674, %get3A_654 : vector<16xf32>
        %swap3A_676 = arith.constant 1 : i32
        %swap3A_677 = arith.index_cast %swap3A_676 : i32 to index
        %swap3A_678 = arith.index_cast %scan3A_618 : i32 to index
        %swap3A_679 = arith.constant 16 : index
        %swap3A_680 = tpu.vector_load %arg8[%swap3A_677, %swap3A_678, %swap3A_679] {strides = array<i32>} : memref<2x200x64xf32, #tpu.memory_space<vmem>>, vector<1x1x16xf32>,
        %swap3A_681 = vector.shape_cast %swap3A_680 : vector<1x1x16xf32> to vector<16xf32>
        %swap3A_682 = vector.shape_cast %add3A_675 : vector<16xf32> to vector<1x1x16xf32>
        tpu.vector_store %arg8[%swap3A_677, %swap3A_678, %swap3A_679], %swap3A_682 {strides = array<i32>} : memref<2x200x64xf32, #tpu.memory_space<vmem>>, vector<1x1x16xf32>,
        %get3A_683 = arith.index_cast %scan3A_618 : i32 to index
        %get3A_684 = arith.constant 32 : index
        %get3A_685 = tpu.vector_load %arg9[%get3A_683, %get3A_684] {strides = array<i32>} : memref<200x64xf32, #tpu.memory_space<vmem>>, vector<1x16xf32>,
        %get3A_686 = vector.shape_cast %get3A_685 : vector<1x16xf32> to vector<16xf32>
        %get3A_687 = arith.constant 0 : i32
        %get3A_688 = arith.index_cast %get3A_687 : i32 to index
        %get3A_689 = arith.index_cast %scan3A_618 : i32 to index
        %get3A_690 = arith.constant 32 : index
        %get3A_691 = tpu.vector_load %arg8[%get3A_688, %get3A_689, %get3A_690] {strides = array<i32>} : memref<2x200x64xf32, #tpu.memory_space<vmem>>, vector<1x1x16xf32>,
        %get3A_692 = vector.shape_cast %get3A_691 : vector<1x1x16xf32> to vector<16xf32>
        %add3A_693 = arith.addf %get3A_692, %get3A_686 : vector<16xf32>
        %swap3A_694 = arith.constant 0 : i32
        %swap3A_695 = arith.index_cast %swap3A_694 : i32 to index
        %swap3A_696 = arith.index_cast %scan3A_618 : i32 to index
        %swap3A_697 = arith.constant 32 : index
        %swap3A_698 = tpu.vector_load %arg8[%swap3A_695, %swap3A_696, %swap3A_697] {strides = array<i32>} : memref<2x200x64xf32, #tpu.memory_space<vmem>>, vector<1x1x16xf32>,
        %swap3A_699 = vector.shape_cast %swap3A_698 : vector<1x1x16xf32> to vector<16xf32>
        %swap3A_700 = vector.shape_cast %add3A_693 : vector<16xf32> to vector<1x1x16xf32>
        tpu.vector_store %arg8[%swap3A_695, %swap3A_696, %swap3A_697], %swap3A_700 {strides = array<i32>} : memref<2x200x64xf32, #tpu.memory_space<vmem>>, vector<1x1x16xf32>,
        %get3A_701 = arith.constant 1 : i32
        %get3A_702 = arith.index_cast %get3A_701 : i32 to index
        %get3A_703 = arith.index_cast %scan3A_618 : i32 to index
        %get3A_704 = arith.constant 32 : index
        %get3A_705 = tpu.vector_load %arg8[%get3A_702, %get3A_703, %get3A_704] {strides = array<i32>} : memref<2x200x64xf32, #tpu.memory_space<vmem>>, vector<1x1x16xf32>,
        %get3A_706 = vector.shape_cast %get3A_705 : vector<1x1x16xf32> to vector<16xf32>
        %add3A_707 = arith.addf %get3A_706, %get3A_686 : vector<16xf32>
        %swap3A_708 = arith.constant 1 : i32
        %swap3A_709 = arith.index_cast %swap3A_708 : i32 to index
        %swap3A_710 = arith.index_cast %scan3A_618 : i32 to index
        %swap3A_711 = arith.constant 32 : index
        %swap3A_712 = tpu.vector_load %arg8[%swap3A_709, %swap3A_710, %swap3A_711] {strides = array<i32>} : memref<2x200x64xf32, #tpu.memory_space<vmem>>, vector<1x1x16xf32>,
        %swap3A_713 = vector.shape_cast %swap3A_712 : vector<1x1x16xf32> to vector<16xf32>
        %swap3A_714 = vector.shape_cast %add3A_707 : vector<16xf32> to vector<1x1x16xf32>
        tpu.vector_store %arg8[%swap3A_709, %swap3A_710, %swap3A_711], %swap3A_714 {strides = array<i32>} : memref<2x200x64xf32, #tpu.memory_space<vmem>>, vector<1x1x16xf32>,
        %get3A_715 = arith.index_cast %scan3A_618 : i32 to index
        %get3A_716 = arith.constant 48 : index
        %get3A_717 = tpu.vector_load %arg9[%get3A_715, %get3A_716] {strides = array<i32>} : memref<200x64xf32, #tpu.memory_space<vmem>>, vector<1x16xf32>,
        %get3A_718 = vector.shape_cast %get3A_717 : vector<1x16xf32> to vector<16xf32>
        %get3A_719 = arith.constant 0 : i32
        %get3A_720 = arith.index_cast %get3A_719 : i32 to index
        %get3A_721 = arith.index_cast %scan3A_618 : i32 to index
        %get3A_722 = arith.constant 48 : index
        %get3A_723 = tpu.vector_load %arg8[%get3A_720, %get3A_721, %get3A_722] {strides = array<i32>} : memref<2x200x64xf32, #tpu.memory_space<vmem>>, vector<1x1x16xf32>,
        %get3A_724 = vector.shape_cast %get3A_723 : vector<1x1x16xf32> to vector<16xf32>
        %add3A_725 = arith.addf %get3A_724, %get3A_718 : vector<16xf32>
        %swap3A_726 = arith.constant 0 : i32
        %swap3A_727 = arith.index_cast %swap3A_726 : i32 to index
        %swap3A_728 = arith.index_cast %scan3A_618 : i32 to index
        %swap3A_729 = arith.constant 48 : index
        %swap3A_730 = tpu.vector_load %arg8[%swap3A_727, %swap3A_728, %swap3A_729] {strides = array<i32>} : memref<2x200x64xf32, #tpu.memory_space<vmem>>, vector<1x1x16xf32>,
        %swap3A_731 = vector.shape_cast %swap3A_730 : vector<1x1x16xf32> to vector<16xf32>
        %swap3A_732 = vector.shape_cast %add3A_725 : vector<16xf32> to vector<1x1x16xf32>
        tpu.vector_store %arg8[%swap3A_727, %swap3A_728, %swap3A_729], %swap3A_732 {strides = array<i32>} : memref<2x200x64xf32, #tpu.memory_space<vmem>>, vector<1x1x16xf32>,
        %get3A_733 = arith.constant 1 : i32
        %get3A_734 = arith.index_cast %get3A_733 : i32 to index
        %get3A_735 = arith.index_cast %scan3A_618 : i32 to index
        %get3A_736 = arith.constant 48 : index
        %get3A_737 = tpu.vector_load %arg8[%get3A_734, %get3A_735, %get3A_736] {strides = array<i32>} : memref<2x200x64xf32, #tpu.memory_space<vmem>>, vector<1x1x16xf32>,
        %get3A_738 = vector.shape_cast %get3A_737 : vector<1x1x16xf32> to vector<16xf32>
        %add3A_739 = arith.addf %get3A_738, %get3A_718 : vector<16xf32>
        %swap3A_740 = arith.constant 1 : i32
        %swap3A_741 = arith.index_cast %swap3A_740 : i32 to index
        %swap3A_742 = arith.index_cast %scan3A_618 : i32 to index
        %swap3A_743 = arith.constant 48 : index
        %swap3A_744 = tpu.vector_load %arg8[%swap3A_741, %swap3A_742, %swap3A_743] {strides = array<i32>} : memref<2x200x64xf32, #tpu.memory_space<vmem>>, vector<1x1x16xf32>,
        %swap3A_745 = vector.shape_cast %swap3A_744 : vector<1x1x16xf32> to vector<16xf32>
        %swap3A_746 = vector.shape_cast %add3A_739 : vector<16xf32> to vector<1x1x16xf32>
        tpu.vector_store %arg8[%swap3A_741, %swap3A_742, %swap3A_743], %swap3A_746 {strides = array<i32>} : memref<2x200x64xf32, #tpu.memory_space<vmem>>, vector<1x1x16xf32>,
        %scan3A_747 = arith.constant 4 : i32
        %scan3A_748 = arith.addi %scan3A_230, %scan3A_747 : i32
        %get3A_749 = arith.index_cast %scan3A_748 : i32 to index
        %get3A_750 = arith.constant 0 : index
        %get3A_751 = tpu.vector_load %arg9[%get3A_749, %get3A_750] {strides = array<i32>} : memref<200x64xf32, #tpu.memory_space<vmem>>, vector<1x16xf32>,
        %get3A_752 = vector.shape_cast %get3A_751 : vector<1x16xf32> to vector<16xf32>
        %get3A_753 = arith.constant 0 : i32
        %get3A_754 = arith.index_cast %get3A_753 : i32 to index
        %get3A_755 = arith.index_cast %scan3A_748 : i32 to index
        %get3A_756 = arith.constant 0 : index
        %get3A_757 = tpu.vector_load %arg8[%get3A_754, %get3A_755, %get3A_756] {strides = array<i32>} : memref<2x200x64xf32, #tpu.memory_space<vmem>>, vector<1x1x16xf32>,
        %get3A_758 = vector.shape_cast %get3A_757 : vector<1x1x16xf32> to vector<16xf32>
        %add3A_759 = arith.addf %get3A_758, %get3A_752 : vector<16xf32>
        %swap3A_760 = arith.constant 0 : i32
        %swap3A_761 = arith.index_cast %swap3A_760 : i32 to index
        %swap3A_762 = arith.index_cast %scan3A_748 : i32 to index
        %swap3A_763 = arith.constant 0 : index
        %swap3A_764 = tpu.vector_load %arg8[%swap3A_761, %swap3A_762, %swap3A_763] {strides = array<i32>} : memref<2x200x64xf32, #tpu.memory_space<vmem>>, vector<1x1x16xf32>,
        %swap3A_765 = vector.shape_cast %swap3A_764 : vector<1x1x16xf32> to vector<16xf32>
        %swap3A_766 = vector.shape_cast %add3A_759 : vector<16xf32> to vector<1x1x16xf32>
        tpu.vector_store %arg8[%swap3A_761, %swap3A_762, %swap3A_763], %swap3A_766 {strides = array<i32>} : memref<2x200x64xf32, #tpu.memory_space<vmem>>, vector<1x1x16xf32>,
        %get3A_767 = arith.constant 1 : i32
        %get3A_768 = arith.index_cast %get3A_767 : i32 to index
        %get3A_769 = arith.index_cast %scan3A_748 : i32 to index
        %get3A_770 = arith.constant 0 : index
        %get3A_771 = tpu.vector_load %arg8[%get3A_768, %get3A_769, %get3A_770] {strides = array<i32>} : memref<2x200x64xf32, #tpu.memory_space<vmem>>, vector<1x1x16xf32>,
        %get3A_772 = vector.shape_cast %get3A_771 : vector<1x1x16xf32> to vector<16xf32>
        %add3A_773 = arith.addf %get3A_772, %get3A_752 : vector<16xf32>
        %swap3A_774 = arith.constant 1 : i32
        %swap3A_775 = arith.index_cast %swap3A_774 : i32 to index
        %swap3A_776 = arith.index_cast %scan3A_748 : i32 to index
        %swap3A_777 = arith.constant 0 : index
        %swap3A_778 = tpu.vector_load %arg8[%swap3A_775, %swap3A_776, %swap3A_777] {strides = array<i32>} : memref<2x200x64xf32, #tpu.memory_space<vmem>>, vector<1x1x16xf32>,
        %swap3A_779 = vector.shape_cast %swap3A_778 : vector<1x1x16xf32> to vector<16xf32>
        %swap3A_780 = vector.shape_cast %add3A_773 : vector<16xf32> to vector<1x1x16xf32>
        tpu.vector_store %arg8[%swap3A_775, %swap3A_776, %swap3A_777], %swap3A_780 {strides = array<i32>} : memref<2x200x64xf32, #tpu.memory_space<vmem>>, vector<1x1x16xf32>,
        %get3A_781 = arith.index_cast %scan3A_748 : i32 to index
        %get3A_782 = arith.constant 16 : index
        %get3A_783 = tpu.vector_load %arg9[%get3A_781, %get3A_782] {strides = array<i32>} : memref<200x64xf32, #tpu.memory_space<vmem>>, vector<1x16xf32>,
        %get3A_784 = vector.shape_cast %get3A_783 : vector<1x16xf32> to vector<16xf32>
        %get3A_785 = arith.constant 0 : i32
        %get3A_786 = arith.index_cast %get3A_785 : i32 to index
        %get3A_787 = arith.index_cast %scan3A_748 : i32 to index
        %get3A_788 = arith.constant 16 : index
        %get3A_789 = tpu.vector_load %arg8[%get3A_786, %get3A_787, %get3A_788] {strides = array<i32>} : memref<2x200x64xf32, #tpu.memory_space<vmem>>, vector<1x1x16xf32>,
        %get3A_790 = vector.shape_cast %get3A_789 : vector<1x1x16xf32> to vector<16xf32>
        %add3A_791 = arith.addf %get3A_790, %get3A_784 : vector<16xf32>
        %swap3A_792 = arith.constant 0 : i32
        %swap3A_793 = arith.index_cast %swap3A_792 : i32 to index
        %swap3A_794 = arith.index_cast %scan3A_748 : i32 to index
        %swap3A_795 = arith.constant 16 : index
        %swap3A_796 = tpu.vector_load %arg8[%swap3A_793, %swap3A_794, %swap3A_795] {strides = array<i32>} : memref<2x200x64xf32, #tpu.memory_space<vmem>>, vector<1x1x16xf32>,
        %swap3A_797 = vector.shape_cast %swap3A_796 : vector<1x1x16xf32> to vector<16xf32>
        %swap3A_798 = vector.shape_cast %add3A_791 : vector<16xf32> to vector<1x1x16xf32>
        tpu.vector_store %arg8[%swap3A_793, %swap3A_794, %swap3A_795], %swap3A_798 {strides = array<i32>} : memref<2x200x64xf32, #tpu.memory_space<vmem>>, vector<1x1x16xf32>,
        %get3A_799 = arith.constant 1 : i32
        %get3A_800 = arith.index_cast %get3A_799 : i32 to index
        %get3A_801 = arith.index_cast %scan3A_748 : i32 to index
        %get3A_802 = arith.constant 16 : index
        %get3A_803 = tpu.vector_load %arg8[%get3A_800, %get3A_801, %get3A_802] {strides = array<i32>} : memref<2x200x64xf32, #tpu.memory_space<vmem>>, vector<1x1x16xf32>,
        %get3A_804 = vector.shape_cast %get3A_803 : vector<1x1x16xf32> to vector<16xf32>
        %add3A_805 = arith.addf %get3A_804, %get3A_784 : vector<16xf32>
        %swap3A_806 = arith.constant 1 : i32
        %swap3A_807 = arith.index_cast %swap3A_806 : i32 to index
        %swap3A_808 = arith.index_cast %scan3A_748 : i32 to index
        %swap3A_809 = arith.constant 16 : index
        %swap3A_810 = tpu.vector_load %arg8[%swap3A_807, %swap3A_808, %swap3A_809] {strides = array<i32>} : memref<2x200x64xf32, #tpu.memory_space<vmem>>, vector<1x1x16xf32>,
        %swap3A_811 = vector.shape_cast %swap3A_810 : vector<1x1x16xf32> to vector<16xf32>
        %swap3A_812 = vector.shape_cast %add3A_805 : vector<16xf32> to vector<1x1x16xf32>
        tpu.vector_store %arg8[%swap3A_807, %swap3A_808, %swap3A_809], %swap3A_812 {strides = array<i32>} : memref<2x200x64xf32, #tpu.memory_space<vmem>>, vector<1x1x16xf32>,
        %get3A_813 = arith.index_cast %scan3A_748 : i32 to index
        %get3A_814 = arith.constant 32 : index
        %get3A_815 = tpu.vector_load %arg9[%get3A_813, %get3A_814] {strides = array<i32>} : memref<200x64xf32, #tpu.memory_space<vmem>>, vector<1x16xf32>,
        %get3A_816 = vector.shape_cast %get3A_815 : vector<1x16xf32> to vector<16xf32>
        %get3A_817 = arith.constant 0 : i32
        %get3A_818 = arith.index_cast %get3A_817 : i32 to index
        %get3A_819 = arith.index_cast %scan3A_748 : i32 to index
        %get3A_820 = arith.constant 32 : index
        %get3A_821 = tpu.vector_load %arg8[%get3A_818, %get3A_819, %get3A_820] {strides = array<i32>} : memref<2x200x64xf32, #tpu.memory_space<vmem>>, vector<1x1x16xf32>,
        %get3A_822 = vector.shape_cast %get3A_821 : vector<1x1x16xf32> to vector<16xf32>
        %add3A_823 = arith.addf %get3A_822, %get3A_816 : vector<16xf32>
        %swap3A_824 = arith.constant 0 : i32
        %swap3A_825 = arith.index_cast %swap3A_824 : i32 to index
        %swap3A_826 = arith.index_cast %scan3A_748 : i32 to index
        %swap3A_827 = arith.constant 32 : index
        %swap3A_828 = tpu.vector_load %arg8[%swap3A_825, %swap3A_826, %swap3A_827] {strides = array<i32>} : memref<2x200x64xf32, #tpu.memory_space<vmem>>, vector<1x1x16xf32>,
        %swap3A_829 = vector.shape_cast %swap3A_828 : vector<1x1x16xf32> to vector<16xf32>
        %swap3A_830 = vector.shape_cast %add3A_823 : vector<16xf32> to vector<1x1x16xf32>
        tpu.vector_store %arg8[%swap3A_825, %swap3A_826, %swap3A_827], %swap3A_830 {strides = array<i32>} : memref<2x200x64xf32, #tpu.memory_space<vmem>>, vector<1x1x16xf32>,
        %get3A_831 = arith.constant 1 : i32
        %get3A_832 = arith.index_cast %get3A_831 : i32 to index
        %get3A_833 = arith.index_cast %scan3A_748 : i32 to index
        %get3A_834 = arith.constant 32 : index
        %get3A_835 = tpu.vector_load %arg8[%get3A_832, %get3A_833, %get3A_834] {strides = array<i32>} : memref<2x200x64xf32, #tpu.memory_space<vmem>>, vector<1x1x16xf32>,
        %get3A_836 = vector.shape_cast %get3A_835 : vector<1x1x16xf32> to vector<16xf32>
        %add3A_837 = arith.addf %get3A_836, %get3A_816 : vector<16xf32>
        %swap3A_838 = arith.constant 1 : i32
        %swap3A_839 = arith.index_cast %swap3A_838 : i32 to index
        %swap3A_840 = arith.index_cast %scan3A_748 : i32 to index
        %swap3A_841 = arith.constant 32 : index
        %swap3A_842 = tpu.vector_load %arg8[%swap3A_839, %swap3A_840, %swap3A_841] {strides = array<i32>} : memref<2x200x64xf32, #tpu.memory_space<vmem>>, vector<1x1x16xf32>,
        %swap3A_843 = vector.shape_cast %swap3A_842 : vector<1x1x16xf32> to vector<16xf32>
        %swap3A_844 = vector.shape_cast %add3A_837 : vector<16xf32> to vector<1x1x16xf32>
        tpu.vector_store %arg8[%swap3A_839, %swap3A_840, %swap3A_841], %swap3A_844 {strides = array<i32>} : memref<2x200x64xf32, #tpu.memory_space<vmem>>, vector<1x1x16xf32>,
        %get3A_845 = arith.index_cast %scan3A_748 : i32 to index
        %get3A_846 = arith.constant 48 : index
        %get3A_847 = tpu.vector_load %arg9[%get3A_845, %get3A_846] {strides = array<i32>} : memref<200x64xf32, #tpu.memory_space<vmem>>, vector<1x16xf32>,
        %get3A_848 = vector.shape_cast %get3A_847 : vector<1x16xf32> to vector<16xf32>
        %get3A_849 = arith.constant 0 : i32
        %get3A_850 = arith.index_cast %get3A_849 : i32 to index
        %get3A_851 = arith.index_cast %scan3A_748 : i32 to index
        %get3A_852 = arith.constant 48 : index
        %get3A_853 = tpu.vector_load %arg8[%get3A_850, %get3A_851, %get3A_852] {strides = array<i32>} : memref<2x200x64xf32, #tpu.memory_space<vmem>>, vector<1x1x16xf32>,
        %get3A_854 = vector.shape_cast %get3A_853 : vector<1x1x16xf32> to vector<16xf32>
        %add3A_855 = arith.addf %get3A_854, %get3A_848 : vector<16xf32>
        %swap3A_856 = arith.constant 0 : i32
        %swap3A_857 = arith.index_cast %swap3A_856 : i32 to index
        %swap3A_858 = arith.index_cast %scan3A_748 : i32 to index
        %swap3A_859 = arith.constant 48 : index
        %swap3A_860 = tpu.vector_load %arg8[%swap3A_857, %swap3A_858, %swap3A_859] {strides = array<i32>} : memref<2x200x64xf32, #tpu.memory_space<vmem>>, vector<1x1x16xf32>,
        %swap3A_861 = vector.shape_cast %swap3A_860 : vector<1x1x16xf32> to vector<16xf32>
        %swap3A_862 = vector.shape_cast %add3A_855 : vector<16xf32> to vector<1x1x16xf32>
        tpu.vector_store %arg8[%swap3A_857, %swap3A_858, %swap3A_859], %swap3A_862 {strides = array<i32>} : memref<2x200x64xf32, #tpu.memory_space<vmem>>, vector<1x1x16xf32>,
        %get3A_863 = arith.constant 1 : i32
        %get3A_864 = arith.index_cast %get3A_863 : i32 to index
        %get3A_865 = arith.index_cast %scan3A_748 : i32 to index
        %get3A_866 = arith.constant 48 : index
        %get3A_867 = tpu.vector_load %arg8[%get3A_864, %get3A_865, %get3A_866] {strides = array<i32>} : memref<2x200x64xf32, #tpu.memory_space<vmem>>, vector<1x1x16xf32>,
        %get3A_868 = vector.shape_cast %get3A_867 : vector<1x1x16xf32> to vector<16xf32>
        %add3A_869 = arith.addf %get3A_868, %get3A_848 : vector<16xf32>
        %swap3A_870 = arith.constant 1 : i32
        %swap3A_871 = arith.index_cast %swap3A_870 : i32 to index
        %swap3A_872 = arith.index_cast %scan3A_748 : i32 to index
        %swap3A_873 = arith.constant 48 : index
        %swap3A_874 = tpu.vector_load %arg8[%swap3A_871, %swap3A_872, %swap3A_873] {strides = array<i32>} : memref<2x200x64xf32, #tpu.memory_space<vmem>>, vector<1x1x16xf32>,
        %swap3A_875 = vector.shape_cast %swap3A_874 : vector<1x1x16xf32> to vector<16xf32>
        %swap3A_876 = vector.shape_cast %add3A_869 : vector<16xf32> to vector<1x1x16xf32>
        tpu.vector_store %arg8[%swap3A_871, %swap3A_872, %swap3A_873], %swap3A_876 {strides = array<i32>} : memref<2x200x64xf32, #tpu.memory_space<vmem>>, vector<1x1x16xf32>,
        %scan3A_877 = arith.constant 5 : i32
        %scan3A_878 = arith.addi %scan3A_230, %scan3A_877 : i32
        %get3A_879 = arith.index_cast %scan3A_878 : i32 to index
        %get3A_880 = arith.constant 0 : index
        %get3A_881 = tpu.vector_load %arg9[%get3A_879, %get3A_880] {strides = array<i32>} : memref<200x64xf32, #tpu.memory_space<vmem>>, vector<1x16xf32>,
        %get3A_882 = vector.shape_cast %get3A_881 : vector<1x16xf32> to vector<16xf32>
        %get3A_883 = arith.constant 0 : i32
        %get3A_884 = arith.index_cast %get3A_883 : i32 to index
        %get3A_885 = arith.index_cast %scan3A_878 : i32 to index
        %get3A_886 = arith.constant 0 : index
        %get3A_887 = tpu.vector_load %arg8[%get3A_884, %get3A_885, %get3A_886] {strides = array<i32>} : memref<2x200x64xf32, #tpu.memory_space<vmem>>, vector<1x1x16xf32>,
        %get3A_888 = vector.shape_cast %get3A_887 : vector<1x1x16xf32> to vector<16xf32>
        %add3A_889 = arith.addf %get3A_888, %get3A_882 : vector<16xf32>
        %swap3A_890 = arith.constant 0 : i32
        %swap3A_891 = arith.index_cast %swap3A_890 : i32 to index
        %swap3A_892 = arith.index_cast %scan3A_878 : i32 to index
        %swap3A_893 = arith.constant 0 : index
        %swap3A_894 = tpu.vector_load %arg8[%swap3A_891, %swap3A_892, %swap3A_893] {strides = array<i32>} : memref<2x200x64xf32, #tpu.memory_space<vmem>>, vector<1x1x16xf32>,
        %swap3A_895 = vector.shape_cast %swap3A_894 : vector<1x1x16xf32> to vector<16xf32>
        %swap3A_896 = vector.shape_cast %add3A_889 : vector<16xf32> to vector<1x1x16xf32>
        tpu.vector_store %arg8[%swap3A_891, %swap3A_892, %swap3A_893], %swap3A_896 {strides = array<i32>} : memref<2x200x64xf32, #tpu.memory_space<vmem>>, vector<1x1x16xf32>,
        %get3A_897 = arith.constant 1 : i32
        %get3A_898 = arith.index_cast %get3A_897 : i32 to index
        %get3A_899 = arith.index_cast %scan3A_878 : i32 to index
        %get3A_900 = arith.constant 0 : index
        %get3A_901 = tpu.vector_load %arg8[%get3A_898, %get3A_899, %get3A_900] {strides = array<i32>} : memref<2x200x64xf32, #tpu.memory_space<vmem>>, vector<1x1x16xf32>,
        %get3A_902 = vector.shape_cast %get3A_901 : vector<1x1x16xf32> to vector<16xf32>
        %add3A_903 = arith.addf %get3A_902, %get3A_882 : vector<16xf32>
        %swap3A_904 = arith.constant 1 : i32
        %swap3A_905 = arith.index_cast %swap3A_904 : i32 to index
        %swap3A_906 = arith.index_cast %scan3A_878 : i32 to index
        %swap3A_907 = arith.constant 0 : index
        %swap3A_908 = tpu.vector_load %arg8[%swap3A_905, %swap3A_906, %swap3A_907] {strides = array<i32>} : memref<2x200x64xf32, #tpu.memory_space<vmem>>, vector<1x1x16xf32>,
        %swap3A_909 = vector.shape_cast %swap3A_908 : vector<1x1x16xf32> to vector<16xf32>
        %swap3A_910 = vector.shape_cast %add3A_903 : vector<16xf32> to vector<1x1x16xf32>
        tpu.vector_store %arg8[%swap3A_905, %swap3A_906, %swap3A_907], %swap3A_910 {strides = array<i32>} : memref<2x200x64xf32, #tpu.memory_space<vmem>>, vector<1x1x16xf32>,
        %get3A_911 = arith.index_cast %scan3A_878 : i32 to index
        %get3A_912 = arith.constant 16 : index
        %get3A_913 = tpu.vector_load %arg9[%get3A_911, %get3A_912] {strides = array<i32>} : memref<200x64xf32, #tpu.memory_space<vmem>>, vector<1x16xf32>,
        %get3A_914 = vector.shape_cast %get3A_913 : vector<1x16xf32> to vector<16xf32>
        %get3A_915 = arith.constant 0 : i32
        %get3A_916 = arith.index_cast %get3A_915 : i32 to index
        %get3A_917 = arith.index_cast %scan3A_878 : i32 to index
        %get3A_918 = arith.constant 16 : index
        %get3A_919 = tpu.vector_load %arg8[%get3A_916, %get3A_917, %get3A_918] {strides = array<i32>} : memref<2x200x64xf32, #tpu.memory_space<vmem>>, vector<1x1x16xf32>,
        %get3A_920 = vector.shape_cast %get3A_919 : vector<1x1x16xf32> to vector<16xf32>
        %add3A_921 = arith.addf %get3A_920, %get3A_914 : vector<16xf32>
        %swap3A_922 = arith.constant 0 : i32
        %swap3A_923 = arith.index_cast %swap3A_922 : i32 to index
        %swap3A_924 = arith.index_cast %scan3A_878 : i32 to index
        %swap3A_925 = arith.constant 16 : index
        %swap3A_926 = tpu.vector_load %arg8[%swap3A_923, %swap3A_924, %swap3A_925] {strides = array<i32>} : memref<2x200x64xf32, #tpu.memory_space<vmem>>, vector<1x1x16xf32>,
        %swap3A_927 = vector.shape_cast %swap3A_926 : vector<1x1x16xf32> to vector<16xf32>
        %swap3A_928 = vector.shape_cast %add3A_921 : vector<16xf32> to vector<1x1x16xf32>
        tpu.vector_store %arg8[%swap3A_923, %swap3A_924, %swap3A_925], %swap3A_928 {strides = array<i32>} : memref<2x200x64xf32, #tpu.memory_space<vmem>>, vector<1x1x16xf32>,
        %get3A_929 = arith.constant 1 : i32
        %get3A_930 = arith.index_cast %get3A_929 : i32 to index
        %get3A_931 = arith.index_cast %scan3A_878 : i32 to index
        %get3A_932 = arith.constant 16 : index
        %get3A_933 = tpu.vector_load %arg8[%get3A_930, %get3A_931, %get3A_932] {strides = array<i32>} : memref<2x200x64xf32, #tpu.memory_space<vmem>>, vector<1x1x16xf32>,
        %get3A_934 = vector.shape_cast %get3A_933 : vector<1x1x16xf32> to vector<16xf32>
        %add3A_935 = arith.addf %get3A_934, %get3A_914 : vector<16xf32>
        %swap3A_936 = arith.constant 1 : i32
        %swap3A_937 = arith.index_cast %swap3A_936 : i32 to index
        %swap3A_938 = arith.index_cast %scan3A_878 : i32 to index
        %swap3A_939 = arith.constant 16 : index
        %swap3A_940 = tpu.vector_load %arg8[%swap3A_937, %swap3A_938, %swap3A_939] {strides = array<i32>} : memref<2x200x64xf32, #tpu.memory_space<vmem>>, vector<1x1x16xf32>,
        %swap3A_941 = vector.shape_cast %swap3A_940 : vector<1x1x16xf32> to vector<16xf32>
        %swap3A_942 = vector.shape_cast %add3A_935 : vector<16xf32> to vector<1x1x16xf32>
        tpu.vector_store %arg8[%swap3A_937, %swap3A_938, %swap3A_939], %swap3A_942 {strides = array<i32>} : memref<2x200x64xf32, #tpu.memory_space<vmem>>, vector<1x1x16xf32>,
        %get3A_943 = arith.index_cast %scan3A_878 : i32 to index
        %get3A_944 = arith.constant 32 : index
        %get3A_945 = tpu.vector_load %arg9[%get3A_943, %get3A_944] {strides = array<i32>} : memref<200x64xf32, #tpu.memory_space<vmem>>, vector<1x16xf32>,
        %get3A_946 = vector.shape_cast %get3A_945 : vector<1x16xf32> to vector<16xf32>
        %get3A_947 = arith.constant 0 : i32
        %get3A_948 = arith.index_cast %get3A_947 : i32 to index
        %get3A_949 = arith.index_cast %scan3A_878 : i32 to index
        %get3A_950 = arith.constant 32 : index
        %get3A_951 = tpu.vector_load %arg8[%get3A_948, %get3A_949, %get3A_950] {strides = array<i32>} : memref<2x200x64xf32, #tpu.memory_space<vmem>>, vector<1x1x16xf32>,
        %get3A_952 = vector.shape_cast %get3A_951 : vector<1x1x16xf32> to vector<16xf32>
        %add3A_953 = arith.addf %get3A_952, %get3A_946 : vector<16xf32>
        %swap3A_954 = arith.constant 0 : i32
        %swap3A_955 = arith.index_cast %swap3A_954 : i32 to index
        %swap3A_956 = arith.index_cast %scan3A_878 : i32 to index
        %swap3A_957 = arith.constant 32 : index
        %swap3A_958 = tpu.vector_load %arg8[%swap3A_955, %swap3A_956, %swap3A_957] {strides = array<i32>} : memref<2x200x64xf32, #tpu.memory_space<vmem>>, vector<1x1x16xf32>,
        %swap3A_959 = vector.shape_cast %swap3A_958 : vector<1x1x16xf32> to vector<16xf32>
        %swap3A_960 = vector.shape_cast %add3A_953 : vector<16xf32> to vector<1x1x16xf32>
        tpu.vector_store %arg8[%swap3A_955, %swap3A_956, %swap3A_957], %swap3A_960 {strides = array<i32>} : memref<2x200x64xf32, #tpu.memory_space<vmem>>, vector<1x1x16xf32>,
        %get3A_961 = arith.constant 1 : i32
        %get3A_962 = arith.index_cast %get3A_961 : i32 to index
        %get3A_963 = arith.index_cast %scan3A_878 : i32 to index
        %get3A_964 = arith.constant 32 : index
        %get3A_965 = tpu.vector_load %arg8[%get3A_962, %get3A_963, %get3A_964] {strides = array<i32>} : memref<2x200x64xf32, #tpu.memory_space<vmem>>, vector<1x1x16xf32>,
        %get3A_966 = vector.shape_cast %get3A_965 : vector<1x1x16xf32> to vector<16xf32>
        %add3A_967 = arith.addf %get3A_966, %get3A_946 : vector<16xf32>
        %swap3A_968 = arith.constant 1 : i32
        %swap3A_969 = arith.index_cast %swap3A_968 : i32 to index
        %swap3A_970 = arith.index_cast %scan3A_878 : i32 to index
        %swap3A_971 = arith.constant 32 : index
        %swap3A_972 = tpu.vector_load %arg8[%swap3A_969, %swap3A_970, %swap3A_971] {strides = array<i32>} : memref<2x200x64xf32, #tpu.memory_space<vmem>>, vector<1x1x16xf32>,
        %swap3A_973 = vector.shape_cast %swap3A_972 : vector<1x1x16xf32> to vector<16xf32>
        %swap3A_974 = vector.shape_cast %add3A_967 : vector<16xf32> to vector<1x1x16xf32>
        tpu.vector_store %arg8[%swap3A_969, %swap3A_970, %swap3A_971], %swap3A_974 {strides = array<i32>} : memref<2x200x64xf32, #tpu.memory_space<vmem>>, vector<1x1x16xf32>,
        %get3A_975 = arith.index_cast %scan3A_878 : i32 to index
        %get3A_976 = arith.constant 48 : index
        %get3A_977 = tpu.vector_load %arg9[%get3A_975, %get3A_976] {strides = array<i32>} : memref<200x64xf32, #tpu.memory_space<vmem>>, vector<1x16xf32>,
        %get3A_978 = vector.shape_cast %get3A_977 : vector<1x16xf32> to vector<16xf32>
        %get3A_979 = arith.constant 0 : i32
        %get3A_980 = arith.index_cast %get3A_979 : i32 to index
        %get3A_981 = arith.index_cast %scan3A_878 : i32 to index
        %get3A_982 = arith.constant 48 : index
        %get3A_983 = tpu.vector_load %arg8[%get3A_980, %get3A_981, %get3A_982] {strides = array<i32>} : memref<2x200x64xf32, #tpu.memory_space<vmem>>, vector<1x1x16xf32>,
        %get3A_984 = vector.shape_cast %get3A_983 : vector<1x1x16xf32> to vector<16xf32>
        %add3A_985 = arith.addf %get3A_984, %get3A_978 : vector<16xf32>
        %swap3A_986 = arith.constant 0 : i32
        %swap3A_987 = arith.index_cast %swap3A_986 : i32 to index
        %swap3A_988 = arith.index_cast %scan3A_878 : i32 to index
        %swap3A_989 = arith.constant 48 : index
        %swap3A_990 = tpu.vector_load %arg8[%swap3A_987, %swap3A_988, %swap3A_989] {strides = array<i32>} : memref<2x200x64xf32, #tpu.memory_space<vmem>>, vector<1x1x16xf32>,
        %swap3A_991 = vector.shape_cast %swap3A_990 : vector<1x1x16xf32> to vector<16xf32>
        %swap3A_992 = vector.shape_cast %add3A_985 : vector<16xf32> to vector<1x1x16xf32>
        tpu.vector_store %arg8[%swap3A_987, %swap3A_988, %swap3A_989], %swap3A_992 {strides = array<i32>} : memref<2x200x64xf32, #tpu.memory_space<vmem>>, vector<1x1x16xf32>,
        %get3A_993 = arith.constant 1 : i32
        %get3A_994 = arith.index_cast %get3A_993 : i32 to index
        %get3A_995 = arith.index_cast %scan3A_878 : i32 to index
        %get3A_996 = arith.constant 48 : index
        %get3A_997 = tpu.vector_load %arg8[%get3A_994, %get3A_995, %get3A_996] {strides = array<i32>} : memref<2x200x64xf32, #tpu.memory_space<vmem>>, vector<1x1x16xf32>,
        %get3A_998 = vector.shape_cast %get3A_997 : vector<1x1x16xf32> to vector<16xf32>
        %add3A_999 = arith.addf %get3A_998, %get3A_978 : vector<16xf32>
        %swap3A_1000 = arith.constant 1 : i32
        %swap3A_1001 = arith.index_cast %swap3A_1000 : i32 to index
        %swap3A_1002 = arith.index_cast %scan3A_878 : i32 to index
        %swap3A_1003 = arith.constant 48 : index
        %swap3A_1004 = tpu.vector_load %arg8[%swap3A_1001, %swap3A_1002, %swap3A_1003] {strides = array<i32>} : memref<2x200x64xf32, #tpu.memory_space<vmem>>, vector<1x1x16xf32>,
        %swap3A_1005 = vector.shape_cast %swap3A_1004 : vector<1x1x16xf32> to vector<16xf32>
        %swap3A_1006 = vector.shape_cast %add3A_999 : vector<16xf32> to vector<1x1x16xf32>
        tpu.vector_store %arg8[%swap3A_1001, %swap3A_1002, %swap3A_1003], %swap3A_1006 {strides = array<i32>} : memref<2x200x64xf32, #tpu.memory_space<vmem>>, vector<1x1x16xf32>,
        %scan3A_1007 = arith.constant 6 : i32
        %scan3A_1008 = arith.addi %scan3A_230, %scan3A_1007 : i32
        %get3A_1009 = arith.index_cast %scan3A_1008 : i32 to index
        %get3A_1010 = arith.constant 0 : index
        %get3A_1011 = tpu.vector_load %arg9[%get3A_1009, %get3A_1010] {strides = array<i32>} : memref<200x64xf32, #tpu.memory_space<vmem>>, vector<1x16xf32>,
        %get3A_1012 = vector.shape_cast %get3A_1011 : vector<1x16xf32> to vector<16xf32>
        %get3A_1013 = arith.constant 0 : i32
        %get3A_1014 = arith.index_cast %get3A_1013 : i32 to index
        %get3A_1015 = arith.index_cast %scan3A_1008 : i32 to index
        %get3A_1016 = arith.constant 0 : index
        %get3A_1017 = tpu.vector_load %arg8[%get3A_1014, %get3A_1015, %get3A_1016] {strides = array<i32>} : memref<2x200x64xf32, #tpu.memory_space<vmem>>, vector<1x1x16xf32>,
        %get3A_1018 = vector.shape_cast %get3A_1017 : vector<1x1x16xf32> to vector<16xf32>
        %add3A_1019 = arith.addf %get3A_1018, %get3A_1012 : vector<16xf32>
        %swap3A_1020 = arith.constant 0 : i32
        %swap3A_1021 = arith.index_cast %swap3A_1020 : i32 to index
        %swap3A_1022 = arith.index_cast %scan3A_1008 : i32 to index
        %swap3A_1023 = arith.constant 0 : index
        %swap3A_1024 = tpu.vector_load %arg8[%swap3A_1021, %swap3A_1022, %swap3A_1023] {strides = array<i32>} : memref<2x200x64xf32, #tpu.memory_space<vmem>>, vector<1x1x16xf32>,
        %swap3A_1025 = vector.shape_cast %swap3A_1024 : vector<1x1x16xf32> to vector<16xf32>
        %swap3A_1026 = vector.shape_cast %add3A_1019 : vector<16xf32> to vector<1x1x16xf32>
        tpu.vector_store %arg8[%swap3A_1021, %swap3A_1022, %swap3A_1023], %swap3A_1026 {strides = array<i32>} : memref<2x200x64xf32, #tpu.memory_space<vmem>>, vector<1x1x16xf32>,
        %get3A_1027 = arith.constant 1 : i32
        %get3A_1028 = arith.index_cast %get3A_1027 : i32 to index
        %get3A_1029 = arith.index_cast %scan3A_1008 : i32 to index
        %get3A_1030 = arith.constant 0 : index
        %get3A_1031 = tpu.vector_load %arg8[%get3A_1028, %get3A_1029, %get3A_1030] {strides = array<i32>} : memref<2x200x64xf32, #tpu.memory_space<vmem>>, vector<1x1x16xf32>,
        %get3A_1032 = vector.shape_cast %get3A_1031 : vector<1x1x16xf32> to vector<16xf32>
        %add3A_1033 = arith.addf %get3A_1032, %get3A_1012 : vector<16xf32>
        %swap3A_1034 = arith.constant 1 : i32
        %swap3A_1035 = arith.index_cast %swap3A_1034 : i32 to index
        %swap3A_1036 = arith.index_cast %scan3A_1008 : i32 to index
        %swap3A_1037 = arith.constant 0 : index
        %swap3A_1038 = tpu.vector_load %arg8[%swap3A_1035, %swap3A_1036, %swap3A_1037] {strides = array<i32>} : memref<2x200x64xf32, #tpu.memory_space<vmem>>, vector<1x1x16xf32>,
        %swap3A_1039 = vector.shape_cast %swap3A_1038 : vector<1x1x16xf32> to vector<16xf32>
        %swap3A_1040 = vector.shape_cast %add3A_1033 : vector<16xf32> to vector<1x1x16xf32>
        tpu.vector_store %arg8[%swap3A_1035, %swap3A_1036, %swap3A_1037], %swap3A_1040 {strides = array<i32>} : memref<2x200x64xf32, #tpu.memory_space<vmem>>, vector<1x1x16xf32>,
        %get3A_1041 = arith.index_cast %scan3A_1008 : i32 to index
        %get3A_1042 = arith.constant 16 : index
        %get3A_1043 = tpu.vector_load %arg9[%get3A_1041, %get3A_1042] {strides = array<i32>} : memref<200x64xf32, #tpu.memory_space<vmem>>, vector<1x16xf32>,
        %get3A_1044 = vector.shape_cast %get3A_1043 : vector<1x16xf32> to vector<16xf32>
        %get3A_1045 = arith.constant 0 : i32
        %get3A_1046 = arith.index_cast %get3A_1045 : i32 to index
        %get3A_1047 = arith.index_cast %scan3A_1008 : i32 to index
        %get3A_1048 = arith.constant 16 : index
        %get3A_1049 = tpu.vector_load %arg8[%get3A_1046, %get3A_1047, %get3A_1048] {strides = array<i32>} : memref<2x200x64xf32, #tpu.memory_space<vmem>>, vector<1x1x16xf32>,
        %get3A_1050 = vector.shape_cast %get3A_1049 : vector<1x1x16xf32> to vector<16xf32>
        %add3A_1051 = arith.addf %get3A_1050, %get3A_1044 : vector<16xf32>
        %swap3A_1052 = arith.constant 0 : i32
        %swap3A_1053 = arith.index_cast %swap3A_1052 : i32 to index
        %swap3A_1054 = arith.index_cast %scan3A_1008 : i32 to index
        %swap3A_1055 = arith.constant 16 : index
        %swap3A_1056 = tpu.vector_load %arg8[%swap3A_1053, %swap3A_1054, %swap3A_1055] {strides = array<i32>} : memref<2x200x64xf32, #tpu.memory_space<vmem>>, vector<1x1x16xf32>,
        %swap3A_1057 = vector.shape_cast %swap3A_1056 : vector<1x1x16xf32> to vector<16xf32>
        %swap3A_1058 = vector.shape_cast %add3A_1051 : vector<16xf32> to vector<1x1x16xf32>
        tpu.vector_store %arg8[%swap3A_1053, %swap3A_1054, %swap3A_1055], %swap3A_1058 {strides = array<i32>} : memref<2x200x64xf32, #tpu.memory_space<vmem>>, vector<1x1x16xf32>,
        %get3A_1059 = arith.constant 1 : i32
        %get3A_1060 = arith.index_cast %get3A_1059 : i32 to index
        %get3A_1061 = arith.index_cast %scan3A_1008 : i32 to index
        %get3A_1062 = arith.constant 16 : index
        %get3A_1063 = tpu.vector_load %arg8[%get3A_1060, %get3A_1061, %get3A_1062] {strides = array<i32>} : memref<2x200x64xf32, #tpu.memory_space<vmem>>, vector<1x1x16xf32>,
        %get3A_1064 = vector.shape_cast %get3A_1063 : vector<1x1x16xf32> to vector<16xf32>
        %add3A_1065 = arith.addf %get3A_1064, %get3A_1044 : vector<16xf32>
        %swap3A_1066 = arith.constant 1 : i32
        %swap3A_1067 = arith.index_cast %swap3A_1066 : i32 to index
        %swap3A_1068 = arith.index_cast %scan3A_1008 : i32 to index
        %swap3A_1069 = arith.constant 16 : index
        %swap3A_1070 = tpu.vector_load %arg8[%swap3A_1067, %swap3A_1068, %swap3A_1069] {strides = array<i32>} : memref<2x200x64xf32, #tpu.memory_space<vmem>>, vector<1x1x16xf32>,
        %swap3A_1071 = vector.shape_cast %swap3A_1070 : vector<1x1x16xf32> to vector<16xf32>
        %swap3A_1072 = vector.shape_cast %add3A_1065 : vector<16xf32> to vector<1x1x16xf32>
        tpu.vector_store %arg8[%swap3A_1067, %swap3A_1068, %swap3A_1069], %swap3A_1072 {strides = array<i32>} : memref<2x200x64xf32, #tpu.memory_space<vmem>>, vector<1x1x16xf32>,
        %get3A_1073 = arith.index_cast %scan3A_1008 : i32 to index
        %get3A_1074 = arith.constant 32 : index
        %get3A_1075 = tpu.vector_load %arg9[%get3A_1073, %get3A_1074] {strides = array<i32>} : memref<200x64xf32, #tpu.memory_space<vmem>>, vector<1x16xf32>,
        %get3A_1076 = vector.shape_cast %get3A_1075 : vector<1x16xf32> to vector<16xf32>
        %get3A_1077 = arith.constant 0 : i32
        %get3A_1078 = arith.index_cast %get3A_1077 : i32 to index
        %get3A_1079 = arith.index_cast %scan3A_1008 : i32 to index
        %get3A_1080 = arith.constant 32 : index
        %get3A_1081 = tpu.vector_load %arg8[%get3A_1078, %get3A_1079, %get3A_1080] {strides = array<i32>} : memref<2x200x64xf32, #tpu.memory_space<vmem>>, vector<1x1x16xf32>,
        %get3A_1082 = vector.shape_cast %get3A_1081 : vector<1x1x16xf32> to vector<16xf32>
        %add3A_1083 = arith.addf %get3A_1082, %get3A_1076 : vector<16xf32>
        %swap3A_1084 = arith.constant 0 : i32
        %swap3A_1085 = arith.index_cast %swap3A_1084 : i32 to index
        %swap3A_1086 = arith.index_cast %scan3A_1008 : i32 to index
        %swap3A_1087 = arith.constant 32 : index
        %swap3A_1088 = tpu.vector_load %arg8[%swap3A_1085, %swap3A_1086, %swap3A_1087] {strides = array<i32>} : memref<2x200x64xf32, #tpu.memory_space<vmem>>, vector<1x1x16xf32>,
        %swap3A_1089 = vector.shape_cast %swap3A_1088 : vector<1x1x16xf32> to vector<16xf32>
        %swap3A_1090 = vector.shape_cast %add3A_1083 : vector<16xf32> to vector<1x1x16xf32>
        tpu.vector_store %arg8[%swap3A_1085, %swap3A_1086, %swap3A_1087], %swap3A_1090 {strides = array<i32>} : memref<2x200x64xf32, #tpu.memory_space<vmem>>, vector<1x1x16xf32>,
        %get3A_1091 = arith.constant 1 : i32
        %get3A_1092 = arith.index_cast %get3A_1091 : i32 to index
        %get3A_1093 = arith.index_cast %scan3A_1008 : i32 to index
        %get3A_1094 = arith.constant 32 : index
        %get3A_1095 = tpu.vector_load %arg8[%get3A_1092, %get3A_1093, %get3A_1094] {strides = array<i32>} : memref<2x200x64xf32, #tpu.memory_space<vmem>>, vector<1x1x16xf32>,
        %get3A_1096 = vector.shape_cast %get3A_1095 : vector<1x1x16xf32> to vector<16xf32>
        %add3A_1097 = arith.addf %get3A_1096, %get3A_1076 : vector<16xf32>
        %swap3A_1098 = arith.constant 1 : i32
        %swap3A_1099 = arith.index_cast %swap3A_1098 : i32 to index
        %swap3A_1100 = arith.index_cast %scan3A_1008 : i32 to index
        %swap3A_1101 = arith.constant 32 : index
        %swap3A_1102 = tpu.vector_load %arg8[%swap3A_1099, %swap3A_1100, %swap3A_1101] {strides = array<i32>} : memref<2x200x64xf32, #tpu.memory_space<vmem>>, vector<1x1x16xf32>,
        %swap3A_1103 = vector.shape_cast %swap3A_1102 : vector<1x1x16xf32> to vector<16xf32>
        %swap3A_1104 = vector.shape_cast %add3A_1097 : vector<16xf32> to vector<1x1x16xf32>
        tpu.vector_store %arg8[%swap3A_1099, %swap3A_1100, %swap3A_1101], %swap3A_1104 {strides = array<i32>} : memref<2x200x64xf32, #tpu.memory_space<vmem>>, vector<1x1x16xf32>,
        %get3A_1105 = arith.index_cast %scan3A_1008 : i32 to index
        %get3A_1106 = arith.constant 48 : index
        %get3A_1107 = tpu.vector_load %arg9[%get3A_1105, %get3A_1106] {strides = array<i32>} : memref<200x64xf32, #tpu.memory_space<vmem>>, vector<1x16xf32>,
        %get3A_1108 = vector.shape_cast %get3A_1107 : vector<1x16xf32> to vector<16xf32>
        %get3A_1109 = arith.constant 0 : i32
        %get3A_1110 = arith.index_cast %get3A_1109 : i32 to index
        %get3A_1111 = arith.index_cast %scan3A_1008 : i32 to index
        %get3A_1112 = arith.constant 48 : index
        %get3A_1113 = tpu.vector_load %arg8[%get3A_1110, %get3A_1111, %get3A_1112] {strides = array<i32>} : memref<2x200x64xf32, #tpu.memory_space<vmem>>, vector<1x1x16xf32>,
        %get3A_1114 = vector.shape_cast %get3A_1113 : vector<1x1x16xf32> to vector<16xf32>
        %add3A_1115 = arith.addf %get3A_1114, %get3A_1108 : vector<16xf32>
        %swap3A_1116 = arith.constant 0 : i32
        %swap3A_1117 = arith.index_cast %swap3A_1116 : i32 to index
        %swap3A_1118 = arith.index_cast %scan3A_1008 : i32 to index
        %swap3A_1119 = arith.constant 48 : index
        %swap3A_1120 = tpu.vector_load %arg8[%swap3A_1117, %swap3A_1118, %swap3A_1119] {strides = array<i32>} : memref<2x200x64xf32, #tpu.memory_space<vmem>>, vector<1x1x16xf32>,
        %swap3A_1121 = vector.shape_cast %swap3A_1120 : vector<1x1x16xf32> to vector<16xf32>
        %swap3A_1122 = vector.shape_cast %add3A_1115 : vector<16xf32> to vector<1x1x16xf32>
        tpu.vector_store %arg8[%swap3A_1117, %swap3A_1118, %swap3A_1119], %swap3A_1122 {strides = array<i32>} : memref<2x200x64xf32, #tpu.memory_space<vmem>>, vector<1x1x16xf32>,
        %get3A_1123 = arith.constant 1 : i32
        %get3A_1124 = arith.index_cast %get3A_1123 : i32 to index
        %get3A_1125 = arith.index_cast %scan3A_1008 : i32 to index
        %get3A_1126 = arith.constant 48 : index
        %get3A_1127 = tpu.vector_load %arg8[%get3A_1124, %get3A_1125, %get3A_1126] {strides = array<i32>} : memref<2x200x64xf32, #tpu.memory_space<vmem>>, vector<1x1x16xf32>,
        %get3A_1128 = vector.shape_cast %get3A_1127 : vector<1x1x16xf32> to vector<16xf32>
        %add3A_1129 = arith.addf %get3A_1128, %get3A_1108 : vector<16xf32>
        %swap3A_1130 = arith.constant 1 : i32
        %swap3A_1131 = arith.index_cast %swap3A_1130 : i32 to index
        %swap3A_1132 = arith.index_cast %scan3A_1008 : i32 to index
        %swap3A_1133 = arith.constant 48 : index
        %swap3A_1134 = tpu.vector_load %arg8[%swap3A_1131, %swap3A_1132, %swap3A_1133] {strides = array<i32>} : memref<2x200x64xf32, #tpu.memory_space<vmem>>, vector<1x1x16xf32>,
        %swap3A_1135 = vector.shape_cast %swap3A_1134 : vector<1x1x16xf32> to vector<16xf32>
        %swap3A_1136 = vector.shape_cast %add3A_1129 : vector<16xf32> to vector<1x1x16xf32>
        tpu.vector_store %arg8[%swap3A_1131, %swap3A_1132, %swap3A_1133], %swap3A_1136 {strides = array<i32>} : memref<2x200x64xf32, #tpu.memory_space<vmem>>, vector<1x1x16xf32>,
        %scan3A_1137 = arith.constant 7 : i32
        %scan3A_1138 = arith.addi %scan3A_230, %scan3A_1137 : i32
        %get3A_1139 = arith.index_cast %scan3A_1138 : i32 to index
        %get3A_1140 = arith.constant 0 : index
        %get3A_1141 = tpu.vector_load %arg9[%get3A_1139, %get3A_1140] {strides = array<i32>} : memref<200x64xf32, #tpu.memory_space<vmem>>, vector<1x16xf32>,
        %get3A_1142 = vector.shape_cast %get3A_1141 : vector<1x16xf32> to vector<16xf32>
        %get3A_1143 = arith.constant 0 : i32
        %get3A_1144 = arith.index_cast %get3A_1143 : i32 to index
        %get3A_1145 = arith.index_cast %scan3A_1138 : i32 to index
        %get3A_1146 = arith.constant 0 : index
        %get3A_1147 = tpu.vector_load %arg8[%get3A_1144, %get3A_1145, %get3A_1146] {strides = array<i32>} : memref<2x200x64xf32, #tpu.memory_space<vmem>>, vector<1x1x16xf32>,
        %get3A_1148 = vector.shape_cast %get3A_1147 : vector<1x1x16xf32> to vector<16xf32>
        %add3A_1149 = arith.addf %get3A_1148, %get3A_1142 : vector<16xf32>
        %swap3A_1150 = arith.constant 0 : i32
        %swap3A_1151 = arith.index_cast %swap3A_1150 : i32 to index
        %swap3A_1152 = arith.index_cast %scan3A_1138 : i32 to index
        %swap3A_1153 = arith.constant 0 : index
        %swap3A_1154 = tpu.vector_load %arg8[%swap3A_1151, %swap3A_1152, %swap3A_1153] {strides = array<i32>} : memref<2x200x64xf32, #tpu.memory_space<vmem>>, vector<1x1x16xf32>,
        %swap3A_1155 = vector.shape_cast %swap3A_1154 : vector<1x1x16xf32> to vector<16xf32>
        %swap3A_1156 = vector.shape_cast %add3A_1149 : vector<16xf32> to vector<1x1x16xf32>
        tpu.vector_store %arg8[%swap3A_1151, %swap3A_1152, %swap3A_1153], %swap3A_1156 {strides = array<i32>} : memref<2x200x64xf32, #tpu.memory_space<vmem>>, vector<1x1x16xf32>,
        %get3A_1157 = arith.constant 1 : i32
        %get3A_1158 = arith.index_cast %get3A_1157 : i32 to index
        %get3A_1159 = arith.index_cast %scan3A_1138 : i32 to index
        %get3A_1160 = arith.constant 0 : index
        %get3A_1161 = tpu.vector_load %arg8[%get3A_1158, %get3A_1159, %get3A_1160] {strides = array<i32>} : memref<2x200x64xf32, #tpu.memory_space<vmem>>, vector<1x1x16xf32>,
        %get3A_1162 = vector.shape_cast %get3A_1161 : vector<1x1x16xf32> to vector<16xf32>
        %add3A_1163 = arith.addf %get3A_1162, %get3A_1142 : vector<16xf32>
        %swap3A_1164 = arith.constant 1 : i32
        %swap3A_1165 = arith.index_cast %swap3A_1164 : i32 to index
        %swap3A_1166 = arith.index_cast %scan3A_1138 : i32 to index
        %swap3A_1167 = arith.constant 0 : index
        %swap3A_1168 = tpu.vector_load %arg8[%swap3A_1165, %swap3A_1166, %swap3A_1167] {strides = array<i32>} : memref<2x200x64xf32, #tpu.memory_space<vmem>>, vector<1x1x16xf32>,
        %swap3A_1169 = vector.shape_cast %swap3A_1168 : vector<1x1x16xf32> to vector<16xf32>
        %swap3A_1170 = vector.shape_cast %add3A_1163 : vector<16xf32> to vector<1x1x16xf32>
        tpu.vector_store %arg8[%swap3A_1165, %swap3A_1166, %swap3A_1167], %swap3A_1170 {strides = array<i32>} : memref<2x200x64xf32, #tpu.memory_space<vmem>>, vector<1x1x16xf32>,
        %get3A_1171 = arith.index_cast %scan3A_1138 : i32 to index
        %get3A_1172 = arith.constant 16 : index
        %get3A_1173 = tpu.vector_load %arg9[%get3A_1171, %get3A_1172] {strides = array<i32>} : memref<200x64xf32, #tpu.memory_space<vmem>>, vector<1x16xf32>,
        %get3A_1174 = vector.shape_cast %get3A_1173 : vector<1x16xf32> to vector<16xf32>
        %get3A_1175 = arith.constant 0 : i32
        %get3A_1176 = arith.index_cast %get3A_1175 : i32 to index
        %get3A_1177 = arith.index_cast %scan3A_1138 : i32 to index
        %get3A_1178 = arith.constant 16 : index
        %get3A_1179 = tpu.vector_load %arg8[%get3A_1176, %get3A_1177, %get3A_1178] {strides = array<i32>} : memref<2x200x64xf32, #tpu.memory_space<vmem>>, vector<1x1x16xf32>,
        %get3A_1180 = vector.shape_cast %get3A_1179 : vector<1x1x16xf32> to vector<16xf32>
        %add3A_1181 = arith.addf %get3A_1180, %get3A_1174 : vector<16xf32>
        %swap3A_1182 = arith.constant 0 : i32
        %swap3A_1183 = arith.index_cast %swap3A_1182 : i32 to index
        %swap3A_1184 = arith.index_cast %scan3A_1138 : i32 to index
        %swap3A_1185 = arith.constant 16 : index
        %swap3A_1186 = tpu.vector_load %arg8[%swap3A_1183, %swap3A_1184, %swap3A_1185] {strides = array<i32>} : memref<2x200x64xf32, #tpu.memory_space<vmem>>, vector<1x1x16xf32>,
        %swap3A_1187 = vector.shape_cast %swap3A_1186 : vector<1x1x16xf32> to vector<16xf32>
        %swap3A_1188 = vector.shape_cast %add3A_1181 : vector<16xf32> to vector<1x1x16xf32>
        tpu.vector_store %arg8[%swap3A_1183, %swap3A_1184, %swap3A_1185], %swap3A_1188 {strides = array<i32>} : memref<2x200x64xf32, #tpu.memory_space<vmem>>, vector<1x1x16xf32>,
        %get3A_1189 = arith.constant 1 : i32
        %get3A_1190 = arith.index_cast %get3A_1189 : i32 to index
        %get3A_1191 = arith.index_cast %scan3A_1138 : i32 to index
        %get3A_1192 = arith.constant 16 : index
        %get3A_1193 = tpu.vector_load %arg8[%get3A_1190, %get3A_1191, %get3A_1192] {strides = array<i32>} : memref<2x200x64xf32, #tpu.memory_space<vmem>>, vector<1x1x16xf32>,
        %get3A_1194 = vector.shape_cast %get3A_1193 : vector<1x1x16xf32> to vector<16xf32>
        %add3A_1195 = arith.addf %get3A_1194, %get3A_1174 : vector<16xf32>
        %swap3A_1196 = arith.constant 1 : i32
        %swap3A_1197 = arith.index_cast %swap3A_1196 : i32 to index
        %swap3A_1198 = arith.index_cast %scan3A_1138 : i32 to index
        %swap3A_1199 = arith.constant 16 : index
        %swap3A_1200 = tpu.vector_load %arg8[%swap3A_1197, %swap3A_1198, %swap3A_1199] {strides = array<i32>} : memref<2x200x64xf32, #tpu.memory_space<vmem>>, vector<1x1x16xf32>,
        %swap3A_1201 = vector.shape_cast %swap3A_1200 : vector<1x1x16xf32> to vector<16xf32>
        %swap3A_1202 = vector.shape_cast %add3A_1195 : vector<16xf32> to vector<1x1x16xf32>
        tpu.vector_store %arg8[%swap3A_1197, %swap3A_1198, %swap3A_1199], %swap3A_1202 {strides = array<i32>} : memref<2x200x64xf32, #tpu.memory_space<vmem>>, vector<1x1x16xf32>,
        %get3A_1203 = arith.index_cast %scan3A_1138 : i32 to index
        %get3A_1204 = arith.constant 32 : index
        %get3A_1205 = tpu.vector_load %arg9[%get3A_1203, %get3A_1204] {strides = array<i32>} : memref<200x64xf32, #tpu.memory_space<vmem>>, vector<1x16xf32>,
        %get3A_1206 = vector.shape_cast %get3A_1205 : vector<1x16xf32> to vector<16xf32>
        %get3A_1207 = arith.constant 0 : i32
        %get3A_1208 = arith.index_cast %get3A_1207 : i32 to index
        %get3A_1209 = arith.index_cast %scan3A_1138 : i32 to index
        %get3A_1210 = arith.constant 32 : index
        %get3A_1211 = tpu.vector_load %arg8[%get3A_1208, %get3A_1209, %get3A_1210] {strides = array<i32>} : memref<2x200x64xf32, #tpu.memory_space<vmem>>, vector<1x1x16xf32>,
        %get3A_1212 = vector.shape_cast %get3A_1211 : vector<1x1x16xf32> to vector<16xf32>
        %add3A_1213 = arith.addf %get3A_1212, %get3A_1206 : vector<16xf32>
        %swap3A_1214 = arith.constant 0 : i32
        %swap3A_1215 = arith.index_cast %swap3A_1214 : i32 to index
        %swap3A_1216 = arith.index_cast %scan3A_1138 : i32 to index
        %swap3A_1217 = arith.constant 32 : index
        %swap3A_1218 = tpu.vector_load %arg8[%swap3A_1215, %swap3A_1216, %swap3A_1217] {strides = array<i32>} : memref<2x200x64xf32, #tpu.memory_space<vmem>>, vector<1x1x16xf32>,
        %swap3A_1219 = vector.shape_cast %swap3A_1218 : vector<1x1x16xf32> to vector<16xf32>
        %swap3A_1220 = vector.shape_cast %add3A_1213 : vector<16xf32> to vector<1x1x16xf32>
        tpu.vector_store %arg8[%swap3A_1215, %swap3A_1216, %swap3A_1217], %swap3A_1220 {strides = array<i32>} : memref<2x200x64xf32, #tpu.memory_space<vmem>>, vector<1x1x16xf32>,
        %get3A_1221 = arith.constant 1 : i32
        %get3A_1222 = arith.index_cast %get3A_1221 : i32 to index
        %get3A_1223 = arith.index_cast %scan3A_1138 : i32 to index
        %get3A_1224 = arith.constant 32 : index
        %get3A_1225 = tpu.vector_load %arg8[%get3A_1222, %get3A_1223, %get3A_1224] {strides = array<i32>} : memref<2x200x64xf32, #tpu.memory_space<vmem>>, vector<1x1x16xf32>,
        %get3A_1226 = vector.shape_cast %get3A_1225 : vector<1x1x16xf32> to vector<16xf32>
        %add3A_1227 = arith.addf %get3A_1226, %get3A_1206 : vector<16xf32>
        %swap3A_1228 = arith.constant 1 : i32
        %swap3A_1229 = arith.index_cast %swap3A_1228 : i32 to index
        %swap3A_1230 = arith.index_cast %scan3A_1138 : i32 to index
        %swap3A_1231 = arith.constant 32 : index
        %swap3A_1232 = tpu.vector_load %arg8[%swap3A_1229, %swap3A_1230, %swap3A_1231] {strides = array<i32>} : memref<2x200x64xf32, #tpu.memory_space<vmem>>, vector<1x1x16xf32>,
        %swap3A_1233 = vector.shape_cast %swap3A_1232 : vector<1x1x16xf32> to vector<16xf32>
        %swap3A_1234 = vector.shape_cast %add3A_1227 : vector<16xf32> to vector<1x1x16xf32>
        tpu.vector_store %arg8[%swap3A_1229, %swap3A_1230, %swap3A_1231], %swap3A_1234 {strides = array<i32>} : memref<2x200x64xf32, #tpu.memory_space<vmem>>, vector<1x1x16xf32>,
        %get3A_1235 = arith.index_cast %scan3A_1138 : i32 to index
        %get3A_1236 = arith.constant 48 : index
        %get3A_1237 = tpu.vector_load %arg9[%get3A_1235, %get3A_1236] {strides = array<i32>} : memref<200x64xf32, #tpu.memory_space<vmem>>, vector<1x16xf32>,
        %get3A_1238 = vector.shape_cast %get3A_1237 : vector<1x16xf32> to vector<16xf32>
        %get3A_1239 = arith.constant 0 : i32
        %get3A_1240 = arith.index_cast %get3A_1239 : i32 to index
        %get3A_1241 = arith.index_cast %scan3A_1138 : i32 to index
        %get3A_1242 = arith.constant 48 : index
        %get3A_1243 = tpu.vector_load %arg8[%get3A_1240, %get3A_1241, %get3A_1242] {strides = array<i32>} : memref<2x200x64xf32, #tpu.memory_space<vmem>>, vector<1x1x16xf32>,
        %get3A_1244 = vector.shape_cast %get3A_1243 : vector<1x1x16xf32> to vector<16xf32>
        %add3A_1245 = arith.addf %get3A_1244, %get3A_1238 : vector<16xf32>
        %swap3A_1246 = arith.constant 0 : i32
        %swap3A_1247 = arith.index_cast %swap3A_1246 : i32 to index
        %swap3A_1248 = arith.index_cast %scan3A_1138 : i32 to index
        %swap3A_1249 = arith.constant 48 : index
        %swap3A_1250 = tpu.vector_load %arg8[%swap3A_1247, %swap3A_1248, %swap3A_1249] {strides = array<i32>} : memref<2x200x64xf32, #tpu.memory_space<vmem>>, vector<1x1x16xf32>,
        %swap3A_1251 = vector.shape_cast %swap3A_1250 : vector<1x1x16xf32> to vector<16xf32>
        %swap3A_1252 = vector.shape_cast %add3A_1245 : vector<16xf32> to vector<1x1x16xf32>
        tpu.vector_store %arg8[%swap3A_1247, %swap3A_1248, %swap3A_1249], %swap3A_1252 {strides = array<i32>} : memref<2x200x64xf32, #tpu.memory_space<vmem>>, vector<1x1x16xf32>,
        %get3A_1253 = arith.constant 1 : i32
        %get3A_1254 = arith.index_cast %get3A_1253 : i32 to index
        %get3A_1255 = arith.index_cast %scan3A_1138 : i32 to index
        %get3A_1256 = arith.constant 48 : index
        %get3A_1257 = tpu.vector_load %arg8[%get3A_1254, %get3A_1255, %get3A_1256] {strides = array<i32>} : memref<2x200x64xf32, #tpu.memory_space<vmem>>, vector<1x1x16xf32>,
        %get3A_1258 = vector.shape_cast %get3A_1257 : vector<1x1x16xf32> to vector<16xf32>
        %add3A_1259 = arith.addf %get3A_1258, %get3A_1238 : vector<16xf32>
        %swap3A_1260 = arith.constant 1 : i32
        %swap3A_1261 = arith.index_cast %swap3A_1260 : i32 to index
        %swap3A_1262 = arith.index_cast %scan3A_1138 : i32 to index
        %swap3A_1263 = arith.constant 48 : index
        %swap3A_1264 = tpu.vector_load %arg8[%swap3A_1261, %swap3A_1262, %swap3A_1263] {strides = array<i32>} : memref<2x200x64xf32, #tpu.memory_space<vmem>>, vector<1x1x16xf32>,
        %swap3A_1265 = vector.shape_cast %swap3A_1264 : vector<1x1x16xf32> to vector<16xf32>
        %swap3A_1266 = vector.shape_cast %add3A_1259 : vector<16xf32> to vector<1x1x16xf32>
        tpu.vector_store %arg8[%swap3A_1261, %swap3A_1262, %swap3A_1263], %swap3A_1266 {strides = array<i32>} : memref<2x200x64xf32, #tpu.memory_space<vmem>>, vector<1x1x16xf32>,
      }
      %scan3A_226 = arith.constant 200 : i32
      %mul3A_227 = arith.constant 2 : i32
      %mul3A_228 = arith.muli %add3A_148, %mul3A_227 : i32
      %add3A_229 = arith.addi %mul3A_2, %mul3A_228 : i32
      "tpu.region"() ({
        %run_scoped3A = tpu.sem_alloc : memref<!tpu.dma_semaphore, #tpu.memory_space<semaphore_mem>>
        %dma_start3A_230 = arith.constant 0 : i32
        %dma_start3A_231 = arith.constant 0 : i32
        %dma_start3A_232 = tpu.memref_slice %arg5[%add3A_229, %dma_start3A_230, %dma_start3A_231] : memref<4096x200x64xf32, #tpu.memory_space<hbm>> -> memref<2x200x64xf32, #tpu.memory_space<hbm>>
        %dma_start3A_233 = arith.constant 0 : i32
        %dma_start3A_234 = arith.constant 0 : i32
        %dma_start3A_235 = tpu.memref_slice %arg5[%add3A_229, %dma_start3A_233, %dma_start3A_234] : memref<4096x200x64xf32, #tpu.memory_space<hbm>> -> memref<2x200x64xf32, #tpu.memory_space<hbm>>
        tpu.enqueue_dma source(%arg8 : memref<2x200x64xf32, #tpu.memory_space<vmem>>) target(%dma_start3A_235 : memref<2x200x64xf32, #tpu.memory_space<hbm>>) target_semaphore(%run_scoped3A : memref<!tpu.dma_semaphore, #tpu.memory_space<semaphore_mem>>)
        %dma_wait3A_236 = arith.constant 0 : i32
        %dma_wait3A_237 = arith.constant 0 : i32
        %dma_wait3A_238 = tpu.memref_slice %arg5[%add3A_229, %dma_wait3A_236, %dma_wait3A_237] : memref<4096x200x64xf32, #tpu.memory_space<hbm>> -> memref<2x200x64xf32, #tpu.memory_space<hbm>>
        %dma_wait3A_239 = arith.constant 0 : i32
        %dma_wait3A_240 = arith.constant 0 : i32
        %dma_wait3A_241 = tpu.memref_slice %arg5[%add3A_229, %dma_wait3A_239, %dma_wait3A_240] : memref<4096x200x64xf32, #tpu.memory_space<hbm>> -> memref<2x200x64xf32, #tpu.memory_space<hbm>>
        tpu.wait_dma2 semaphore(%run_scoped3A : memref<!tpu.dma_semaphore, #tpu.memory_space<semaphore_mem>>) src(%arg8 : memref<2x200x64xf32, #tpu.memory_space<vmem>>) dst(%dma_wait3A_241 : memref<2x200x64xf32, #tpu.memory_space<hbm>>)
        tpu.yield
      }) : () -> ()
    }
    %scan3A_54 = arith.constant 32 : i32
    %dma_wait3A = arith.constant 0 : i32
    %dma_wait3A_55 = arith.constant 0 : i32
    %dma_wait3A_56 = arith.constant 0 : i32
    %dma_wait3A_57 = tpu.memref_slice %arg5[%dma_wait3A, %dma_wait3A_55, %dma_wait3A_56] : memref<4096x200x64xf32, #tpu.memory_space<hbm>> -> memref<2x200x64xf32, #tpu.memory_space<hbm>>
    %dma_wait3A_58 = arith.constant 0 : i32
    %dma_wait3A_59 = arith.constant 0 : i32
    %dma_wait3A_60 = arith.constant 0 : i32
    %dma_wait3A_61 = tpu.memref_slice %arg5[%dma_wait3A_58, %dma_wait3A_59, %dma_wait3A_60] : memref<4096x200x64xf32, #tpu.memory_space<hbm>> -> memref<2x200x64xf32, #tpu.memory_space<hbm>>
    tpu.wait_dma2 semaphore(%arg10 : memref<!tpu.dma_semaphore, #tpu.memory_space<semaphore_mem>>) src(%dma_wait3A_61 : memref<2x200x64xf32, #tpu.memory_space<hbm>>) dst(%arg7 : memref<2x200x64xf32, #tpu.memory_space<vmem>>)
    return
  }
}

</mosaic_0001>

<sc_bundles>
// kernel: kernel.3.cloned.1.call-start
scs
__scs_entry_jumppad:
0x0: {  	(pc) =	sbr.rel $0x88, $3  }
0x1: {  	(tag) =	ssettag $0x0;
	lr =	simm.s32 $0x1  }
0x2: {  	[smem:$0x3F9F] =	sst lr;
	_ =	strace $0xD0000000  }
0x3: {  	_ = 	snop  }
0x4: {  	_ = 	snop  }
0x5: {  	_ = 	snop  }
0x6: {  	_ = 	snop  }
0x7: {  	_ = 	snop  }
__scs_overlays_trampoline_lowered:
0x8: {  	[smem:$0x3FAE] =	sst s0  }
0x9: {  	[smem:$0x3FAF] =	sst s1  }
0xa: {  	[smem:$0x3FB0] =	sst s2  }
0xb: {  	[smem:$0x3FB1] =	sst s3  }
0xc: {  	[smem:$0x3FB2] =	sst s4  }
0xd: {  	[smem:$0x3FB3] =	sst s5  }
0xe: {  	[smem:$0x3FB4] =	sst s6  }
0xf: {  	[smem:$0x3FB5] =	sst s7  }
0x10: {  	[smem:$0x3FB6] =	sst s8  }
0x11: {  	[smem:$0x3FB7] =	sst s9;
	s0 =	simm.s32 @!p0 $0x0  }
0x12: {  	s1 =	sld [smem:$0x3F9D];
	s0 =	simm.s32 @p0 $0x1  }
0x13: {  	[smem:$0x3FB8] =	sst s0;
	s0 =	simm.s32 @!p1 $0x0  }
0x14: {  	s2 =	sld [smem:$0x3F9C];
	s0 =	simm.s32 @p1 $0x1  }
0x15: {  	[smem:$0x3FB9] =	sst s0;
	s0 =	simm.s32 @!p2 $0x0  }
0x16: {  	s3 =	sld [smem:$0x3FDB];
	s0 =	simm.s32 @p2 $0x1  }
0x17: {  	s4 =	simm.s32 $0x1BF5;
	[smem:$0x3FBB] =	sst s0  }
0x18: {  	s0 =	sld [smem:$0x3F9E];
	_ =	swait.ge [sflag:s4], $0x0  }
0x19: {  	s7 =	sld [smem:$0x3F9F]  }
0x1a: {  	s8 =	sadd.s32 $0xFFFFE003, lr  }
0x1b: {  	s9 =	sadd.s32 $0xFFFFFEF7, lr;
	s5 =	simm.s32 $0xFFFFFFFF;
	p2 =	slt.u32 s8, $0xFFFFF086  }
0x1c: {  	p1 =	slt.u32 s9, $0xF7A;
	s5 =	simm.s32 @!p2 $0x0  }
0x1d: {  	s5 =	simm.s32 @p1 $0x1;
	p0 =	seq.s32 s7, s2  }
0x1e: {  	s7 =	smul.u32 @!p0 $0xF7A, s2;
	p2 =	seq.s32 @!p0 s5, $0x0  }
0x1f: {  	s9 =	smul.u32 $0xF7A, s1;
	s8 =	simm.s32 @!p0 $0x1BF5;
	p2 =	por !p2, p0  }
0x20: {  	[sflag:s8] =	ssyncset.s32 @!p0 $0xFFFFF086;
	s6 =	sadd.s32 @!p0 s3, s7;
	s7 =	simm.s32 @!p0 $0x108  }
0x21: {  	s3 =	sadd.s32 s3, s9;
	s6 =	sadd.s32 @!p0 $0x88, s6;
	s7 =	simm.s32 @p2 $0x1082  }
0x22: {  	[simem:s7], [sflag:s8] =	dma.local @!p0 [hbm:s6], $0xF7A  }
0x23: {  	s9 =	sor.u32 $0xD0000000, s2;
	s6 =	simm.s32 $0x108;
	_ =	swait.ge @!p0 [sflag:s8], $0x0  }
0x24: {  	s3 =	sadd.s32 $0x88, s3;
	s6 =	simm.s32 @!p1 $0x1082;
	[sflag:s4] =	ssyncset.s32 $0xFFFFF086  }
0x25: {  	[simem:s6], [sflag:s4] =	dma.local [hbm:s3], $0xF7A  }
0x26: {  	[smem:$0x3F9F] =	sst s1;
	(tag) =	ssettag s2;
	_ =	strace s9  }
0x27: {  	s1 =	sld [smem:$0x3FAF]  }
0x28: {  	s2 =	sld [smem:$0x3FB0]  }
0x29: {  	s4 =	sld [smem:$0x3FB2]  }
0x2a: {  	p0 =	seq.s32 s5, $0x0;
	s5 =	sld [smem:$0x3FB3]  }
0x2b: {  	s6 =	sld [smem:$0x3FB4]  }
0x2c: {  	s7 =	sld [smem:$0x3FB5]  }
0x2d: {  	s3 =	simm.s32 $0x108;
	s8 =	sld [smem:$0x3FB6]  }
0x2e: {  	s3 =	simm.s32 @!p0 $0x1082;
	s9 =	sld [smem:$0x3FB7]  }
0x2f: {  	lr =	sadd.s32 s0, s3;
	s0 =	sld [smem:$0x3FAE]  }
0x30: {  	s3 =	sld [smem:$0x3FB1]  }
0x31: {  	[smem:$0x3FBA] =	sst s10  }
0x32: {  	s10 =	sld [smem:$0x3FB8];
	_ =	sdelay $0x3  }
0x33: {  	p0 =	seq.s32 s10, $0x1;
	s10 =	sld [smem:$0x3FBA];
	_ =	sdelay $0x3  }
0x34: {  	[smem:$0x3FBA] =	sst s10  }
0x35: {  	s10 =	sld [smem:$0x3FB9];
	_ =	sdelay $0x3  }
0x36: {  	p1 =	seq.s32 s10, $0x1;
	s10 =	sld [smem:$0x3FBA];
	_ =	sdelay $0x3  }
0x37: {  	[smem:$0x3FBA] =	sst s10  }
0x38: {  	s10 =	sld [smem:$0x3FBB]  }
0x39: {  	_ = 	snop;
	(pc) =	sbr.ind lr, $3  }
0x3a: {  	_ = 	snop  }
0x3b: {  	_ = 	snop  }
0x3c: {  	p2 =	seq.s32 s10, $0x1;
	s10 =	sld [smem:$0x3FBA]  }
0x3d: {  	_ =	shalt  }
0x3e: {  	_ =	shalt  }
0x3f: {  	_ =	shalt  }
0x40: {  	_ =	shalt  }
0x41: {  	_ =	shalt  }
0x42: {  	_ =	shalt  }
0x43: {  	_ =	shalt  }
0x44: {  	_ =	shalt  }
0x45: {  	_ =	shalt  }
0x46: {  	_ =	shalt  }
0x47: {  	_ =	shalt  }
0x48: {  	_ =	shalt  }
0x49: {  	_ =	shalt  }
0x4a: {  	_ =	shalt  }
0x4b: {  	_ =	shalt  }
0x4c: {  	_ =	shalt  }
0x4d: {  	_ =	shalt  }
0x4e: {  	_ =	shalt  }
0x4f: {  	_ =	shalt  }
0x50: {  	_ =	shalt  }
0x51: {  	_ =	shalt  }
0x52: {  	_ =	shalt  }
0x53: {  	_ =	shalt  }
0x54: {  	_ =	shalt  }
0x55: {  	_ =	shalt  }
0x56: {  	_ =	shalt  }
0x57: {  	_ =	shalt  }
0x58: {  	_ =	shalt  }
0x59: {  	_ =	shalt  }
0x5a: {  	_ =	shalt  }
0x5b: {  	_ =	shalt  }
0x5c: {  	_ =	shalt  }
0x5d: {  	_ =	shalt  }
0x5e: {  	_ =	shalt  }
0x5f: {  	_ =	shalt  }
0x60: {  	_ =	shalt  }
0x61: {  	_ =	shalt  }
0x62: {  	_ =	shalt  }
0x63: {  	_ =	shalt  }
0x64: {  	_ =	shalt  }
0x65: {  	_ =	shalt  }
0x66: {  	_ =	shalt  }
0x67: {  	_ =	shalt  }
0x68: {  	_ =	shalt  }
0x69: {  	_ =	shalt  }
0x6a: {  	_ =	shalt  }
0x6b: {  	_ =	shalt  }
0x6c: {  	_ =	shalt  }
0x6d: {  	_ =	shalt  }
0x6e: {  	_ =	shalt  }
0x6f: {  	_ =	shalt  }
0x70: {  	_ =	shalt  }
0x71: {  	_ =	shalt  }
0x72: {  	_ =	shalt  }
0x73: {  	_ =	shalt  }
0x74: {  	_ =	shalt  }
0x75: {  	_ =	shalt  }
0x76: {  	_ =	shalt  }
0x77: {  	_ =	shalt  }
0x78: {  	_ =	shalt  }
0x79: {  	_ =	shalt  }
0x7a: {  	_ =	shalt  }
0x7b: {  	_ =	shalt  }
0x7c: {  	_ =	shalt  }
0x7d: {  	_ =	shalt  }
0x7e: {  	_ =	shalt  }
0x7f: {  	_ =	shalt  }
0x80: {  	_ =	shalt  }
0x81: {  	_ =	shalt  }
0x82: {  	_ =	shalt  }
0x83: {  	_ =	shalt  }
0x84: {  	_ =	shalt  }
0x85: {  	_ =	shalt  }
0x86: {  	_ =	shalt  }
0x87: {  	_ =	shalt  }
.Lfunc_end0:
.L_simem_size_0:
called_computation.1_lowered:
.L_overlay_start_0:
0x88: {  	s2 =	sld [smem:$0x3FD9]  }
0x89: {  	s3 =	sld [smem:$0x3FFE];
	_ =	sdelay $0x1  }
0x8a: {  	s1 =	srdreg.scid  }
0x8b: {  	s0 =	sand.u32 $0x1, s1  }
0x8c: {  	s17 =	sshll.u32 s0, $0xA;
	s2 =	sadd.s32 s3, s2  }
0x8d: {  	s2 =	sadd.s32 s2, s17  }
0x8e: {  	[smem:$0x3FC6] =	sst s2  }
0x8f: {  	_ = 	snop  }
0x90: {  	s2 =	sld [smem:$0x3FD0];
	(tm) =	ssettm $0x1  }
0x91: {  	s18 =	sld [smem:$0x3FFB];
	_ =	sdelay $0x3  }
0x92: {  	_ =	strace s18  }
0x93: {  	s3 =	sld [smem:$0x3FFC];
	_ =	sdelay $0x3  }
0x94: {  	_ =	strace s3  }
0x95: {  	s3 =	sld [smem:$0x3FFD];
	_ =	sdelay $0x3  }
0x96: {  	_ =	strace s3  }
0x97: {  	_ =	strace $0x8FFFFFFF  }
0x98: {  	s19 =	sld [smem:$0x3FDB];
	_ =	sdelay $0x1  }
0x99: {  	s4 =	simm.s32 $_scs_section_size  }
0x9a: {  	s5 =	simm.s32 $_size__tile_overlayer_lowered;
	s6 =	simm.s32 $_tile_overlayer_lowered  }
0x9b: {  	s22 =	simm.s32 $0x1BFF;
	s21 =	sshll.u32 s6, $0x1;
	s3 =	sadd.s32 s4, s19  }
0x9c: {  	s7 =	simm.s32 $0x0;
	s20 =	sshll.u32 s5, $0x1;
	s5 =	sadd.s32 s21, s3  }
0x9d: {  	[timem:s7], [sflag:s22] =	dma.local [hbm:s5], s20  }
0x9e: {  	_ =	swait.ge [sflag:s22], s20  }
0x9f: {  	s4 =	ssub.s32 $0x0, s20;
	[sflag:s22] =	ssyncset.done $0x0  }
0xa0: {  	[sflag:s22] =	ssyncadd.s32 s4;
	_ =	sdelay $0x1  }
0xa1: {  	s23 =	simm.s32 $0x1B8B  }
0xa2: {  	_ =	swait.ge [sflag:s23], $0x1  }
0xa3: {  	[sflag:s23] =	ssyncset.done $0x0  }
0xa4: {  	s25 =	simm.s32 $0x1B8E;
	s24 =	sld [smem:$0x3FFE];
	[sflag:s23] =	ssyncadd.s32 $0xFFFFFFFF  }
0xa5: {  	s26 =	simm.s32 $execute0_lowered;
	[smem:$0x3FD2] =	sst s25  }
0xa6: {  	s5 =	sshll.u32 s26, $0x1;
	_ =	strace $0x80000046;
	[dreg:$0x1] =	wrdreg $0xFFFFFFFF  }
0xa7: {  	s28 =	simm.s32 $_size_execute0_lowered;
	s3 =	sadd.s32 s3, s5;
	[dreg:$0x0] =	wrdreg $0x0  }
0xa8: {  	s5 =	sshll.u32 s28, $0x1;
	[dreg:$0x2] =	wrdreg s3  }
0xa9: {  	[dreg:$0x3] =	wrdreg s5  }
0xaa: {  	[dreg:$0x4] =	wrdreg $0xC0  }
0xab: {  	_ =	task [dreg:s7], $0x5FFFF  }
0xac: {  	[dreg:$0x1] =	wrdreg $0xFFFFFFFF  }
0xad: {  	[dreg:$0x0] =	wrdreg $0x60  }
0xae: {  	[dreg:$0x2] =	wrdreg s24  }
0xaf: {  	[dreg:$0x3] =	wrdreg s2  }
0xb0: {  	[dreg:$0x4] =	wrdreg $0x9  }
0xb1: {  	_ =	task.clear_ibuf [dreg:s7], $0x5FFFF;
	_ =	strace $0x90000046  }
0xb2: {  	s29 =	simm.s32 $0x9;
	_ =	strace $0x80000048  }
0xb3: {  	_ =	swait.ge [sflag:s29], $0x1  }
0xb4: {  	[sflag:s29] =	ssyncadd.s32 $0xFFFFFFFF  }
0xb5: {  	_ =	strace $0x90000048  }
0xb6: {  	_ =	sfence  }
0xb7: {  	s30 =	sld [smem:$0x0];
	_ =	sdelay $0x2  }
0xb8: {  	s31 =	sshll.u32 s1, $0xD;
	s1 =	sshrl.u32 s1, $0x2  }
0xb9: {  	s3 =	sand.u32 $0x4000, s31;
	s1 =	sadd.s32 s1, s30  }
0xba: {  	s0 =	sor.u32 s3, s0;
	s1 =	sshll.u32 s1, $0x11  }
0xbb: {  	s0 =	sor.u32 s1, s0  }
0xbc: {  	s0 =	sadd.s32 $0x8F2B, s0  }
0xbd: {  	[sflag:s0] =	ssyncadd.remote.s32 $0x1  }
0xbe: {  	_ =	sfence.sel $0xFFFF  }
0xbf: {  	[dreg:$0x0] =	wrdreg $0xFFFFFFFF;
	(pc) =	sbr.abs _section_cstart, $3  }
0xc0: {  	[dreg:$0x1] =	wrdreg $0xFFFFFFFF  }
0xc1: {  	_ =	task.clear_ibuf [dreg:s7], $0x2FFFF;
	_ =	strace $0x9FFFFFFF  }
0xc2: {  	(tm) =	ssettm $0x7FFFFFFF  }
0xc3: {  	_ =	shalt  }
tec
execute0_lowered:
.L_overlay_start_1:
0x0: {  	(tag) =	ssettag $0x1  }
0x1: {  	s0 =	srdreg.scid  }
0x2: {  	s1 =	rddreg [dreg:$0x0];
	s3 =	stileid.u32  }
0x3: {  	s2 =	rddreg [dreg:$0x1];
	s10 =	simm.s32 $0x3;
	s11 =	simm.s32 $0x68  }
0x4: {  	s12 =	simm.s32 $0x6400;
	s13 =	simm.s32 $0x60;
	s14 =	simm.s32 $0x7E00  }
0x5: {  	s15 =	simm.s32 $0xC8;
	s16 =	simm.s32 $0x9600;
	s17 =	simm.s32 $0x130  }
0x6: {  	s18 =	simm.s32 $0xB000;
	s19 =	simm.s32 $0xC800;
	s20 =	simm.s32 $0xE200  }
0x7: {  	s21 =	simm.s32 $0xFA00;
	s22 =	simm.s32 $0x11400;
	s0 =	sand.u32 $0x1, s0  }
0x8: {  	s23 =	simm.s32 $0x1;
	s4 =	sshll.u32 s3, $0x8;
	s5 =	sshll.u32 s0, $0x7  }
0x9: {  	s24 =	simm.s32 $0x2;
	s25 =	simm.s32 $0x0;
	s4 =	sor.u32 s5, s4  }
0xa: {  	s3 =	simm.s32 $0x0;
	s0 =	ssub.s32 $0x2, s0;
	s5 =	smul.u32 $0x19, s4  }
0xb: {  	s6 =	sadd.s32 $0x1A000, s1;
	[smem:$0x7FF] =	sst s3;
	s8 =	sshrl.u32 s0, $0x1  }
0xc: {  	_ =	strace $0x80000047;
	s0 =	ssub.s32 s0, s8;
	s7 =	sadd.s32 s5, s1  }
0xd: {  	s8 =	smax.u32 s0, $0x1;
	s5 =	sadd.s32 $0x800, s1;
	s7 =	sadd.s32 $0x1000, s7  }
.LBB2_1:
0xe: {  	s0 =	simm.s32 $0x12C00  }
0xf: {  	[tilespmem:s0], [sflag:$0x3] =	stream.linear.gather [hbm4b:s5+s3], $0x3200, $0x38;
	[tilespmem:$0x15E00] =	vst v63  }
0x10: {  	_ =	swait.ge [sflag:s10], $0x3200  }
0x11: {  	[sflag:s10] =	ssyncset.done $0x0  }
0x12: {  	[sflag:s10] =	ssyncadd.s32 $0xFFFFCE00  }
0x13: {  	[tilespmem:s3], [sflag:$0x3] =	stream.linear.gather [hbm4b:s7+s3], $0x6400, $0x38;
	[tilespmem:$0x15E00] =	vst v63  }
0x14: {  	_ =	swait.ge [sflag:s10], $0x6400  }
0x15: {  	[sflag:s10] =	ssyncset.done $0x0  }
0x16: {  	[sflag:s10] =	ssyncadd.s32 $0xFFFF9C00  }
0x17: {  	[tilespmem:s12], [sflag:$0x1] =	stream.indirect.gather [hbm4b:s6+s11], $0x40, s3, s11, $0xb8;
	[tilespmem:$0x15E00] =	vst v63  }
0x18: {  	_ = 	snop  }
0x19: {  	[tilespmem:s14], [sflag:$0x1] =	stream.indirect.gather [hbm4b:s6+s13], $0x40, s11, s13, $0xb8;
	[tilespmem:$0x15E00] =	vst v63  }
0x1a: {  	_ = 	snop  }
0x1b: {  	[tilespmem:s16], [sflag:$0x1] =	stream.indirect.gather [hbm4b:s6+s11], $0x40, s15, s11, $0xb8;
	[tilespmem:$0x15E00] =	vst v63  }
0x1c: {  	s26 =	simm.s32 $0x0  }
0x1d: {  	[tilespmem:s18], [sflag:$0x1] =	stream.indirect.gather [hbm4b:s6+s13], $0x40, s17, s13, $0xb8;
	[tilespmem:$0x15E00] =	vst v63  }
.LBB2_2:
0x1e: {  	s28 =	sshllo.u32 s26, $0x1  }
0x1f: {  	s0 =	smul.u32 $0x640, s28;
	_ =	sdelay $0x1  }
0x20: {  	s0 =	sshra.s32 s0, $0x2  }
0x21: {  	[tilespmem:s19], [sflag:$0x2] =	stream.indirect.gather [hbm4b:s6+s11], $0x40, s0, s11, $0xb8;
	[tilespmem:$0x15E00] =	vst v63  }
0x22: {  	s1 =	sadd.s32 $0x68, s0  }
0x23: {  	[tilespmem:s20], [sflag:$0x2] =	stream.indirect.gather [hbm4b:s6+s13], $0x40, s1, s13, $0xb8;
	[tilespmem:$0x15E00] =	vst v63  }
0x24: {  	s9 =	sadd.s32 $0xC8, s0  }
0x25: {  	[tilespmem:s21], [sflag:$0x2] =	stream.indirect.gather [hbm4b:s6+s11], $0x40, s9, s11, $0xb8;
	[tilespmem:$0x15E00] =	vst v63  }
0x26: {  	s0 =	sadd.s32 $0x130, s0  }
0x27: {  	[tilespmem:s22], [sflag:$0x2] =	stream.indirect.gather [hbm4b:s6+s13], $0x40, s0, s13, $0xb8;
	[tilespmem:$0x15E00] =	vst v63  }
0x28: {  	_ =	swait.ge [sflag:s23], $0x6400  }
0x29: {  	[sflag:s23] =	ssyncset.done $0x0  }
0x2a: {  	s29 =	simm.s32 $0x12D00;
	[sflag:s23] =	ssyncadd.s32 $0xFFFF9C00  }
0x2b: {  	s30 =	simm.s32 $0x97F0;
	v0 =	vld [tilespmem:s29+$0xFFFFFF00]  }
0x2c: {  	v1 =	vld [tilespmem:s30+$0xFFFFCC10]  }
0x2d: {  	v2 =	vld [tilespmem:s30+$0xFFFFFE10];
	_ =	sdelay $0x3  }
0x2e: {  	v1 =	vadd.f32 v1, v0  }
0x2f: {  	v0 =	vadd.f32 v2, v0  }
0x30: {  	[tilespmem:s30+$0xFFFFCC10] =	vst v1  }
0x31: {  	[tilespmem:s30+$0xFFFFFE10] =	vst v0;
	v0 =	vld [tilespmem:s30+$0xFFFFCC20]  }
0x32: {  	v1 =	vld [tilespmem:s29+$0xFFFFFF10]  }
0x33: {  	v2 =	vld [tilespmem:s30+$0xFFFFFE20];
	_ =	sdelay $0x3  }
0x34: {  	v0 =	vadd.f32 v0, v1  }
0x35: {  	v1 =	vadd.f32 v2, v1  }
0x36: {  	[tilespmem:s30+$0xFFFFCC20] =	vst v0  }
0x37: {  	[tilespmem:s30+$0xFFFFFE20] =	vst v1;
	v1 =	vld [tilespmem:s30+$0xFFFFCC30]  }
0x38: {  	v2 =	vld [tilespmem:s29+$0xFFFFFF20]  }
0x39: {  	v0 =	vld [tilespmem:s30+$0xFFFFFE30];
	_ =	sdelay $0x3  }
0x3a: {  	v1 =	vadd.f32 v1, v2  }
0x3b: {  	v0 =	vadd.f32 v0, v2  }
0x3c: {  	[tilespmem:s30+$0xFFFFCC30] =	vst v1  }
0x3d: {  	[tilespmem:s30+$0xFFFFFE30] =	vst v0;
	v0 =	vld [tilespmem:s30+$0xFFFFCC40]  }
0x3e: {  	v2 =	vld [tilespmem:s29+$0xFFFFFF30]  }
0x3f: {  	v1 =	vld [tilespmem:s30+$0xFFFFFE40];
	_ =	sdelay $0x3  }
0x40: {  	v0 =	vadd.f32 v0, v2  }
0x41: {  	v1 =	vadd.f32 v1, v2  }
0x42: {  	[tilespmem:s30+$0xFFFFCC40] =	vst v0  }
0x43: {  	[tilespmem:s30+$0xFFFFFE40] =	vst v1;
	v1 =	vld [tilespmem:s30+$0xFFFFCC50]  }
0x44: {  	v2 =	vld [tilespmem:s29+$0xFFFFFF40]  }
0x45: {  	v0 =	vld [tilespmem:s30+$0xFFFFFE50];
	_ =	sdelay $0x3  }
0x46: {  	v1 =	vadd.f32 v1, v2  }
0x47: {  	v0 =	vadd.f32 v0, v2  }
0x48: {  	[tilespmem:s30+$0xFFFFCC50] =	vst v1  }
0x49: {  	[tilespmem:s30+$0xFFFFFE50] =	vst v0;
	v0 =	vld [tilespmem:s30+$0xFFFFCC60]  }
0x4a: {  	v2 =	vld [tilespmem:s29+$0xFFFFFF50]  }
0x4b: {  	v1 =	vld [tilespmem:s30+$0xFFFFFE60];
	_ =	sdelay $0x3  }
0x4c: {  	v0 =	vadd.f32 v0, v2  }
0x4d: {  	v1 =	vadd.f32 v1, v2  }
0x4e: {  	[tilespmem:s30+$0xFFFFCC60] =	vst v0  }
0x4f: {  	[tilespmem:s30+$0xFFFFFE60] =	vst v1;
	v1 =	vld [tilespmem:s30+$0xFFFFCC70]  }
0x50: {  	v2 =	vld [tilespmem:s29+$0xFFFFFF60]  }
0x51: {  	v0 =	vld [tilespmem:s30+$0xFFFFFE70];
	_ =	sdelay $0x3  }
0x52: {  	v1 =	vadd.f32 v1, v2  }
0x53: {  	v0 =	vadd.f32 v0, v2  }
0x54: {  	[tilespmem:s30+$0xFFFFCC70] =	vst v1  }
0x55: {  	[tilespmem:s30+$0xFFFFFE70] =	vst v0;
	v0 =	vld [tilespmem:s30+$0xFFFFCC80]  }
0x56: {  	v2 =	vld [tilespmem:s29+$0xFFFFFF70]  }
0x57: {  	v1 =	vld [tilespmem:s30+$0xFFFFFE80];
	_ =	sdelay $0x3  }
0x58: {  	v0 =	vadd.f32 v0, v2  }
0x59: {  	v1 =	vadd.f32 v1, v2  }
0x5a: {  	[tilespmem:s30+$0xFFFFCC80] =	vst v0  }
0x5b: {  	[tilespmem:s30+$0xFFFFFE80] =	vst v1;
	v1 =	vld [tilespmem:s30+$0xFFFFCC90]  }
0x5c: {  	v2 =	vld [tilespmem:s29+$0xFFFFFF80]  }
0x5d: {  	v0 =	vld [tilespmem:s30+$0xFFFFFE90];
	_ =	sdelay $0x3  }
0x5e: {  	v1 =	vadd.f32 v1, v2  }
0x5f: {  	v0 =	vadd.f32 v0, v2  }
0x60: {  	[tilespmem:s30+$0xFFFFCC90] =	vst v1  }
0x61: {  	[tilespmem:s30+$0xFFFFFE90] =	vst v0;
	v0 =	vld [tilespmem:s30+$0xFFFFCCA0]  }
0x62: {  	v2 =	vld [tilespmem:s29+$0xFFFFFF90]  }
0x63: {  	v1 =	vld [tilespmem:s30+$0xFFFFFEA0];
	_ =	sdelay $0x3  }
0x64: {  	v0 =	vadd.f32 v0, v2  }
0x65: {  	v1 =	vadd.f32 v1, v2  }
0x66: {  	[tilespmem:s30+$0xFFFFCCA0] =	vst v0  }
0x67: {  	[tilespmem:s30+$0xFFFFFEA0] =	vst v1;
	v1 =	vld [tilespmem:s30+$0xFFFFCCB0]  }
0x68: {  	v2 =	vld [tilespmem:s29+$0xFFFFFFA0]  }
0x69: {  	v0 =	vld [tilespmem:s30+$0xFFFFFEB0];
	_ =	sdelay $0x3  }
0x6a: {  	v1 =	vadd.f32 v1, v2  }
0x6b: {  	v0 =	vadd.f32 v0, v2  }
0x6c: {  	[tilespmem:s30+$0xFFFFCCB0] =	vst v1  }
0x6d: {  	[tilespmem:s30+$0xFFFFFEB0] =	vst v0;
	v0 =	vld [tilespmem:s30+$0xFFFFCCC0]  }
0x6e: {  	v2 =	vld [tilespmem:s29+$0xFFFFFFB0]  }
0x6f: {  	v1 =	vld [tilespmem:s30+$0xFFFFFEC0];
	_ =	sdelay $0x3  }
0x70: {  	v0 =	vadd.f32 v0, v2  }
0x71: {  	v1 =	vadd.f32 v1, v2  }
0x72: {  	[tilespmem:s30+$0xFFFFCCC0] =	vst v0  }
0x73: {  	[tilespmem:s30+$0xFFFFFEC0] =	vst v1;
	v1 =	vld [tilespmem:s30+$0xFFFFCCD0]  }
0x74: {  	v2 =	vld [tilespmem:s29+$0xFFFFFFC0]  }
0x75: {  	v0 =	vld [tilespmem:s30+$0xFFFFFED0];
	_ =	sdelay $0x3  }
0x76: {  	v1 =	vadd.f32 v1, v2  }
0x77: {  	v0 =	vadd.f32 v0, v2  }
0x78: {  	[tilespmem:s30+$0xFFFFCCD0] =	vst v1  }
0x79: {  	[tilespmem:s30+$0xFFFFFED0] =	vst v0;
	v0 =	vld [tilespmem:s30+$0xFFFFCCE0]  }
0x7a: {  	v2 =	vld [tilespmem:s29+$0xFFFFFFD0]  }
0x7b: {  	v1 =	vld [tilespmem:s30+$0xFFFFFEE0];
	_ =	sdelay $0x3  }
0x7c: {  	v0 =	vadd.f32 v0, v2  }
0x7d: {  	v1 =	vadd.f32 v1, v2  }
0x7e: {  	[tilespmem:s30+$0xFFFFCCE0] =	vst v0  }
0x7f: {  	[tilespmem:s30+$0xFFFFFEE0] =	vst v1;
	v1 =	vld [tilespmem:s30+$0xFFFFCCF0]  }
0x80: {  	v2 =	vld [tilespmem:s29+$0xFFFFFFE0]  }
0x81: {  	v0 =	vld [tilespmem:s30+$0xFFFFFEF0];
	_ =	sdelay $0x3  }
0x82: {  	v1 =	vadd.f32 v1, v2  }
0x83: {  	v0 =	vadd.f32 v0, v2  }
0x84: {  	[tilespmem:s30+$0xFFFFCCF0] =	vst v1  }
0x85: {  	[tilespmem:s30+$0xFFFFFEF0] =	vst v0;
	v0 =	vld [tilespmem:s30+$0xFFFFCD00]  }
0x86: {  	v2 =	vld [tilespmem:s29+$0xFFFFFFF0]  }
0x87: {  	v1 =	vld [tilespmem:s30+$0xFFFFFF00];
	_ =	sdelay $0x3  }
0x88: {  	v0 =	vadd.f32 v0, v2  }
0x89: {  	v1 =	vadd.f32 v1, v2  }
0x8a: {  	[tilespmem:s30+$0xFFFFCD00] =	vst v0  }
0x8b: {  	[tilespmem:s30+$0xFFFFFF00] =	vst v1;
	v1 =	vld [tilespmem:s30+$0xFFFFCD10]  }
0x8c: {  	v2 =	vld [tilespmem:s29+$0x0]  }
0x8d: {  	v0 =	vld [tilespmem:s30+$0xFFFFFF10];
	_ =	sdelay $0x3  }
0x8e: {  	v1 =	vadd.f32 v1, v2  }
0x8f: {  	v0 =	vadd.f32 v0, v2  }
0x90: {  	[tilespmem:s30+$0xFFFFCD10] =	vst v1  }
0x91: {  	[tilespmem:s30+$0xFFFFFF10] =	vst v0;
	v0 =	vld [tilespmem:s30+$0xFFFFCD20]  }
0x92: {  	v2 =	vld [tilespmem:s29+$0x10]  }
0x93: {  	v1 =	vld [tilespmem:s30+$0xFFFFFF20];
	_ =	sdelay $0x3  }
0x94: {  	v0 =	vadd.f32 v0, v2  }
0x95: {  	v1 =	vadd.f32 v1, v2  }
0x96: {  	[tilespmem:s30+$0xFFFFCD20] =	vst v0  }
0x97: {  	[tilespmem:s30+$0xFFFFFF20] =	vst v1;
	v1 =	vld [tilespmem:s30+$0xFFFFCD30]  }
0x98: {  	v2 =	vld [tilespmem:s29+$0x20]  }
0x99: {  	v0 =	vld [tilespmem:s30+$0xFFFFFF30];
	_ =	sdelay $0x3  }
0x9a: {  	v1 =	vadd.f32 v1, v2  }
0x9b: {  	v0 =	vadd.f32 v0, v2  }
0x9c: {  	[tilespmem:s30+$0xFFFFCD30] =	vst v1  }
0x9d: {  	[tilespmem:s30+$0xFFFFFF30] =	vst v0;
	v0 =	vld [tilespmem:s30+$0xFFFFCD40]  }
0x9e: {  	v2 =	vld [tilespmem:s29+$0x30]  }
0x9f: {  	v1 =	vld [tilespmem:s30+$0xFFFFFF40];
	_ =	sdelay $0x3  }
0xa0: {  	v0 =	vadd.f32 v0, v2  }
0xa1: {  	v1 =	vadd.f32 v1, v2  }
0xa2: {  	[tilespmem:s30+$0xFFFFCD40] =	vst v0  }
0xa3: {  	[tilespmem:s30+$0xFFFFFF40] =	vst v1;
	v1 =	vld [tilespmem:s30+$0xFFFFCD50]  }
0xa4: {  	v2 =	vld [tilespmem:s29+$0x40]  }
0xa5: {  	v0 =	vld [tilespmem:s30+$0xFFFFFF50];
	_ =	sdelay $0x3  }
0xa6: {  	v1 =	vadd.f32 v1, v2  }
0xa7: {  	v0 =	vadd.f32 v0, v2  }
0xa8: {  	[tilespmem:s30+$0xFFFFCD50] =	vst v1  }
0xa9: {  	[tilespmem:s30+$0xFFFFFF50] =	vst v0;
	v0 =	vld [tilespmem:s30+$0xFFFFCD60]  }
0xaa: {  	v2 =	vld [tilespmem:s29+$0x50]  }
0xab: {  	v1 =	vld [tilespmem:s30+$0xFFFFFF60];
	_ =	sdelay $0x3  }
0xac: {  	v0 =	vadd.f32 v0, v2  }
0xad: {  	v1 =	vadd.f32 v1, v2  }
0xae: {  	[tilespmem:s30+$0xFFFFCD60] =	vst v0  }
0xaf: {  	[tilespmem:s30+$0xFFFFFF60] =	vst v1;
	v1 =	vld [tilespmem:s30+$0xFFFFCD70]  }
0xb0: {  	v2 =	vld [tilespmem:s29+$0x60]  }
0xb1: {  	v0 =	vld [tilespmem:s30+$0xFFFFFF70];
	_ =	sdelay $0x3  }
0xb2: {  	v1 =	vadd.f32 v1, v2  }
0xb3: {  	v0 =	vadd.f32 v0, v2  }
0xb4: {  	[tilespmem:s30+$0xFFFFCD70] =	vst v1  }
0xb5: {  	[tilespmem:s30+$0xFFFFFF70] =	vst v0;
	v0 =	vld [tilespmem:s30+$0xFFFFCD80]  }
0xb6: {  	v2 =	vld [tilespmem:s29+$0x70]  }
0xb7: {  	v1 =	vld [tilespmem:s30+$0xFFFFFF80];
	_ =	sdelay $0x3  }
0xb8: {  	v0 =	vadd.f32 v0, v2  }
0xb9: {  	v1 =	vadd.f32 v1, v2  }
0xba: {  	[tilespmem:s30+$0xFFFFCD80] =	vst v0  }
0xbb: {  	[tilespmem:s30+$0xFFFFFF80] =	vst v1;
	v1 =	vld [tilespmem:s30+$0xFFFFCD90]  }
0xbc: {  	v2 =	vld [tilespmem:s29+$0x80]  }
0xbd: {  	v0 =	vld [tilespmem:s30+$0xFFFFFF90];
	_ =	sdelay $0x3  }
0xbe: {  	v1 =	vadd.f32 v1, v2  }
0xbf: {  	v0 =	vadd.f32 v0, v2  }
0xc0: {  	[tilespmem:s30+$0xFFFFCD90] =	vst v1  }
0xc1: {  	[tilespmem:s30+$0xFFFFFF90] =	vst v0;
	v0 =	vld [tilespmem:s30+$0xFFFFCDA0]  }
0xc2: {  	v2 =	vld [tilespmem:s29+$0x90]  }
0xc3: {  	v1 =	vld [tilespmem:s30+$0xFFFFFFA0];
	_ =	sdelay $0x3  }
0xc4: {  	v0 =	vadd.f32 v0, v2  }
0xc5: {  	v1 =	vadd.f32 v1, v2  }
0xc6: {  	[tilespmem:s30+$0xFFFFCDA0] =	vst v0  }
0xc7: {  	[tilespmem:s30+$0xFFFFFFA0] =	vst v1;
	v1 =	vld [tilespmem:s30+$0xFFFFCDB0]  }
0xc8: {  	v2 =	vld [tilespmem:s29+$0xA0]  }
0xc9: {  	v0 =	vld [tilespmem:s30+$0xFFFFFFB0];
	_ =	sdelay $0x3  }
0xca: {  	v1 =	vadd.f32 v1, v2  }
0xcb: {  	v0 =	vadd.f32 v0, v2  }
0xcc: {  	[tilespmem:s30+$0xFFFFCDB0] =	vst v1  }
0xcd: {  	[tilespmem:s30+$0xFFFFFFB0] =	vst v0;
	v0 =	vld [tilespmem:s30+$0xFFFFCDC0]  }
0xce: {  	v1 =	vld [tilespmem:s29+$0xB0]  }
0xcf: {  	v2 =	vld [tilespmem:s30+$0xFFFFFFC0];
	_ =	sdelay $0x3  }
0xd0: {  	v3 =	vadd.f32 v0, v1  }
0xd1: {  	v2 =	vadd.f32 v2, v1;
	v0 =	vld [tilespmem:s30+$0xFFFFFFF0]  }
0xd2: {  	v1 =	vld [tilespmem:s30+$0xFFFFCDD0];
	[tilespmem:s30+$0xFFFFCDC0] =	vst v3  }
0xd3: {  	s31 =	sshll.u32 s26, $0x1;
	[tilespmem:s30+$0xFFFFFFC0] =	vst v2;
	v2 =	vld [tilespmem:s30+$0xFFFFFFD0]  }
0xd4: {  	s1 =	simm.s32 $0x97F0;
	s9 =	simm.s32 $0x0;
	s0 =	simm.s32 $0x12D00;
	v3 =	vld [tilespmem:s29+$0xC0]  }
.LBB2_3:
0xd5: {  	_ =	sdelay $0x2  }
0xd6: {  	s9 =	sadd.s32 $0x8, s9;
	s30 =	sadd.s32 $0x200, s30;
	s29 =	sadd.s32 $0x200, s29  }
0xd7: {  	p0 =	slt.u32 s9, $0xC0;
	v1 =	vadd.f32 v1, v3;
	v2 =	vadd.f32 v2, v3;
	_ =	sdelay $0x1  }
0xd8: {  	[tilespmem:s1+$0xFFFFCDD0] =	vst v1;
	v1 =	vld [tilespmem:s1+$0xFFFFCDE0]  }
0xd9: {  	[tilespmem:s1+$0xFFFFFFD0] =	vst v2;
	v2 =	vld [tilespmem:s1+$0xFFFFFFE0]  }
0xda: {  	v3 =	vld [tilespmem:s0+$0xD0];
	_ =	sdelay $0x4  }
0xdb: {  	v1 =	vadd.f32 v1, v3;
	v2 =	vadd.f32 v2, v3;
	_ =	sdelay $0x1  }
0xdc: {  	[tilespmem:s1+$0xFFFFCDE0] =	vst v1  }
0xdd: {  	[tilespmem:s1+$0xFFFFFFE0] =	vst v2;
	v1 =	vld [tilespmem:s1+$0xFFFFCDF0]  }
0xde: {  	v2 =	vld [tilespmem:s0+$0xE0];
	_ =	sdelay $0x4  }
0xdf: {  	v1 =	vadd.f32 v1, v2;
	v0 =	vadd.f32 v0, v2;
	_ =	sdelay $0x1  }
0xe0: {  	[tilespmem:s1+$0xFFFFCDF0] =	vst v1;
	v1 =	vld [tilespmem:s1+$0xFFFFCE00]  }
0xe1: {  	[tilespmem:s1+$0xFFFFFFF0] =	vst v0;
	v0 =	vld [tilespmem:s1+$0x0]  }
0xe2: {  	v2 =	vld [tilespmem:s0+$0xF0];
	s0 =	smov.u32 s29;
	_ =	sdelay $0x4  }
0xe3: {  	v1 =	vadd.f32 v1, v2;
	v0 =	vadd.f32 v0, v2;
	_ =	sdelay $0x1  }
0xe4: {  	[tilespmem:s1+$0xFFFFCE00] =	vst v1  }
0xe5: {  	v1 =	vld [tilespmem:s30+$0xFFFFFE10];
	[tilespmem:s1+$0x0] =	vst v0;
	s1 =	smov.u32 s30  }
0xe6: {  	v0 =	vld [tilespmem:s29+$0xFFFFFF00]  }
0xe7: {  	v2 =	vld [tilespmem:s30+$0xFFFFCC10];
	_ =	sdelay $0x3  }
0xe8: {  	v1 =	vadd.f32 v1, v0  }
0xe9: {  	v0 =	vadd.f32 v2, v0  }
0xea: {  	[tilespmem:s30+$0xFFFFFE10] =	vst v1;
	v1 =	vld [tilespmem:s30+$0xFFFFFE20]  }
0xeb: {  	[tilespmem:s30+$0xFFFFCC10] =	vst v0;
	v0 =	vld [tilespmem:s30+$0xFFFFCC20]  }
0xec: {  	v2 =	vld [tilespmem:s29+$0xFFFFFF10];
	_ =	sdelay $0x4  }
0xed: {  	v0 =	vadd.f32 v0, v2;
	v1 =	vadd.f32 v1, v2;
	_ =	sdelay $0x1  }
0xee: {  	[tilespmem:s30+$0xFFFFCC20] =	vst v0;
	v0 =	vld [tilespmem:s30+$0xFFFFFE30]  }
0xef: {  	[tilespmem:s30+$0xFFFFFE20] =	vst v1;
	v1 =	vld [tilespmem:s30+$0xFFFFCC30]  }
0xf0: {  	v2 =	vld [tilespmem:s29+$0xFFFFFF20];
	_ =	sdelay $0x4  }
0xf1: {  	v1 =	vadd.f32 v1, v2;
	v0 =	vadd.f32 v0, v2;
	_ =	sdelay $0x1  }
0xf2: {  	[tilespmem:s30+$0xFFFFCC30] =	vst v1;
	v1 =	vld [tilespmem:s30+$0xFFFFFE40]  }
0xf3: {  	[tilespmem:s30+$0xFFFFFE30] =	vst v0;
	v0 =	vld [tilespmem:s30+$0xFFFFCC40]  }
0xf4: {  	v2 =	vld [tilespmem:s29+$0xFFFFFF30];
	_ =	sdelay $0x4  }
0xf5: {  	v0 =	vadd.f32 v0, v2;
	v1 =	vadd.f32 v1, v2;
	_ =	sdelay $0x1  }
0xf6: {  	[tilespmem:s30+$0xFFFFCC40] =	vst v0;
	v0 =	vld [tilespmem:s30+$0xFFFFFE50]  }
0xf7: {  	[tilespmem:s30+$0xFFFFFE40] =	vst v1;
	v1 =	vld [tilespmem:s30+$0xFFFFCC50]  }
0xf8: {  	v2 =	vld [tilespmem:s29+$0xFFFFFF40];
	_ =	sdelay $0x4  }
0xf9: {  	v1 =	vadd.f32 v1, v2;
	v0 =	vadd.f32 v0, v2;
	_ =	sdelay $0x1  }
0xfa: {  	[tilespmem:s30+$0xFFFFCC50] =	vst v1;
	v1 =	vld [tilespmem:s30+$0xFFFFFE60]  }
0xfb: {  	[tilespmem:s30+$0xFFFFFE50] =	vst v0;
	v0 =	vld [tilespmem:s30+$0xFFFFCC60]  }
0xfc: {  	v2 =	vld [tilespmem:s29+$0xFFFFFF50];
	_ =	sdelay $0x4  }
0xfd: {  	v0 =	vadd.f32 v0, v2;
	v1 =	vadd.f32 v1, v2;
	_ =	sdelay $0x1  }
0xfe: {  	[tilespmem:s30+$0xFFFFCC60] =	vst v0;
	v0 =	vld [tilespmem:s30+$0xFFFFFE70]  }
0xff: {  	[tilespmem:s30+$0xFFFFFE60] =	vst v1;
	v1 =	vld [tilespmem:s30+$0xFFFFCC70]  }
0x100: {  	v2 =	vld [tilespmem:s29+$0xFFFFFF60];
	_ =	sdelay $0x4  }
0x101: {  	v1 =	vadd.f32 v1, v2;
	v0 =	vadd.f32 v0, v2;
	_ =	sdelay $0x1  }
0x102: {  	[tilespmem:s30+$0xFFFFCC70] =	vst v1;
	v1 =	vld [tilespmem:s30+$0xFFFFFE80]  }
0x103: {  	[tilespmem:s30+$0xFFFFFE70] =	vst v0;
	v0 =	vld [tilespmem:s30+$0xFFFFCC80]  }
0x104: {  	v2 =	vld [tilespmem:s29+$0xFFFFFF70];
	_ =	sdelay $0x4  }
0x105: {  	v0 =	vadd.f32 v0, v2;
	v1 =	vadd.f32 v1, v2;
	_ =	sdelay $0x1  }
0x106: {  	[tilespmem:s30+$0xFFFFCC80] =	vst v0;
	v0 =	vld [tilespmem:s30+$0xFFFFFE90]  }
0x107: {  	[tilespmem:s30+$0xFFFFFE80] =	vst v1;
	v1 =	vld [tilespmem:s30+$0xFFFFCC90]  }
0x108: {  	v2 =	vld [tilespmem:s29+$0xFFFFFF80];
	_ =	sdelay $0x4  }
0x109: {  	v1 =	vadd.f32 v1, v2;
	v0 =	vadd.f32 v0, v2;
	_ =	sdelay $0x1  }
0x10a: {  	[tilespmem:s30+$0xFFFFCC90] =	vst v1;
	v1 =	vld [tilespmem:s30+$0xFFFFFEA0]  }
0x10b: {  	[tilespmem:s30+$0xFFFFFE90] =	vst v0;
	v0 =	vld [tilespmem:s30+$0xFFFFCCA0]  }
0x10c: {  	v2 =	vld [tilespmem:s29+$0xFFFFFF90];
	_ =	sdelay $0x4  }
0x10d: {  	v0 =	vadd.f32 v0, v2;
	v1 =	vadd.f32 v1, v2;
	_ =	sdelay $0x1  }
0x10e: {  	[tilespmem:s30+$0xFFFFCCA0] =	vst v0;
	v0 =	vld [tilespmem:s30+$0xFFFFFEB0]  }
0x10f: {  	[tilespmem:s30+$0xFFFFFEA0] =	vst v1;
	v1 =	vld [tilespmem:s30+$0xFFFFCCB0]  }
0x110: {  	v2 =	vld [tilespmem:s29+$0xFFFFFFA0];
	_ =	sdelay $0x4  }
0x111: {  	v1 =	vadd.f32 v1, v2;
	v0 =	vadd.f32 v0, v2;
	_ =	sdelay $0x1  }
0x112: {  	[tilespmem:s30+$0xFFFFCCB0] =	vst v1;
	v1 =	vld [tilespmem:s30+$0xFFFFFEC0]  }
0x113: {  	[tilespmem:s30+$0xFFFFFEB0] =	vst v0;
	v0 =	vld [tilespmem:s30+$0xFFFFCCC0]  }
0x114: {  	v2 =	vld [tilespmem:s29+$0xFFFFFFB0];
	_ =	sdelay $0x4  }
0x115: {  	v0 =	vadd.f32 v0, v2;
	v1 =	vadd.f32 v1, v2;
	_ =	sdelay $0x1  }
0x116: {  	[tilespmem:s30+$0xFFFFCCC0] =	vst v0;
	v0 =	vld [tilespmem:s30+$0xFFFFFED0]  }
0x117: {  	[tilespmem:s30+$0xFFFFFEC0] =	vst v1;
	v1 =	vld [tilespmem:s30+$0xFFFFCCD0]  }
0x118: {  	v2 =	vld [tilespmem:s29+$0xFFFFFFC0];
	_ =	sdelay $0x4  }
0x119: {  	v1 =	vadd.f32 v1, v2;
	v0 =	vadd.f32 v0, v2;
	_ =	sdelay $0x1  }
0x11a: {  	[tilespmem:s30+$0xFFFFCCD0] =	vst v1;
	v1 =	vld [tilespmem:s30+$0xFFFFFEE0]  }
0x11b: {  	[tilespmem:s30+$0xFFFFFED0] =	vst v0;
	v0 =	vld [tilespmem:s30+$0xFFFFCCE0]  }
0x11c: {  	v2 =	vld [tilespmem:s29+$0xFFFFFFD0];
	_ =	sdelay $0x4  }
0x11d: {  	v0 =	vadd.f32 v0, v2;
	v1 =	vadd.f32 v1, v2;
	_ =	sdelay $0x1  }
0x11e: {  	[tilespmem:s30+$0xFFFFCCE0] =	vst v0;
	v0 =	vld [tilespmem:s30+$0xFFFFFEF0]  }
0x11f: {  	[tilespmem:s30+$0xFFFFFEE0] =	vst v1;
	v1 =	vld [tilespmem:s30+$0xFFFFCCF0]  }
0x120: {  	v2 =	vld [tilespmem:s29+$0xFFFFFFE0];
	_ =	sdelay $0x4  }
0x121: {  	v1 =	vadd.f32 v1, v2;
	v0 =	vadd.f32 v0, v2;
	_ =	sdelay $0x1  }
0x122: {  	[tilespmem:s30+$0xFFFFCCF0] =	vst v1;
	v1 =	vld [tilespmem:s30+$0xFFFFFF00]  }
0x123: {  	[tilespmem:s30+$0xFFFFFEF0] =	vst v0;
	v0 =	vld [tilespmem:s30+$0xFFFFCD00]  }
0x124: {  	v2 =	vld [tilespmem:s29+$0xFFFFFFF0];
	_ =	sdelay $0x4  }
0x125: {  	v0 =	vadd.f32 v0, v2;
	v1 =	vadd.f32 v1, v2;
	_ =	sdelay $0x1  }
0x126: {  	[tilespmem:s30+$0xFFFFCD00] =	vst v0;
	v0 =	vld [tilespmem:s30+$0xFFFFFF10]  }
0x127: {  	[tilespmem:s30+$0xFFFFFF00] =	vst v1;
	v1 =	vld [tilespmem:s30+$0xFFFFCD10]  }
0x128: {  	v2 =	vld [tilespmem:s29+$0x0];
	_ =	sdelay $0x4  }
0x129: {  	v1 =	vadd.f32 v1, v2;
	v0 =	vadd.f32 v0, v2;
	_ =	sdelay $0x1  }
0x12a: {  	[tilespmem:s30+$0xFFFFCD10] =	vst v1;
	v1 =	vld [tilespmem:s30+$0xFFFFFF20]  }
0x12b: {  	[tilespmem:s30+$0xFFFFFF10] =	vst v0;
	v0 =	vld [tilespmem:s30+$0xFFFFCD20]  }
0x12c: {  	v2 =	vld [tilespmem:s29+$0x10];
	_ =	sdelay $0x4  }
0x12d: {  	v0 =	vadd.f32 v0, v2;
	v1 =	vadd.f32 v1, v2;
	_ =	sdelay $0x1  }
0x12e: {  	[tilespmem:s30+$0xFFFFCD20] =	vst v0;
	v0 =	vld [tilespmem:s30+$0xFFFFFF30]  }
0x12f: {  	[tilespmem:s30+$0xFFFFFF20] =	vst v1;
	v1 =	vld [tilespmem:s30+$0xFFFFCD30]  }
0x130: {  	v2 =	vld [tilespmem:s29+$0x20];
	_ =	sdelay $0x4  }
0x131: {  	v1 =	vadd.f32 v1, v2;
	v0 =	vadd.f32 v0, v2;
	_ =	sdelay $0x1  }
0x132: {  	[tilespmem:s30+$0xFFFFCD30] =	vst v1;
	v1 =	vld [tilespmem:s30+$0xFFFFFF40]  }
0x133: {  	[tilespmem:s30+$0xFFFFFF30] =	vst v0;
	v0 =	vld [tilespmem:s30+$0xFFFFCD40]  }
0x134: {  	v2 =	vld [tilespmem:s29+$0x30];
	_ =	sdelay $0x4  }
0x135: {  	v0 =	vadd.f32 v0, v2;
	v1 =	vadd.f32 v1, v2;
	_ =	sdelay $0x1  }
0x136: {  	[tilespmem:s30+$0xFFFFCD40] =	vst v0;
	v0 =	vld [tilespmem:s30+$0xFFFFFF50]  }
0x137: {  	[tilespmem:s30+$0xFFFFFF40] =	vst v1;
	v1 =	vld [tilespmem:s30+$0xFFFFCD50]  }
0x138: {  	v2 =	vld [tilespmem:s29+$0x40];
	_ =	sdelay $0x4  }
0x139: {  	v1 =	vadd.f32 v1, v2;
	v0 =	vadd.f32 v0, v2;
	_ =	sdelay $0x1  }
0x13a: {  	[tilespmem:s30+$0xFFFFCD50] =	vst v1;
	v1 =	vld [tilespmem:s30+$0xFFFFFF60]  }
0x13b: {  	[tilespmem:s30+$0xFFFFFF50] =	vst v0;
	v0 =	vld [tilespmem:s30+$0xFFFFCD60]  }
0x13c: {  	v2 =	vld [tilespmem:s29+$0x50];
	_ =	sdelay $0x4  }
0x13d: {  	v0 =	vadd.f32 v0, v2;
	v1 =	vadd.f32 v1, v2;
	_ =	sdelay $0x1  }
0x13e: {  	[tilespmem:s30+$0xFFFFCD60] =	vst v0;
	v0 =	vld [tilespmem:s30+$0xFFFFFF70]  }
0x13f: {  	[tilespmem:s30+$0xFFFFFF60] =	vst v1;
	v1 =	vld [tilespmem:s30+$0xFFFFCD70]  }
0x140: {  	v2 =	vld [tilespmem:s29+$0x60];
	_ =	sdelay $0x4  }
0x141: {  	v1 =	vadd.f32 v1, v2;
	v0 =	vadd.f32 v0, v2;
	_ =	sdelay $0x1  }
0x142: {  	[tilespmem:s30+$0xFFFFCD70] =	vst v1;
	v1 =	vld [tilespmem:s30+$0xFFFFFF80]  }
0x143: {  	[tilespmem:s30+$0xFFFFFF70] =	vst v0;
	v0 =	vld [tilespmem:s30+$0xFFFFCD80]  }
0x144: {  	v2 =	vld [tilespmem:s29+$0x70];
	_ =	sdelay $0x4  }
0x145: {  	v0 =	vadd.f32 v0, v2;
	v1 =	vadd.f32 v1, v2;
	_ =	sdelay $0x1  }
0x146: {  	[tilespmem:s30+$0xFFFFCD80] =	vst v0;
	v0 =	vld [tilespmem:s30+$0xFFFFFF90]  }
0x147: {  	[tilespmem:s30+$0xFFFFFF80] =	vst v1;
	v1 =	vld [tilespmem:s30+$0xFFFFCD90]  }
0x148: {  	v2 =	vld [tilespmem:s29+$0x80];
	_ =	sdelay $0x4  }
0x149: {  	v1 =	vadd.f32 v1, v2;
	v0 =	vadd.f32 v0, v2;
	_ =	sdelay $0x1  }
0x14a: {  	[tilespmem:s30+$0xFFFFCD90] =	vst v1;
	v1 =	vld [tilespmem:s30+$0xFFFFFFA0]  }
0x14b: {  	[tilespmem:s30+$0xFFFFFF90] =	vst v0;
	v0 =	vld [tilespmem:s30+$0xFFFFCDA0]  }
0x14c: {  	v2 =	vld [tilespmem:s29+$0x90];
	_ =	sdelay $0x4  }
0x14d: {  	v0 =	vadd.f32 v0, v2;
	v1 =	vadd.f32 v1, v2;
	_ =	sdelay $0x1  }
0x14e: {  	[tilespmem:s30+$0xFFFFCDA0] =	vst v0;
	v0 =	vld [tilespmem:s30+$0xFFFFFFB0]  }
0x14f: {  	[tilespmem:s30+$0xFFFFFFA0] =	vst v1;
	v1 =	vld [tilespmem:s30+$0xFFFFCDB0]  }
0x150: {  	v2 =	vld [tilespmem:s29+$0xA0];
	_ =	sdelay $0x4  }
0x151: {  	v1 =	vadd.f32 v1, v2;
	v2 =	vadd.f32 v0, v2  }
0x152: {  	v3 =	vld [tilespmem:s30+$0xFFFFFFC0]  }
0x153: {  	[tilespmem:s30+$0xFFFFCDB0] =	vst v1;
	v0 =	vld [tilespmem:s30+$0xFFFFFFF0]  }
0x154: {  	[tilespmem:s30+$0xFFFFFFB0] =	vst v2;
	v1 =	vld [tilespmem:s30+$0xFFFFCDC0]  }
0x155: {  	v2 =	vld [tilespmem:s29+$0xB0];
	_ =	sdelay $0x4  }
.Ltmp0:
0x156: {  	v1 =	vadd.f32 v1, v2;
	v2 =	vadd.f32 v3, v2;
	(pc) =	sbr.rel @p0 .LBB2_3-.Ltmp0, $4  }
0x157: {  	_ = 	snop  }
0x158: {  	[tilespmem:s30+$0xFFFFCDC0] =	vst v1;
	v1 =	vld [tilespmem:s30+$0xFFFFCDD0]  }
0x159: {  	[tilespmem:s30+$0xFFFFFFC0] =	vst v2;
	v2 =	vld [tilespmem:s30+$0xFFFFFFD0]  }
0x15a: {  	v3 =	vld [tilespmem:s29+$0xC0]  }
0x15b: {  	_ =	sdelay $0x3  }
0x15c: {  	v1 =	vadd.f32 v1, v3  }
0x15d: {  	v2 =	vadd.f32 v2, v3  }
0x15e: {  	[tilespmem:s1+$0xFFFFCDD0] =	vst v1  }
0x15f: {  	v1 =	vld [tilespmem:s1+$0xFFFFCDE0];
	[tilespmem:s1+$0xFFFFFFD0] =	vst v2  }
0x160: {  	v2 =	vld [tilespmem:s0+$0xD0]  }
0x161: {  	v3 =	vld [tilespmem:s1+$0xFFFFFFE0];
	_ =	sdelay $0x3  }
0x162: {  	v1 =	vadd.f32 v1, v2  }
0x163: {  	v2 =	vadd.f32 v3, v2  }
0x164: {  	[tilespmem:s1+$0xFFFFCDE0] =	vst v1  }
0x165: {  	[tilespmem:s1+$0xFFFFFFE0] =	vst v2;
	v1 =	vld [tilespmem:s1+$0xFFFFCDF0]  }
0x166: {  	v2 =	vld [tilespmem:s0+$0xE0];
	_ =	sdelay $0x4  }
0x167: {  	v1 =	vadd.f32 v1, v2  }
0x168: {  	v0 =	vadd.f32 v0, v2  }
0x169: {  	[tilespmem:s1+$0xFFFFCDF0] =	vst v1  }
0x16a: {  	v1 =	vld [tilespmem:s1+$0xFFFFCE00];
	[tilespmem:s1+$0xFFFFFFF0] =	vst v0  }
0x16b: {  	v0 =	vld [tilespmem:s0+$0xF0]  }
0x16c: {  	v2 =	vld [tilespmem:s1+$0x0];
	_ =	sdelay $0x2  }
0x16d: {  	s9 =	sshll.u32 s26, $0x2  }
0x16e: {  	s0 =	sadd.s32 s4, s9;
	v1 =	vadd.f32 v1, v0  }
0x16f: {  	s0 =	smul.u32 $0x640, s0;
	v0 =	vadd.f32 v2, v0  }
0x170: {  	[tilespmem:s1+$0xFFFFCE00] =	vst v1  }
0x171: {  	s9 =	smin.u32 s31, $0x3D;
	s0 =	sadd.s32 s2, s0;
	[tilespmem:s1+$0x0] =	vst v0  }
0x172: {  	[hbm4b:s0+s3] =	stream.linear.scatter [tilespmem:s12], [sflag:$0x3], $0x6400, $0x38;
	[tilespmem:$0x15E00] =	vst v63  }
0x173: {  	s0 =	smul.u32 $0x640, s9  }
0x174: {  	_ =	swait.ge [sflag:s10], $0x6400  }
0x175: {  	[sflag:s10] =	ssyncset.done $0x0;
	s0 =	sshrl.u32 s0, $0x2  }
0x176: {  	[sflag:s10] =	ssyncadd.s32 $0xFFFF9C00;
	s31 =	sadd.s32 $0x320, s0  }
0x177: {  	[tilespmem:s12], [sflag:$0x1] =	stream.indirect.gather [hbm4b:s6+s11], $0x40, s31, s11, $0xb8;
	[tilespmem:$0x15E00] =	vst v63  }
0x178: {  	s9 =	sadd.s32 $0x388, s0  }
0x179: {  	[tilespmem:s14], [sflag:$0x1] =	stream.indirect.gather [hbm4b:s6+s13], $0x40, s9, s13, $0xb8;
	[tilespmem:$0x15E00] =	vst v63  }
0x17a: {  	s31 =	sadd.s32 $0x3E8, s0  }
0x17b: {  	[tilespmem:s16], [sflag:$0x1] =	stream.indirect.gather [hbm4b:s6+s11], $0x40, s31, s11, $0xb8;
	[tilespmem:$0x15E00] =	vst v63  }
0x17c: {  	s0 =	sadd.s32 $0x450, s0  }
0x17d: {  	[tilespmem:s18], [sflag:$0x1] =	stream.indirect.gather [hbm4b:s6+s13], $0x40, s0, s13, $0xb8;
	[tilespmem:$0x15E00] =	vst v63  }
0x17e: {  	_ =	swait.ge [sflag:s24], $0x6400  }
0x17f: {  	[sflag:s24] =	ssyncset.done $0x0  }
0x180: {  	s29 =	simm.s32 $0x12D00;
	[sflag:s24] =	ssyncadd.s32 $0xFFFF9C00  }
0x181: {  	s30 =	simm.s32 $0xFBF0;
	v0 =	vld [tilespmem:s29+$0xFFFFFF00]  }
0x182: {  	v1 =	vld [tilespmem:s30+$0xFFFFCC10]  }
0x183: {  	v2 =	vld [tilespmem:s30+$0xFFFFFE10];
	_ =	sdelay $0x3  }
0x184: {  	v1 =	vadd.f32 v1, v0  }
0x185: {  	v0 =	vadd.f32 v2, v0  }
0x186: {  	[tilespmem:s30+$0xFFFFCC10] =	vst v1  }
0x187: {  	[tilespmem:s30+$0xFFFFFE10] =	vst v0;
	v0 =	vld [tilespmem:s30+$0xFFFFCC20]  }
0x188: {  	v1 =	vld [tilespmem:s29+$0xFFFFFF10]  }
0x189: {  	v2 =	vld [tilespmem:s30+$0xFFFFFE20];
	_ =	sdelay $0x3  }
0x18a: {  	v0 =	vadd.f32 v0, v1  }
0x18b: {  	v1 =	vadd.f32 v2, v1  }
0x18c: {  	[tilespmem:s30+$0xFFFFCC20] =	vst v0  }
0x18d: {  	[tilespmem:s30+$0xFFFFFE20] =	vst v1;
	v1 =	vld [tilespmem:s30+$0xFFFFCC30]  }
0x18e: {  	v2 =	vld [tilespmem:s29+$0xFFFFFF20]  }
0x18f: {  	v0 =	vld [tilespmem:s30+$0xFFFFFE30];
	_ =	sdelay $0x3  }
0x190: {  	v1 =	vadd.f32 v1, v2  }
0x191: {  	v0 =	vadd.f32 v0, v2  }
0x192: {  	[tilespmem:s30+$0xFFFFCC30] =	vst v1  }
0x193: {  	[tilespmem:s30+$0xFFFFFE30] =	vst v0;
	v0 =	vld [tilespmem:s30+$0xFFFFCC40]  }
0x194: {  	v2 =	vld [tilespmem:s29+$0xFFFFFF30]  }
0x195: {  	v1 =	vld [tilespmem:s30+$0xFFFFFE40];
	_ =	sdelay $0x3  }
0x196: {  	v0 =	vadd.f32 v0, v2  }
0x197: {  	v1 =	vadd.f32 v1, v2  }
0x198: {  	[tilespmem:s30+$0xFFFFCC40] =	vst v0  }
0x199: {  	[tilespmem:s30+$0xFFFFFE40] =	vst v1;
	v1 =	vld [tilespmem:s30+$0xFFFFCC50]  }
0x19a: {  	v2 =	vld [tilespmem:s29+$0xFFFFFF40]  }
0x19b: {  	v0 =	vld [tilespmem:s30+$0xFFFFFE50];
	_ =	sdelay $0x3  }
0x19c: {  	v1 =	vadd.f32 v1, v2  }
0x19d: {  	v0 =	vadd.f32 v0, v2  }
0x19e: {  	[tilespmem:s30+$0xFFFFCC50] =	vst v1  }
0x19f: {  	[tilespmem:s30+$0xFFFFFE50] =	vst v0;
	v0 =	vld [tilespmem:s30+$0xFFFFCC60]  }
0x1a0: {  	v2 =	vld [tilespmem:s29+$0xFFFFFF50]  }
0x1a1: {  	v1 =	vld [tilespmem:s30+$0xFFFFFE60];
	_ =	sdelay $0x3  }
0x1a2: {  	v0 =	vadd.f32 v0, v2  }
0x1a3: {  	v1 =	vadd.f32 v1, v2  }
0x1a4: {  	[tilespmem:s30+$0xFFFFCC60] =	vst v0  }
0x1a5: {  	[tilespmem:s30+$0xFFFFFE60] =	vst v1;
	v1 =	vld [tilespmem:s30+$0xFFFFCC70]  }
0x1a6: {  	v2 =	vld [tilespmem:s29+$0xFFFFFF60]  }
0x1a7: {  	v0 =	vld [tilespmem:s30+$0xFFFFFE70];
	_ =	sdelay $0x3  }
0x1a8: {  	v1 =	vadd.f32 v1, v2  }
0x1a9: {  	v0 =	vadd.f32 v0, v2  }
0x1aa: {  	[tilespmem:s30+$0xFFFFCC70] =	vst v1  }
0x1ab: {  	[tilespmem:s30+$0xFFFFFE70] =	vst v0;
	v0 =	vld [tilespmem:s30+$0xFFFFCC80]  }
0x1ac: {  	v2 =	vld [tilespmem:s29+$0xFFFFFF70]  }
0x1ad: {  	v1 =	vld [tilespmem:s30+$0xFFFFFE80];
	_ =	sdelay $0x3  }
0x1ae: {  	v0 =	vadd.f32 v0, v2  }
0x1af: {  	v1 =	vadd.f32 v1, v2  }
0x1b0: {  	[tilespmem:s30+$0xFFFFCC80] =	vst v0  }
0x1b1: {  	[tilespmem:s30+$0xFFFFFE80] =	vst v1;
	v1 =	vld [tilespmem:s30+$0xFFFFCC90]  }
0x1b2: {  	v2 =	vld [tilespmem:s29+$0xFFFFFF80]  }
0x1b3: {  	v0 =	vld [tilespmem:s30+$0xFFFFFE90];
	_ =	sdelay $0x3  }
0x1b4: {  	v1 =	vadd.f32 v1, v2  }
0x1b5: {  	v0 =	vadd.f32 v0, v2  }
0x1b6: {  	[tilespmem:s30+$0xFFFFCC90] =	vst v1  }
0x1b7: {  	[tilespmem:s30+$0xFFFFFE90] =	vst v0;
	v0 =	vld [tilespmem:s30+$0xFFFFCCA0]  }
0x1b8: {  	v2 =	vld [tilespmem:s29+$0xFFFFFF90]  }
0x1b9: {  	v1 =	vld [tilespmem:s30+$0xFFFFFEA0];
	_ =	sdelay $0x3  }
0x1ba: {  	v0 =	vadd.f32 v0, v2  }
0x1bb: {  	v1 =	vadd.f32 v1, v2  }
0x1bc: {  	[tilespmem:s30+$0xFFFFCCA0] =	vst v0  }
0x1bd: {  	[tilespmem:s30+$0xFFFFFEA0] =	vst v1;
	v1 =	vld [tilespmem:s30+$0xFFFFCCB0]  }
0x1be: {  	v2 =	vld [tilespmem:s29+$0xFFFFFFA0]  }
0x1bf: {  	v0 =	vld [tilespmem:s30+$0xFFFFFEB0];
	_ =	sdelay $0x3  }
0x1c0: {  	v1 =	vadd.f32 v1, v2  }
0x1c1: {  	v0 =	vadd.f32 v0, v2  }
0x1c2: {  	[tilespmem:s30+$0xFFFFCCB0] =	vst v1  }
0x1c3: {  	[tilespmem:s30+$0xFFFFFEB0] =	vst v0;
	v0 =	vld [tilespmem:s30+$0xFFFFCCC0]  }
0x1c4: {  	v2 =	vld [tilespmem:s29+$0xFFFFFFB0]  }
0x1c5: {  	v1 =	vld [tilespmem:s30+$0xFFFFFEC0];
	_ =	sdelay $0x3  }
0x1c6: {  	v0 =	vadd.f32 v0, v2  }
0x1c7: {  	v1 =	vadd.f32 v1, v2  }
0x1c8: {  	[tilespmem:s30+$0xFFFFCCC0] =	vst v0  }
0x1c9: {  	[tilespmem:s30+$0xFFFFFEC0] =	vst v1;
	v1 =	vld [tilespmem:s30+$0xFFFFCCD0]  }
0x1ca: {  	v2 =	vld [tilespmem:s29+$0xFFFFFFC0]  }
0x1cb: {  	v0 =	vld [tilespmem:s30+$0xFFFFFED0];
	_ =	sdelay $0x3  }
0x1cc: {  	v1 =	vadd.f32 v1, v2  }
0x1cd: {  	v0 =	vadd.f32 v0, v2  }
0x1ce: {  	[tilespmem:s30+$0xFFFFCCD0] =	vst v1  }
0x1cf: {  	[tilespmem:s30+$0xFFFFFED0] =	vst v0;
	v0 =	vld [tilespmem:s30+$0xFFFFCCE0]  }
0x1d0: {  	v2 =	vld [tilespmem:s29+$0xFFFFFFD0]  }
0x1d1: {  	v1 =	vld [tilespmem:s30+$0xFFFFFEE0];
	_ =	sdelay $0x3  }
0x1d2: {  	v0 =	vadd.f32 v0, v2  }
0x1d3: {  	v1 =	vadd.f32 v1, v2  }
0x1d4: {  	[tilespmem:s30+$0xFFFFCCE0] =	vst v0  }
0x1d5: {  	[tilespmem:s30+$0xFFFFFEE0] =	vst v1;
	v1 =	vld [tilespmem:s30+$0xFFFFCCF0]  }
0x1d6: {  	v2 =	vld [tilespmem:s29+$0xFFFFFFE0]  }
0x1d7: {  	v0 =	vld [tilespmem:s30+$0xFFFFFEF0];
	_ =	sdelay $0x3  }
0x1d8: {  	v1 =	vadd.f32 v1, v2  }
0x1d9: {  	v0 =	vadd.f32 v0, v2  }
0x1da: {  	[tilespmem:s30+$0xFFFFCCF0] =	vst v1  }
0x1db: {  	[tilespmem:s30+$0xFFFFFEF0] =	vst v0;
	v0 =	vld [tilespmem:s30+$0xFFFFCD00]  }
0x1dc: {  	v2 =	vld [tilespmem:s29+$0xFFFFFFF0]  }
0x1dd: {  	v1 =	vld [tilespmem:s30+$0xFFFFFF00];
	_ =	sdelay $0x3  }
0x1de: {  	v0 =	vadd.f32 v0, v2  }
0x1df: {  	v1 =	vadd.f32 v1, v2  }
0x1e0: {  	[tilespmem:s30+$0xFFFFCD00] =	vst v0  }
0x1e1: {  	[tilespmem:s30+$0xFFFFFF00] =	vst v1;
	v1 =	vld [tilespmem:s30+$0xFFFFCD10]  }
0x1e2: {  	v2 =	vld [tilespmem:s29+$0x0]  }
0x1e3: {  	v0 =	vld [tilespmem:s30+$0xFFFFFF10];
	_ =	sdelay $0x3  }
0x1e4: {  	v1 =	vadd.f32 v1, v2  }
0x1e5: {  	v0 =	vadd.f32 v0, v2  }
0x1e6: {  	[tilespmem:s30+$0xFFFFCD10] =	vst v1  }
0x1e7: {  	[tilespmem:s30+$0xFFFFFF10] =	vst v0;
	v0 =	vld [tilespmem:s30+$0xFFFFCD20]  }
0x1e8: {  	v2 =	vld [tilespmem:s29+$0x10]  }
0x1e9: {  	v1 =	vld [tilespmem:s30+$0xFFFFFF20];
	_ =	sdelay $0x3  }
0x1ea: {  	v0 =	vadd.f32 v0, v2  }
0x1eb: {  	v1 =	vadd.f32 v1, v2  }
0x1ec: {  	[tilespmem:s30+$0xFFFFCD20] =	vst v0  }
0x1ed: {  	[tilespmem:s30+$0xFFFFFF20] =	vst v1;
	v1 =	vld [tilespmem:s30+$0xFFFFCD30]  }
0x1ee: {  	v2 =	vld [tilespmem:s29+$0x20]  }
0x1ef: {  	v0 =	vld [tilespmem:s30+$0xFFFFFF30];
	_ =	sdelay $0x3  }
0x1f0: {  	v1 =	vadd.f32 v1, v2  }
0x1f1: {  	v0 =	vadd.f32 v0, v2  }
0x1f2: {  	[tilespmem:s30+$0xFFFFCD30] =	vst v1  }
0x1f3: {  	[tilespmem:s30+$0xFFFFFF30] =	vst v0;
	v0 =	vld [tilespmem:s30+$0xFFFFCD40]  }
0x1f4: {  	v2 =	vld [tilespmem:s29+$0x30]  }
0x1f5: {  	v1 =	vld [tilespmem:s30+$0xFFFFFF40];
	_ =	sdelay $0x3  }
0x1f6: {  	v0 =	vadd.f32 v0, v2  }
0x1f7: {  	v1 =	vadd.f32 v1, v2  }
0x1f8: {  	[tilespmem:s30+$0xFFFFCD40] =	vst v0  }
0x1f9: {  	[tilespmem:s30+$0xFFFFFF40] =	vst v1;
	v1 =	vld [tilespmem:s30+$0xFFFFCD50]  }
0x1fa: {  	v2 =	vld [tilespmem:s29+$0x40]  }
0x1fb: {  	v0 =	vld [tilespmem:s30+$0xFFFFFF50];
	_ =	sdelay $0x3  }
0x1fc: {  	v1 =	vadd.f32 v1, v2  }
0x1fd: {  	v0 =	vadd.f32 v0, v2  }
0x1fe: {  	[tilespmem:s30+$0xFFFFCD50] =	vst v1  }
0x1ff: {  	[tilespmem:s30+$0xFFFFFF50] =	vst v0;
	v0 =	vld [tilespmem:s30+$0xFFFFCD60]  }
0x200: {  	v2 =	vld [tilespmem:s29+$0x50]  }
0x201: {  	v1 =	vld [tilespmem:s30+$0xFFFFFF60];
	_ =	sdelay $0x3  }
0x202: {  	v0 =	vadd.f32 v0, v2  }
0x203: {  	v1 =	vadd.f32 v1, v2  }
0x204: {  	[tilespmem:s30+$0xFFFFCD60] =	vst v0  }
0x205: {  	[tilespmem:s30+$0xFFFFFF60] =	vst v1;
	v1 =	vld [tilespmem:s30+$0xFFFFCD70]  }
0x206: {  	v2 =	vld [tilespmem:s29+$0x60]  }
0x207: {  	v0 =	vld [tilespmem:s30+$0xFFFFFF70];
	_ =	sdelay $0x3  }
0x208: {  	v1 =	vadd.f32 v1, v2  }
0x209: {  	v0 =	vadd.f32 v0, v2  }
0x20a: {  	[tilespmem:s30+$0xFFFFCD70] =	vst v1  }
0x20b: {  	[tilespmem:s30+$0xFFFFFF70] =	vst v0;
	v0 =	vld [tilespmem:s30+$0xFFFFCD80]  }
0x20c: {  	v2 =	vld [tilespmem:s29+$0x70]  }
0x20d: {  	v1 =	vld [tilespmem:s30+$0xFFFFFF80];
	_ =	sdelay $0x3  }
0x20e: {  	v0 =	vadd.f32 v0, v2  }
0x20f: {  	v1 =	vadd.f32 v1, v2  }
0x210: {  	[tilespmem:s30+$0xFFFFCD80] =	vst v0  }
0x211: {  	[tilespmem:s30+$0xFFFFFF80] =	vst v1;
	v1 =	vld [tilespmem:s30+$0xFFFFCD90]  }
0x212: {  	v2 =	vld [tilespmem:s29+$0x80]  }
0x213: {  	v0 =	vld [tilespmem:s30+$0xFFFFFF90];
	_ =	sdelay $0x3  }
0x214: {  	v1 =	vadd.f32 v1, v2  }
0x215: {  	v0 =	vadd.f32 v0, v2  }
0x216: {  	[tilespmem:s30+$0xFFFFCD90] =	vst v1  }
0x217: {  	[tilespmem:s30+$0xFFFFFF90] =	vst v0;
	v0 =	vld [tilespmem:s30+$0xFFFFCDA0]  }
0x218: {  	v2 =	vld [tilespmem:s29+$0x90]  }
0x219: {  	v1 =	vld [tilespmem:s30+$0xFFFFFFA0];
	_ =	sdelay $0x3  }
0x21a: {  	v0 =	vadd.f32 v0, v2  }
0x21b: {  	v1 =	vadd.f32 v1, v2  }
0x21c: {  	[tilespmem:s30+$0xFFFFCDA0] =	vst v0  }
0x21d: {  	[tilespmem:s30+$0xFFFFFFA0] =	vst v1;
	v1 =	vld [tilespmem:s30+$0xFFFFCDB0]  }
0x21e: {  	v2 =	vld [tilespmem:s29+$0xA0]  }
0x21f: {  	v0 =	vld [tilespmem:s30+$0xFFFFFFB0];
	_ =	sdelay $0x3  }
0x220: {  	v1 =	vadd.f32 v1, v2  }
0x221: {  	v0 =	vadd.f32 v0, v2  }
0x222: {  	[tilespmem:s30+$0xFFFFCDB0] =	vst v1  }
0x223: {  	[tilespmem:s30+$0xFFFFFFB0] =	vst v0;
	v0 =	vld [tilespmem:s30+$0xFFFFCDC0]  }
0x224: {  	v1 =	vld [tilespmem:s29+$0xB0]  }
0x225: {  	v2 =	vld [tilespmem:s30+$0xFFFFFFC0];
	_ =	sdelay $0x3  }
0x226: {  	v3 =	vadd.f32 v0, v1  }
0x227: {  	v2 =	vadd.f32 v2, v1;
	v0 =	vld [tilespmem:s30+$0xFFFFFFF0]  }
0x228: {  	v1 =	vld [tilespmem:s30+$0xFFFFCDD0];
	[tilespmem:s30+$0xFFFFCDC0] =	vst v3  }
0x229: {  	[tilespmem:s30+$0xFFFFFFC0] =	vst v2;
	v2 =	vld [tilespmem:s30+$0xFFFFFFD0]  }
0x22a: {  	s1 =	simm.s32 $0xFBF0;
	s9 =	simm.s32 $0x0;
	s0 =	simm.s32 $0x12D00;
	v3 =	vld [tilespmem:s29+$0xC0]  }
.LBB2_5:
0x22b: {  	_ =	sdelay $0x2  }
0x22c: {  	s9 =	sadd.s32 $0x8, s9;
	s30 =	sadd.s32 $0x200, s30;
	s29 =	sadd.s32 $0x200, s29  }
0x22d: {  	p0 =	slt.u32 s9, $0xC0;
	v1 =	vadd.f32 v1, v3;
	v2 =	vadd.f32 v2, v3;
	_ =	sdelay $0x1  }
0x22e: {  	[tilespmem:s1+$0xFFFFCDD0] =	vst v1;
	v1 =	vld [tilespmem:s1+$0xFFFFCDE0]  }
0x22f: {  	[tilespmem:s1+$0xFFFFFFD0] =	vst v2;
	v2 =	vld [tilespmem:s1+$0xFFFFFFE0]  }
0x230: {  	v3 =	vld [tilespmem:s0+$0xD0];
	_ =	sdelay $0x4  }
0x231: {  	v1 =	vadd.f32 v1, v3;
	v2 =	vadd.f32 v2, v3;
	_ =	sdelay $0x1  }
0x232: {  	[tilespmem:s1+$0xFFFFCDE0] =	vst v1  }
0x233: {  	[tilespmem:s1+$0xFFFFFFE0] =	vst v2;
	v1 =	vld [tilespmem:s1+$0xFFFFCDF0]  }
0x234: {  	v2 =	vld [tilespmem:s0+$0xE0];
	_ =	sdelay $0x4  }
0x235: {  	v1 =	vadd.f32 v1, v2;
	v0 =	vadd.f32 v0, v2;
	_ =	sdelay $0x1  }
0x236: {  	[tilespmem:s1+$0xFFFFCDF0] =	vst v1;
	v1 =	vld [tilespmem:s1+$0xFFFFCE00]  }
0x237: {  	[tilespmem:s1+$0xFFFFFFF0] =	vst v0;
	v0 =	vld [tilespmem:s1+$0x0]  }
0x238: {  	v2 =	vld [tilespmem:s0+$0xF0];
	s0 =	smov.u32 s29;
	_ =	sdelay $0x4  }
0x239: {  	v1 =	vadd.f32 v1, v2;
	v0 =	vadd.f32 v0, v2;
	_ =	sdelay $0x1  }
0x23a: {  	[tilespmem:s1+$0xFFFFCE00] =	vst v1  }
0x23b: {  	v1 =	vld [tilespmem:s30+$0xFFFFFE10];
	[tilespmem:s1+$0x0] =	vst v0;
	s1 =	smov.u32 s30  }
0x23c: {  	v0 =	vld [tilespmem:s29+$0xFFFFFF00]  }
0x23d: {  	v2 =	vld [tilespmem:s30+$0xFFFFCC10];
	_ =	sdelay $0x3  }
0x23e: {  	v1 =	vadd.f32 v1, v0  }
0x23f: {  	v0 =	vadd.f32 v2, v0  }
0x240: {  	[tilespmem:s30+$0xFFFFFE10] =	vst v1;
	v1 =	vld [tilespmem:s30+$0xFFFFFE20]  }
0x241: {  	[tilespmem:s30+$0xFFFFCC10] =	vst v0;
	v0 =	vld [tilespmem:s30+$0xFFFFCC20]  }
0x242: {  	v2 =	vld [tilespmem:s29+$0xFFFFFF10];
	_ =	sdelay $0x4  }
0x243: {  	v0 =	vadd.f32 v0, v2;
	v1 =	vadd.f32 v1, v2;
	_ =	sdelay $0x1  }
0x244: {  	[tilespmem:s30+$0xFFFFCC20] =	vst v0;
	v0 =	vld [tilespmem:s30+$0xFFFFFE30]  }
0x245: {  	[tilespmem:s30+$0xFFFFFE20] =	vst v1;
	v1 =	vld [tilespmem:s30+$0xFFFFCC30]  }
0x246: {  	v2 =	vld [tilespmem:s29+$0xFFFFFF20];
	_ =	sdelay $0x4  }
0x247: {  	v1 =	vadd.f32 v1, v2;
	v0 =	vadd.f32 v0, v2;
	_ =	sdelay $0x1  }
0x248: {  	[tilespmem:s30+$0xFFFFCC30] =	vst v1;
	v1 =	vld [tilespmem:s30+$0xFFFFFE40]  }
0x249: {  	[tilespmem:s30+$0xFFFFFE30] =	vst v0;
	v0 =	vld [tilespmem:s30+$0xFFFFCC40]  }
0x24a: {  	v2 =	vld [tilespmem:s29+$0xFFFFFF30];
	_ =	sdelay $0x4  }
0x24b: {  	v0 =	vadd.f32 v0, v2;
	v1 =	vadd.f32 v1, v2;
	_ =	sdelay $0x1  }
0x24c: {  	[tilespmem:s30+$0xFFFFCC40] =	vst v0;
	v0 =	vld [tilespmem:s30+$0xFFFFFE50]  }
0x24d: {  	[tilespmem:s30+$0xFFFFFE40] =	vst v1;
	v1 =	vld [tilespmem:s30+$0xFFFFCC50]  }
0x24e: {  	v2 =	vld [tilespmem:s29+$0xFFFFFF40];
	_ =	sdelay $0x4  }
0x24f: {  	v1 =	vadd.f32 v1, v2;
	v0 =	vadd.f32 v0, v2;
	_ =	sdelay $0x1  }
0x250: {  	[tilespmem:s30+$0xFFFFCC50] =	vst v1;
	v1 =	vld [tilespmem:s30+$0xFFFFFE60]  }
0x251: {  	[tilespmem:s30+$0xFFFFFE50] =	vst v0;
	v0 =	vld [tilespmem:s30+$0xFFFFCC60]  }
0x252: {  	v2 =	vld [tilespmem:s29+$0xFFFFFF50];
	_ =	sdelay $0x4  }
0x253: {  	v0 =	vadd.f32 v0, v2;
	v1 =	vadd.f32 v1, v2;
	_ =	sdelay $0x1  }
0x254: {  	[tilespmem:s30+$0xFFFFCC60] =	vst v0;
	v0 =	vld [tilespmem:s30+$0xFFFFFE70]  }
0x255: {  	[tilespmem:s30+$0xFFFFFE60] =	vst v1;
	v1 =	vld [tilespmem:s30+$0xFFFFCC70]  }
0x256: {  	v2 =	vld [tilespmem:s29+$0xFFFFFF60];
	_ =	sdelay $0x4  }
0x257: {  	v1 =	vadd.f32 v1, v2;
	v0 =	vadd.f32 v0, v2;
	_ =	sdelay $0x1  }
0x258: {  	[tilespmem:s30+$0xFFFFCC70] =	vst v1;
	v1 =	vld [tilespmem:s30+$0xFFFFFE80]  }
0x259: {  	[tilespmem:s30+$0xFFFFFE70] =	vst v0;
	v0 =	vld [tilespmem:s30+$0xFFFFCC80]  }
0x25a: {  	v2 =	vld [tilespmem:s29+$0xFFFFFF70];
	_ =	sdelay $0x4  }
0x25b: {  	v0 =	vadd.f32 v0, v2;
	v1 =	vadd.f32 v1, v2;
	_ =	sdelay $0x1  }
0x25c: {  	[tilespmem:s30+$0xFFFFCC80] =	vst v0;
	v0 =	vld [tilespmem:s30+$0xFFFFFE90]  }
0x25d: {  	[tilespmem:s30+$0xFFFFFE80] =	vst v1;
	v1 =	vld [tilespmem:s30+$0xFFFFCC90]  }
0x25e: {  	v2 =	vld [tilespmem:s29+$0xFFFFFF80];
	_ =	sdelay $0x4  }
0x25f: {  	v1 =	vadd.f32 v1, v2;
	v0 =	vadd.f32 v0, v2;
	_ =	sdelay $0x1  }
0x260: {  	[tilespmem:s30+$0xFFFFCC90] =	vst v1;
	v1 =	vld [tilespmem:s30+$0xFFFFFEA0]  }
0x261: {  	[tilespmem:s30+$0xFFFFFE90] =	vst v0;
	v0 =	vld [tilespmem:s30+$0xFFFFCCA0]  }
0x262: {  	v2 =	vld [tilespmem:s29+$0xFFFFFF90];
	_ =	sdelay $0x4  }
0x263: {  	v0 =	vadd.f32 v0, v2;
	v1 =	vadd.f32 v1, v2;
	_ =	sdelay $0x1  }
0x264: {  	[tilespmem:s30+$0xFFFFCCA0] =	vst v0;
	v0 =	vld [tilespmem:s30+$0xFFFFFEB0]  }
0x265: {  	[tilespmem:s30+$0xFFFFFEA0] =	vst v1;
	v1 =	vld [tilespmem:s30+$0xFFFFCCB0]  }
0x266: {  	v2 =	vld [tilespmem:s29+$0xFFFFFFA0];
	_ =	sdelay $0x4  }
0x267: {  	v1 =	vadd.f32 v1, v2;
	v0 =	vadd.f32 v0, v2;
	_ =	sdelay $0x1  }
0x268: {  	[tilespmem:s30+$0xFFFFCCB0] =	vst v1;
	v1 =	vld [tilespmem:s30+$0xFFFFFEC0]  }
0x269: {  	[tilespmem:s30+$0xFFFFFEB0] =	vst v0;
	v0 =	vld [tilespmem:s30+$0xFFFFCCC0]  }
0x26a: {  	v2 =	vld [tilespmem:s29+$0xFFFFFFB0];
	_ =	sdelay $0x4  }
0x26b: {  	v0 =	vadd.f32 v0, v2;
	v1 =	vadd.f32 v1, v2;
	_ =	sdelay $0x1  }
0x26c: {  	[tilespmem:s30+$0xFFFFCCC0] =	vst v0;
	v0 =	vld [tilespmem:s30+$0xFFFFFED0]  }
0x26d: {  	[tilespmem:s30+$0xFFFFFEC0] =	vst v1;
	v1 =	vld [tilespmem:s30+$0xFFFFCCD0]  }
0x26e: {  	v2 =	vld [tilespmem:s29+$0xFFFFFFC0];
	_ =	sdelay $0x4  }
0x26f: {  	v1 =	vadd.f32 v1, v2;
	v0 =	vadd.f32 v0, v2;
	_ =	sdelay $0x1  }
0x270: {  	[tilespmem:s30+$0xFFFFCCD0] =	vst v1;
	v1 =	vld [tilespmem:s30+$0xFFFFFEE0]  }
0x271: {  	[tilespmem:s30+$0xFFFFFED0] =	vst v0;
	v0 =	vld [tilespmem:s30+$0xFFFFCCE0]  }
0x272: {  	v2 =	vld [tilespmem:s29+$0xFFFFFFD0];
	_ =	sdelay $0x4  }
0x273: {  	v0 =	vadd.f32 v0, v2;
	v1 =	vadd.f32 v1, v2;
	_ =	sdelay $0x1  }
0x274: {  	[tilespmem:s30+$0xFFFFCCE0] =	vst v0;
	v0 =	vld [tilespmem:s30+$0xFFFFFEF0]  }
0x275: {  	[tilespmem:s30+$0xFFFFFEE0] =	vst v1;
	v1 =	vld [tilespmem:s30+$0xFFFFCCF0]  }
0x276: {  	v2 =	vld [tilespmem:s29+$0xFFFFFFE0];
	_ =	sdelay $0x4  }
0x277: {  	v1 =	vadd.f32 v1, v2;
	v0 =	vadd.f32 v0, v2;
	_ =	sdelay $0x1  }
0x278: {  	[tilespmem:s30+$0xFFFFCCF0] =	vst v1;
	v1 =	vld [tilespmem:s30+$0xFFFFFF00]  }
0x279: {  	[tilespmem:s30+$0xFFFFFEF0] =	vst v0;
	v0 =	vld [tilespmem:s30+$0xFFFFCD00]  }
0x27a: {  	v2 =	vld [tilespmem:s29+$0xFFFFFFF0];
	_ =	sdelay $0x4  }
0x27b: {  	v0 =	vadd.f32 v0, v2;
	v1 =	vadd.f32 v1, v2;
	_ =	sdelay $0x1  }
0x27c: {  	[tilespmem:s30+$0xFFFFCD00] =	vst v0;
	v0 =	vld [tilespmem:s30+$0xFFFFFF10]  }
0x27d: {  	[tilespmem:s30+$0xFFFFFF00] =	vst v1;
	v1 =	vld [tilespmem:s30+$0xFFFFCD10]  }
0x27e: {  	v2 =	vld [tilespmem:s29+$0x0];
	_ =	sdelay $0x4  }
0x27f: {  	v1 =	vadd.f32 v1, v2;
	v0 =	vadd.f32 v0, v2;
	_ =	sdelay $0x1  }
0x280: {  	[tilespmem:s30+$0xFFFFCD10] =	vst v1;
	v1 =	vld [tilespmem:s30+$0xFFFFFF20]  }
0x281: {  	[tilespmem:s30+$0xFFFFFF10] =	vst v0;
	v0 =	vld [tilespmem:s30+$0xFFFFCD20]  }
0x282: {  	v2 =	vld [tilespmem:s29+$0x10];
	_ =	sdelay $0x4  }
0x283: {  	v0 =	vadd.f32 v0, v2;
	v1 =	vadd.f32 v1, v2;
	_ =	sdelay $0x1  }
0x284: {  	[tilespmem:s30+$0xFFFFCD20] =	vst v0;
	v0 =	vld [tilespmem:s30+$0xFFFFFF30]  }
0x285: {  	[tilespmem:s30+$0xFFFFFF20] =	vst v1;
	v1 =	vld [tilespmem:s30+$0xFFFFCD30]  }
0x286: {  	v2 =	vld [tilespmem:s29+$0x20];
	_ =	sdelay $0x4  }
0x287: {  	v1 =	vadd.f32 v1, v2;
	v0 =	vadd.f32 v0, v2;
	_ =	sdelay $0x1  }
0x288: {  	[tilespmem:s30+$0xFFFFCD30] =	vst v1;
	v1 =	vld [tilespmem:s30+$0xFFFFFF40]  }
0x289: {  	[tilespmem:s30+$0xFFFFFF30] =	vst v0;
	v0 =	vld [tilespmem:s30+$0xFFFFCD40]  }
0x28a: {  	v2 =	vld [tilespmem:s29+$0x30];
	_ =	sdelay $0x4  }
0x28b: {  	v0 =	vadd.f32 v0, v2;
	v1 =	vadd.f32 v1, v2;
	_ =	sdelay $0x1  }
0x28c: {  	[tilespmem:s30+$0xFFFFCD40] =	vst v0;
	v0 =	vld [tilespmem:s30+$0xFFFFFF50]  }
0x28d: {  	[tilespmem:s30+$0xFFFFFF40] =	vst v1;
	v1 =	vld [tilespmem:s30+$0xFFFFCD50]  }
0x28e: {  	v2 =	vld [tilespmem:s29+$0x40];
	_ =	sdelay $0x4  }
0x28f: {  	v1 =	vadd.f32 v1, v2;
	v0 =	vadd.f32 v0, v2;
	_ =	sdelay $0x1  }
0x290: {  	[tilespmem:s30+$0xFFFFCD50] =	vst v1;
	v1 =	vld [tilespmem:s30+$0xFFFFFF60]  }
0x291: {  	[tilespmem:s30+$0xFFFFFF50] =	vst v0;
	v0 =	vld [tilespmem:s30+$0xFFFFCD60]  }
0x292: {  	v2 =	vld [tilespmem:s29+$0x50];
	_ =	sdelay $0x4  }
0x293: {  	v0 =	vadd.f32 v0, v2;
	v1 =	vadd.f32 v1, v2;
	_ =	sdelay $0x1  }
0x294: {  	[tilespmem:s30+$0xFFFFCD60] =	vst v0;
	v0 =	vld [tilespmem:s30+$0xFFFFFF70]  }
0x295: {  	[tilespmem:s30+$0xFFFFFF60] =	vst v1;
	v1 =	vld [tilespmem:s30+$0xFFFFCD70]  }
0x296: {  	v2 =	vld [tilespmem:s29+$0x60];
	_ =	sdelay $0x4  }
0x297: {  	v1 =	vadd.f32 v1, v2;
	v0 =	vadd.f32 v0, v2;
	_ =	sdelay $0x1  }
0x298: {  	[tilespmem:s30+$0xFFFFCD70] =	vst v1;
	v1 =	vld [tilespmem:s30+$0xFFFFFF80]  }
0x299: {  	[tilespmem:s30+$0xFFFFFF70] =	vst v0;
	v0 =	vld [tilespmem:s30+$0xFFFFCD80]  }
0x29a: {  	v2 =	vld [tilespmem:s29+$0x70];
	_ =	sdelay $0x4  }
0x29b: {  	v0 =	vadd.f32 v0, v2;
	v1 =	vadd.f32 v1, v2;
	_ =	sdelay $0x1  }
0x29c: {  	[tilespmem:s30+$0xFFFFCD80] =	vst v0;
	v0 =	vld [tilespmem:s30+$0xFFFFFF90]  }
0x29d: {  	[tilespmem:s30+$0xFFFFFF80] =	vst v1;
	v1 =	vld [tilespmem:s30+$0xFFFFCD90]  }
0x29e: {  	v2 =	vld [tilespmem:s29+$0x80];
	_ =	sdelay $0x4  }
0x29f: {  	v1 =	vadd.f32 v1, v2;
	v0 =	vadd.f32 v0, v2;
	_ =	sdelay $0x1  }
0x2a0: {  	[tilespmem:s30+$0xFFFFCD90] =	vst v1;
	v1 =	vld [tilespmem:s30+$0xFFFFFFA0]  }
0x2a1: {  	[tilespmem:s30+$0xFFFFFF90] =	vst v0;
	v0 =	vld [tilespmem:s30+$0xFFFFCDA0]  }
0x2a2: {  	v2 =	vld [tilespmem:s29+$0x90];
	_ =	sdelay $0x4  }
0x2a3: {  	v0 =	vadd.f32 v0, v2;
	v1 =	vadd.f32 v1, v2;
	_ =	sdelay $0x1  }
0x2a4: {  	[tilespmem:s30+$0xFFFFCDA0] =	vst v0;
	v0 =	vld [tilespmem:s30+$0xFFFFFFB0]  }
0x2a5: {  	[tilespmem:s30+$0xFFFFFFA0] =	vst v1;
	v1 =	vld [tilespmem:s30+$0xFFFFCDB0]  }
0x2a6: {  	v2 =	vld [tilespmem:s29+$0xA0];
	_ =	sdelay $0x4  }
0x2a7: {  	v1 =	vadd.f32 v1, v2;
	v2 =	vadd.f32 v0, v2  }
0x2a8: {  	v3 =	vld [tilespmem:s30+$0xFFFFFFC0]  }
0x2a9: {  	[tilespmem:s30+$0xFFFFCDB0] =	vst v1;
	v0 =	vld [tilespmem:s30+$0xFFFFFFF0]  }
0x2aa: {  	[tilespmem:s30+$0xFFFFFFB0] =	vst v2;
	v1 =	vld [tilespmem:s30+$0xFFFFCDC0]  }
0x2ab: {  	v2 =	vld [tilespmem:s29+$0xB0];
	_ =	sdelay $0x4  }
.Ltmp1:
0x2ac: {  	v1 =	vadd.f32 v1, v2;
	v2 =	vadd.f32 v3, v2;
	(pc) =	sbr.rel @p0 .LBB2_5-.Ltmp1, $4  }
0x2ad: {  	_ = 	snop  }
0x2ae: {  	[tilespmem:s30+$0xFFFFCDC0] =	vst v1;
	v1 =	vld [tilespmem:s30+$0xFFFFCDD0]  }
0x2af: {  	[tilespmem:s30+$0xFFFFFFC0] =	vst v2;
	v2 =	vld [tilespmem:s30+$0xFFFFFFD0]  }
0x2b0: {  	v3 =	vld [tilespmem:s29+$0xC0]  }
0x2b1: {  	_ =	sdelay $0x3  }
0x2b2: {  	v1 =	vadd.f32 v1, v3  }
0x2b3: {  	v2 =	vadd.f32 v2, v3  }
0x2b4: {  	[tilespmem:s1+$0xFFFFCDD0] =	vst v1  }
0x2b5: {  	v59 =	vld [tilespmem:s1+$0xFFFFCDE0];
	[tilespmem:s1+$0xFFFFFFD0] =	vst v2  }
0x2b6: {  	v2 =	vld [tilespmem:s0+$0xD0]  }
0x2b7: {  	v60 =	vld [tilespmem:s1+$0xFFFFFFE0];
	_ =	sdelay $0x3  }
0x2b8: {  	v1 =	vadd.f32 v59, v2  }
0x2b9: {  	v2 =	vadd.f32 v60, v2  }
0x2ba: {  	[tilespmem:s1+$0xFFFFCDE0] =	vst v1  }
0x2bb: {  	v61 =	vld [tilespmem:s1+$0xFFFFCDF0];
	[tilespmem:s1+$0xFFFFFFE0] =	vst v2  }
0x2bc: {  	v2 =	vld [tilespmem:s0+$0xE0];
	_ =	sdelay $0x4  }
0x2bd: {  	v1 =	vadd.f32 v61, v2  }
0x2be: {  	v0 =	vadd.f32 v0, v2  }
0x2bf: {  	[tilespmem:s1+$0xFFFFCDF0] =	vst v1  }
0x2c0: {  	v62 =	vld [tilespmem:s1+$0xFFFFCE00];
	[tilespmem:s1+$0xFFFFFFF0] =	vst v0  }
0x2c1: {  	v0 =	vld [tilespmem:s0+$0xF0]  }
0x2c2: {  	v63 =	vld [tilespmem:s1+$0x0];
	_ =	sdelay $0x2  }
0x2c3: {  	s31 =	sshll.u32 s28, $0x1  }
0x2c4: {  	s0 =	sadd.s32 s4, s31;
	v1 =	vadd.f32 v62, v0  }
0x2c5: {  	s26 =	sadd.s32 $0x1, s26;
	s0 =	smul.u32 $0x640, s0;
	v0 =	vadd.f32 v63, v0  }
0x2c6: {  	p0 =	sne.s32 s26, $0x20;
	[tilespmem:s1+$0xFFFFCE00] =	vst v1  }
.Ltmp2:
0x2c7: {  	s0 =	sadd.s32 s2, s0;
	[tilespmem:s1+$0x0] =	vst v0;
	(pc) =	sbr.rel @p0 .LBB2_2-.Ltmp2, $4  }
0x2c8: {  	[hbm4b:s0+s3] =	stream.linear.scatter [tilespmem:s19], [sflag:$0x3], $0x6400, $0x38;
	[tilespmem:$0x15E00] =	vst v63  }
0x2c9: {  	_ =	swait.ge [sflag:s10], $0x6400  }
0x2ca: {  	[sflag:s10] =	ssyncset.done $0x0  }
0x2cb: {  	[sflag:s10] =	ssyncadd.s32 $0xFFFF9C00  }
0x2cc: {  	s25 =	sadd.s32 $0x1, s25  }
0x2cd: {  	p0 =	sne.s32 s25, s8  }
.Ltmp3:
0x2ce: {  	_ = 	snop;
	(pc) =	sbr.rel @p0 .LBB2_1-.Ltmp3, $4  }
0x2cf: {  	_ = 	snop  }
0x2d0: {  	_ =	swait.ge [sflag:s23], $0x6400  }
0x2d1: {  	[sflag:s23] =	ssyncset.done $0x0  }
0x2d2: {  	[sflag:s23] =	ssyncadd.s32 $0xFFFF9C00  }
0x2d3: {  	_ =	sfence.sel $0x180000  }
0x2d4: {  	[bflag:$0x0] =	sbarrier.arrive $0xFFFF  }
0x2d5: {  	_ =	strace $0x90000047  }
0x2d6: {  	s0 =	stileid.u32;
	[bflag:$0x2] =	sbarrier.arrive $0xFFFF  }
0x2d7: {  	p0 =	sne.s32 s0, $0x0;
	s0 =	rddreg [dreg:$0x2]  }
0x2d8: {  	s0 =	sadd.s32 @!p0 $0x100000, s0  }
0x2d9: {  	[sflag:s0] =	ssyncadd.tile.s32 @!p0 $0x1;
	_ =	shalt  }
.Lfunc_end2:
_tile_overlayer_lowered:
.L_overlay_start_2:
0x2da: {  	(tag) =	ssettag $0x2  }
0x2db: {  	s0 =	rddreg [dreg:$0x0];
	s2 =	stileid.u32  }
0x2dc: {  	s1 =	rddreg [dreg:$0x1];
	p0 =	sne.s32 s2, $0x0  }
0x2dd: {  	s3 =	rddreg [dreg:$0x2];
	[bflag:$0x3] =	sbarrier.arrive $0xFFFF;
	s2 =	simm.s32 @!p0 $0x1C03  }
0x2de: {  	[timem:s3], [sflag:s2] =	dma.local @!p0 [hbm:s0], s1  }
0x2df: {  	s0 =	simm.s32 @!p0 $0x3  }
0x2e0: {  	_ =	swait.ge @!p0 [sflag:s0], s1  }
0x2e1: {  	s1 =	ssub.s32 @!p0 $0x0, s1;
	[sflag:s0] =	ssyncset.done @!p0 $0x0  }
0x2e2: {  	[sflag:s0] =	ssyncadd.s32 @!p0 s1  }
0x2e3: {  	[bflag:$0x3] =	sbarrier.arrive $0xFFFF  }
0x2e4: {  	_ =	shalt  }

// kernel: sparse-core-data-format-call.cloned.1.call-start
scs
called_computation_lowered:
.L_overlay_start_0:
0x0: {  	s2 =	sld [smem:$0x3FD9]  }
0x1: {  	s3 =	sld [smem:$0x3FFE];
	_ =	sdelay $0x1  }
0x2: {  	s1 =	srdreg.scid  }
0x3: {  	s0 =	sand.u32 $0x1, s1  }
0x4: {  	s18 =	sshll.u32 s0, $0xA;
	s2 =	sadd.s32 s3, s2  }
0x5: {  	s2 =	sadd.s32 s2, s18  }
0x6: {  	[smem:$0x3FC6] =	sst s2  }
0x7: {  	_ = 	snop  }
0x8: {  	s2 =	sld [smem:$0x3FD0];
	(tm) =	ssettm $0x1  }
0x9: {  	s19 =	sld [smem:$0x3FFB];
	_ =	sdelay $0x3  }
0xa: {  	_ =	strace s19  }
0xb: {  	s3 =	sld [smem:$0x3FFC];
	_ =	sdelay $0x3  }
0xc: {  	_ =	strace s3  }
0xd: {  	s3 =	sld [smem:$0x3FFD];
	_ =	sdelay $0x3  }
0xe: {  	_ =	strace s3  }
0xf: {  	_ =	strace $0x8FFFFFFF  }
0x10: {  	s20 =	sld [smem:$0x3FDB];
	_ =	sdelay $0x1  }
0x11: {  	s4 =	simm.s32 $_scs_section_size  }
0x12: {  	s5 =	simm.s32 $_size__tile_overlayer_lowered;
	s6 =	simm.s32 $_tile_overlayer_lowered  }
0x13: {  	s23 =	simm.s32 $0x1BFF;
	s22 =	sshll.u32 s6, $0x1;
	s3 =	sadd.s32 s4, s20  }
0x14: {  	s7 =	simm.s32 $0x0;
	s21 =	sshll.u32 s5, $0x1;
	s5 =	sadd.s32 s22, s3  }
0x15: {  	[timem:s7], [sflag:s23] =	dma.local [hbm:s5], s21  }
0x16: {  	_ =	swait.ge [sflag:s23], s21  }
0x17: {  	s4 =	ssub.s32 $0x0, s21;
	[sflag:s23] =	ssyncset.done $0x0  }
0x18: {  	[sflag:s23] =	ssyncadd.s32 s4;
	_ =	sdelay $0x1  }
0x19: {  	s24 =	simm.s32 $0x1B8B  }
0x1a: {  	_ =	swait.ge [sflag:s24], $0x1  }
0x1b: {  	[sflag:s24] =	ssyncset.done $0x0  }
0x1c: {  	s26 =	simm.s32 $0x1B8E;
	s25 =	sld [smem:$0x3FFE];
	[sflag:s24] =	ssyncadd.s32 $0xFFFFFFFF  }
0x1d: {  	s27 =	simm.s32 $execute0_lowered;
	[smem:$0x3FD2] =	sst s26  }
0x1e: {  	s5 =	sshll.u32 s27, $0x1;
	_ =	strace $0x80000049;
	[dreg:$0x1] =	wrdreg $0xFFFFFFFF  }
0x1f: {  	s28 =	simm.s32 $_size_execute0_lowered;
	s3 =	sadd.s32 s3, s5;
	[dreg:$0x0] =	wrdreg $0x0  }
0x20: {  	s5 =	sshll.u32 s28, $0x1;
	[dreg:$0x2] =	wrdreg s3  }
0x21: {  	[dreg:$0x3] =	wrdreg s5  }
0x22: {  	[dreg:$0x4] =	wrdreg $0xC0  }
0x23: {  	_ =	task [dreg:s7], $0x5FFFF  }
0x24: {  	[dreg:$0x1] =	wrdreg $0xFFFFFFFF  }
0x25: {  	[dreg:$0x0] =	wrdreg $0x60  }
0x26: {  	[dreg:$0x2] =	wrdreg s25  }
0x27: {  	[dreg:$0x3] =	wrdreg s2  }
0x28: {  	[dreg:$0x4] =	wrdreg $0x9  }
0x29: {  	_ =	task.clear_ibuf [dreg:s7], $0x5FFFF;
	_ =	strace $0x90000049  }
0x2a: {  	s29 =	simm.s32 $0x9;
	_ =	strace $0x8000004B  }
0x2b: {  	_ =	swait.ge [sflag:s29], $0x1  }
0x2c: {  	[sflag:s29] =	ssyncadd.s32 $0xFFFFFFFF  }
0x2d: {  	_ =	strace $0x9000004B  }
0x2e: {  	_ =	sfence  }
0x2f: {  	s30 =	sld [smem:$0x0];
	_ =	sdelay $0x2  }
0x30: {  	s31 =	sshll.u32 s1, $0xD;
	s1 =	sshrl.u32 s1, $0x2  }
0x31: {  	s3 =	sand.u32 $0x4000, s31;
	s1 =	sadd.s32 s1, s30  }
0x32: {  	s0 =	sor.u32 s3, s0;
	s1 =	sshll.u32 s1, $0x11  }
0x33: {  	s0 =	sor.u32 s1, s0  }
0x34: {  	s0 =	sadd.s32 $0x8F2B, s0  }
0x35: {  	[sflag:s0] =	ssyncadd.remote.s32 $0x1  }
0x36: {  	_ =	sfence.sel $0xFFFF  }
0x37: {  	[dreg:$0x0] =	wrdreg $0xFFFFFFFF;
	(pc) =	sbr.abs _section_cstart, $3  }
0x38: {  	[dreg:$0x1] =	wrdreg $0xFFFFFFFF  }
0x39: {  	_ =	task.clear_ibuf [dreg:s7], $0x2FFFF;
	_ =	strace $0x9FFFFFFF  }
0x3a: {  	(tm) =	ssettm $0x7FFFFFFF  }
0x3b: {  	_ =	shalt  }
tec
execute0_lowered:
.L_overlay_start_1:
0x0: {  	(tag) =	ssettag $0x1  }
0x1: {  	s0 =	srdreg.scid  }
0x2: {  	s1 =	sshll.u32 s0, $0x4  }
0x3: {  	s0 =	stileid.u32;
	s1 =	sand.u32 $0x10, s1  }
0x4: {  	s1 =	sor.u32 s0, s1  }
0x5: {  	s6 =	rddreg [dreg:$0x0];
	s4 =	simm.s32 $0x1;
	s2 =	sshll.u32 s1, $0x7  }
0x6: {  	s7 =	simm.s32 $0x2;
	s12 =	simm.s32 $0x0;
	s1 =	ssub.s32 $0x1000, s2  }
0x7: {  	s8 =	simm.s32 $0x8000;
	s13 =	simm.s32 $0x0;
	s3 =	sand.u32 $0xF80, s1  }
0x8: {  	s9 =	simm.s32 $0x0;
	s5 =	sshrl.u32 s1, $0xC;
	p0 =	sne.s32 s3, $0x0  }
.Ltmp0:
0x9: {  	s1 =	rddreg [dreg:$0x2];
	s4 =	simm.s32 @!p0 $0x0;
	(pc) =	sbr.rel .LBB1_1-.Ltmp0, $4  }
0xa: {  	s11 =	simm.s32 $0x0;
	s3 =	rddreg [dreg:$0x1];
	s5 =	sadd.s32 s4, s5  }
0xb: {  	_ =	strace $0x8000004A;
	s4 =	simm.s32 $0x1;
	s5 =	smul.u32 $0xC8, s5  }
0xc: {  	s6 =	sadd.s32 $0x800, s6;
	s10 =	smov.u32 s2;
	[sflag:s4] =	ssyncpa.u1 $0x0  }
0xd: {  	p0 =	por $0x0, $0x0;
	[sflag:s7] =	ssyncpa.u1 $0x0;
	s7 =	sor.u32 $0x1, s5  }
.LBB1_4:
0xe: {  	s16 =	sshll.u32 s13, $0x3;
	s17 =	sand.u32 $0x78, s13  }
0xf: {  	s30 =	sand.u32 $0x7E00, s13;
	s12 =	sshll.u32 s12, $0xF;
	s16 =	sand.u32 $0xC00, s16  }
0x10: {  	[tilespmem:s15+$0x810 ss:$0x81] =	vst.msk $0xffff, v2;
	s31 =	sand.u32 $0x7, s13;
	s16 =	sor.u32 s17, s16;
	s17 =	sadd.s32 s3, s30  }
0x11: {  	[tilespmem:s15+$0x1020 ss:$0x81] =	vst.msk $0xffff, v0;
	s13 =	sshll.u32 s31, $0x12;
	s12 =	sadd.s32 s12, s17;
	s16 =	sshrl.u32 s16, $0x3  }
0x12: {  	[tilespmem:s15+$0x0 ss:$0x81] =	vst.msk $0xffff, v1;
	s13 =	sor.u32 $0x400, s13;
	s12 =	sadd.s32 s16, s12  }
0x13: {  	[hbm4b:s12+s13] =	stream.strided.scatter [tilespmem:s14], [sflag:$0x2], $0x2000, s8, s13, $0x20;
	[tilespmem:$0x8080] =	vst v63  }
.LBB1_5:
0x14: {  	s14 =	sadd.s32 $0x1, s9  }
0x15: {  	s12 =	sadd.s32 $0x1000, s10;
	s16 =	smov.u32 s10;
	p2 =	sgt.s32 s14, $0xC7  }
0x16: {  	s16 =	smov.u32 @p2 s12  }
0x17: {  	s14 =	simm.s32 @p2 $0x0;
	p2 =	sgt.s32 s16, $0xFFF  }
0x18: {  	s16 =	smov.u32 @p2 s2;
	p2 =	sne.s32 s11, s7  }
.Ltmp1:
0x19: {  	p1 =	slt.u32 s11, $0x2;
	(pc) =	sbr.rel @!p2 .LBB1_6-.Ltmp1, $4  }
0x1a: {  	s15 =	simm.s32 @!p1 $0x2  }
0x1b: {  	s13 =	smov.u32 s10;
	p0 =	por !p0, !p0;
	_ =	swait.ge @!p1 [sflag:s15], $0x2000  }
0x1c: {  	s12 =	smov.u32 s9;
	[sflag:s15] =	ssyncset.done @!p1 $0x0;
	s9 =	smov.u32 s14  }
0x1d: {  	s11 =	sadd.s32 $0x1, s11;
	[sflag:s15] =	ssyncadd.s32 @!p1 $0xFFFFE000;
	s10 =	smov.u32 s16  }
.LBB1_1:
0x1e: {  	p1 =	sge.u32 s11, s5  }
0x1f: {  	s14 =	sand.u32 @!p1 $0x1FFFFFF, s9  }
0x20: {  	s15 =	smulhi.u32 @!p1 $0x147AE15, s14;
	_ =	sdelay $0x1  }
0x21: {  	s15 =	smul.u32 @!p1 $0xC8, s15  }
0x22: {  	s16 =	sxor.u32 @!p1 $0xFFFFFFFF, s11;
	s17 =	smul.u32 @!p1 $0xC80, s10  }
0x23: {  	s31 =	sadd.s32 $0xFFFFFFFF, s11;
	s16 =	sshll.u32 @!p1 s16, $0xD;
	s14 =	ssub.s32 @!p1 s14, s15  }
0x24: {  	s15 =	sand.u32 @!p1 $0x2000, s16;
	s16 =	sadd.s32 @!p1 s6, s17;
	s14 =	sshll.u32 @!p1 s14, $0x4  }
0x25: {  	s17 =	simm.s32 @!p1 $0x6400;
	s14 =	sadd.s32 @!p1 s14, s16;
	s16 =	simm.s32 @!p1 $0x40  }
0x26: {  	[tilespmem:s15], [sflag:$0x1] =	stream.strided.gather @!p1 [hbm4b:s14+s16], $0x2000, s17, s16, $0x38;
	[tilespmem:$0x8080] =	vst v63  }
0x27: {  	p1 =	sge.u32 s31, s5  }
.Ltmp2:
0x28: {  	_ = 	snop;
	(pc) =	sbr.rel @p1 .LBB1_5-.Ltmp2, $1  }
0x29: {  	_ =	sdelay $0x3  }
0x2a: {  	s14 =	simm.s32 $0x1  }
0x2b: {  	_ =	swait.ge [sflag:s4], $0x2000;
	s14 =	simm.s32 @!p0 $0x0  }
0x2c: {  	[sflag:s4] =	ssyncset.done $0x0;
	s15 =	sshll.u32 s14, $0xD  }
0x2d: {  	[sflag:s4] =	ssyncadd.s32 $0xFFFFE000;
	s18 =	sor.u32 $0x20, s15  }
0x2e: {  	s14 =	smul.u32 $0x8100, s14;
	v3 =	vld [tilespmem:s18+$0x10]  }
0x2f: {  	s30 =	sand.u32 $0x1, s11;
	v2 =	vld [tilespmem:s18+$0xFFFFFFF0]  }
0x30: {  	s15 =	smul.u32 $0x8100, s30;
	s14 =	sshrl.u32 s14, $0x2;
	v0 =	vld [tilespmem:s18+$0x0]  }
0x31: {  	v1 =	vld [tilespmem:s18+$0xFFFFFFE0];
	s16 =	sor.u32 $0x4000, s14  }
0x32: {  	s31 =	sshrl.u32 s15, $0x2;
	s15 =	sadd.s32 $0x0, s16  }
0x33: {  	s17 =	simm.s32 $0x4;
	s18 =	sadd.s32 $0x40, s18;
	s14 =	sor.u32 $0x4000, s31;
	[tilespmem:s15+$0x1830 ss:$0x81] =	vst.msk $0xffff, v3  }
.LBB1_3:
0x34: {  	v3 =	vld [tilespmem:s18+$0x10];
	p1 =	sne.s32 s17, $0x1FC;
	[tilespmem:s15+$0x810 ss:$0x81] =	vst.msk $0xffff, v2;
	s19 =	smov.u32 s17;
	s17 =	sadd.s32 $0x4, s17  }
.Ltmp3:
0x35: {  	v2 =	vld [tilespmem:s18+$0xFFFFFFF0];
	[tilespmem:s15+$0x1020 ss:$0x81] =	vst.msk $0xffff, v0;
	(pc) =	sbr.rel @p1 .LBB1_3-.Ltmp3, $4  }
0x36: {  	v0 =	vld [tilespmem:s18+$0x0];
	[tilespmem:s15+$0x0 ss:$0x81] =	vst.msk $0xffff, v1  }
0x37: {  	s15 =	sshra.s32 s19, $0x2;
	v1 =	vld [tilespmem:s18+$0xFFFFFFE0]  }
0x38: {  	s15 =	sadd.s32 s15, s16  }
0x39: {  	s18 =	sadd.s32 $0x40, s18;
	[tilespmem:s15+$0x1830 ss:$0x81] =	vst.msk $0xffff, v3  }
.Ltmp4:
0x3a: {  	_ = 	snop;
	(pc) =	sbr.rel .LBB1_4-.Ltmp4, $1  }
0x3b: {  	_ =	sdelay $0x3  }
.LBB1_6:
0x3c: {  	_ =	sfence.sel $0x180000  }
0x3d: {  	s2 =	simm.s32 $0x1;
	[bflag:$0x0] =	sbarrier.arrive $0xFFFF  }
0x3e: {  	s31 =	simm.s32 $0x2;
	[sflag:s2] =	ssyncpa.u1 $0x1  }
0x3f: {  	[sflag:s31] =	ssyncpa.u1 $0x1  }
0x40: {  	p0 =	sne.s32 s0, $0x0;
	_ =	strace $0x9000004A  }
0x41: {  	s0 =	sadd.s32 @!p0 $0x100000, s1;
	[bflag:$0x2] =	sbarrier.arrive $0xFFFF  }
0x42: {  	[sflag:s0] =	ssyncadd.tile.s32 @!p0 $0x1;
	_ =	shalt  }
.Lfunc_end1:
_tile_overlayer_lowered:
.L_overlay_start_2:
0x43: {  	(tag) =	ssettag $0x2  }
0x44: {  	s0 =	rddreg [dreg:$0x0];
	s2 =	stileid.u32  }
0x45: {  	s1 =	rddreg [dreg:$0x1];
	p0 =	sne.s32 s2, $0x0  }
0x46: {  	s3 =	rddreg [dreg:$0x2];
	[bflag:$0x3] =	sbarrier.arrive $0xFFFF;
	s2 =	simm.s32 @!p0 $0x1C01  }
0x47: {  	[timem:s3], [sflag:s2] =	dma.local @!p0 [hbm:s0], s1  }
0x48: {  	s0 =	simm.s32 @!p0 $0x1  }
0x49: {  	_ =	swait.ge @!p0 [sflag:s0], s1  }
0x4a: {  	s1 =	ssub.s32 @!p0 $0x0, s1;
	[sflag:s0] =	ssyncset.done @!p0 $0x0  }
0x4b: {  	[sflag:s0] =	ssyncadd.s32 @!p0 s1  }
0x4c: {  	[bflag:$0x3] =	sbarrier.arrive $0xFFFF  }
0x4d: {  	_ =	shalt  }

</sc_bundles>
